<compile_context>
chip_gen: v7x
topology: tpu7x:2x2x1
jax: 0.10.2.dev20260603
libtpu: 0.0.44.dev20260713+nightly
codegen_flags: <defaults>
</compile_context>

<pallas_src>
import functools

import jax
import jax.numpy as jnp
from jax import lax
from jax.experimental import pallas as pl
from jax.experimental.pallas import tpu as pltpu
from jax.experimental.pallas import tpu_sc as plsc

N_NODES = 10000
D_IN = 128
HIDDEN = 128
EMBED = 64
NEG_SLOPE = 0.01

N_EDGES = 320000
NUM_CORES = 2
NUM_SUBCORES = 16
NW = NUM_CORES * NUM_SUBCORES
CHUNK = 128
DEG_NCHUNK = 80
MP_NCHUNK = 160
E_PAD = CHUNK * DEG_NCHUNK * NW
N_ACC = 10240
ROWS_PER_TILE = N_ACC // NUM_SUBCORES
DEG_W = 16
NBUF = 5


def _deg_body(dst_hbm, ones_hbm, zeros_hbm, out_hbm, didx, ones_v, stage, col, acc):
    c = lax.axis_index("c")
    s = lax.axis_index("s")
    w = s * NUM_CORES + c
    pltpu.sync_copy(zeros_hbm, stage)
    pltpu.sync_copy(stage, acc.at[pl.ds(s * ROWS_PER_TILE, ROWS_PER_TILE)])
    plsc.subcore_barrier()
    pltpu.sync_copy(dst_hbm.at[w], didx)
    pltpu.sync_copy(ones_hbm, ones_v)

    def body(j, carry):
        pltpu.sync_copy(ones_v, acc.at[didx.at[j]], add=True)
        return carry

    lax.fori_loop(0, DEG_NCHUNK, body, 0)
    plsc.subcore_barrier()
    sl = pl.ds(s * ROWS_PER_TILE, ROWS_PER_TILE)
    pltpu.sync_copy(acc.at[sl, pl.ds(0, 1)], col)
    pltpu.sync_copy(col, out_hbm.at[c, sl])


_deg_call = functools.partial(
    pl.kernel,
    out_type=jax.ShapeDtypeStruct((NUM_CORES, N_ACC, 1), jnp.float32),
    mesh=plsc.VectorSubcoreMesh(core_axis_name="c", subcore_axis_name="s"),
    compiler_params=pltpu.CompilerParams(use_tc_tiling_on_sc=False),
    scratch_types=[
        pltpu.VMEM((DEG_NCHUNK, CHUNK), jnp.int32),
        pltpu.VMEM((CHUNK, DEG_W), jnp.float32),
        pltpu.VMEM((ROWS_PER_TILE, DEG_W), jnp.float32),
        pltpu.VMEM((ROWS_PER_TILE, 1), jnp.float32),
        pltpu.VMEM_SHARED((N_ACC, DEG_W), jnp.float32),
    ],
)(_deg_body)


def _mp_body(rows_hbm, src_hbm, dst_hbm, zeros_hbm, out_hbm,
             sidx, didx, r0, r1, r2, r3, r4, acc, s0, s1, s2, s3, s4):
    c = lax.axis_index("c")
    s = lax.axis_index("s")
    rows = (r0, r1, r2, r3, r4)
    sems = (s0, s1, s2, s3, s4)
    pltpu.sync_copy(src_hbm.at[c, s], sidx)
    pltpu.sync_copy(dst_hbm.at[s], didx)
    for q in range(1, NBUF):
        pltpu.async_copy(rows_hbm.at[sidx.at[q - 1]], rows[q], sems[q])
    pltpu.sync_copy(zeros_hbm, r0)
    for z in range(ROWS_PER_TILE // CHUNK):
        pltpu.sync_copy(r0, acc.at[pl.ds(s * ROWS_PER_TILE + z * CHUNK, CHUNK)])
    plsc.subcore_barrier()
    pltpu.async_copy(rows_hbm.at[sidx.at[NBUF - 1]], rows[0], sems[0])

    ngroup = MP_NCHUNK // NBUF

    def group(g, carry):
        for u in range(NBUF):
            j = NBUF * g + u
            q = (u + 1) % NBUF
            pltpu.make_async_copy(rows_hbm.at[sidx.at[j]], rows[q], sems[q]).wait()
            pltpu.sync_copy(rows[q], acc.at[didx.at[j]], add=True)

            @pl.when(g < ngroup - 1)
            def _():
                pltpu.async_copy(rows_hbm.at[sidx.at[j + NBUF]], rows[q], sems[q])

        return carry

    lax.fori_loop(0, ngroup, group, 0)
    plsc.subcore_barrier()
    for z in range(ROWS_PER_TILE // CHUNK):
        sl = pl.ds(s * ROWS_PER_TILE + z * CHUNK, CHUNK)
        pltpu.async_copy(acc.at[sl], rows[z], sems[z])
    for z in range(ROWS_PER_TILE // CHUNK):
        sl = pl.ds(s * ROWS_PER_TILE + z * CHUNK, CHUNK)
        pltpu.make_async_copy(acc.at[sl], rows[z], sems[z]).wait()
        pltpu.async_copy(rows[z], out_hbm.at[c, sl], sems[z])
    for z in range(ROWS_PER_TILE // CHUNK):
        sl = pl.ds(s * ROWS_PER_TILE + z * CHUNK, CHUNK)
        pltpu.make_async_copy(rows[z], out_hbm.at[c, sl], sems[z]).wait()


def _make_mp_call(dh):
    return functools.partial(
        pl.kernel,
        out_type=jax.ShapeDtypeStruct((NUM_CORES, N_ACC, dh), jnp.float32),
        mesh=plsc.VectorSubcoreMesh(core_axis_name="c", subcore_axis_name="s"),
        compiler_params=pltpu.CompilerParams(use_tc_tiling_on_sc=False),
        scratch_types=[
            pltpu.VMEM((MP_NCHUNK, CHUNK), jnp.int32),
            pltpu.VMEM((MP_NCHUNK, CHUNK), jnp.int32),
            pltpu.VMEM((CHUNK, dh), jnp.float32),
            pltpu.VMEM((CHUNK, dh), jnp.float32),
            pltpu.VMEM((CHUNK, dh), jnp.float32),
            pltpu.VMEM((CHUNK, dh), jnp.float32),
            pltpu.VMEM((CHUNK, dh), jnp.float32),
            pltpu.VMEM_SHARED((N_ACC, dh), jnp.float32),
            pltpu.SemaphoreType.DMA,
            pltpu.SemaphoreType.DMA,
            pltpu.SemaphoreType.DMA,
            pltpu.SemaphoreType.DMA,
            pltpu.SemaphoreType.DMA,
        ],
    )(_mp_body)


_mp_call_64 = _make_mp_call(HIDDEN // 2)
_mp_call_32 = _make_mp_call(EMBED // 2)


_BLK = 1000
_GRID = N_NODES // _BLK


def _dinv_from(deg_ref):
    d = deg_ref[0] + deg_ref[1]
    return lax.rsqrt(d + 1.0)


def _tc1_body(deg_ref, x_ref, w1_ref, o_ref):
    dinv = _dinv_from(deg_ref)
    xw = jnp.dot(x_ref[...], w1_ref[...], preferred_element_type=jnp.float32)
    yw = xw * dinv
    o_ref[0] = yw[:, : HIDDEN // 2]
    o_ref[1] = yw[:, HIDDEN // 2 :]


def _tc2_body(deg_ref, acc_ref, yw_ref, b1_ref, w2_ref, o_ref):
    dinv = _dinv_from(deg_ref)
    a = jnp.concatenate([acc_ref[0], acc_ref[1]], axis=1)
    y = jnp.concatenate([yw_ref[0], yw_ref[1]], axis=1)
    h = (a + y) * dinv + b1_ref[...]
    h = jnp.where(h > 0, h, NEG_SLOPE * h)
    yw2 = jnp.dot(h, w2_ref[...], preferred_element_type=jnp.float32) * dinv
    o_ref[0] = yw2[:, : EMBED // 2]
    o_ref[1] = yw2[:, EMBED // 2 :]


def _tc3_body(deg_ref, acc_ref, yw_ref, b2_ref, w3_ref, b3_ref, o_ref):
    dinv = _dinv_from(deg_ref)
    a = jnp.concatenate([acc_ref[0], acc_ref[1]], axis=1)
    y = jnp.concatenate([yw_ref[0], yw_ref[1]], axis=1)
    h = (a + y) * dinv + b2_ref[...]
    h = jnp.where(h > 0, h, NEG_SLOPE * h)
    o_ref[...] = jnp.dot(h, w3_ref[...], preferred_element_type=jnp.float32) + b3_ref[0, 0]


def _deg_spec():
    return pl.BlockSpec((NUM_CORES, _BLK, 1), lambda i: (0, i, 0))


def _full(shape):
    return pl.BlockSpec(shape, lambda i: tuple(0 for _ in shape))


def _rows(d):
    return pl.BlockSpec((_BLK, d), lambda i: (i, 0))


def _split_spec(dh):
    return pl.BlockSpec((NUM_CORES, _BLK, dh), lambda i: (0, i, 0))


def kernel(x, edge_index, W1, b1, W2, b2, W3, b3):
    src = edge_index[0].astype(jnp.int32)
    dst = edge_index[1].astype(jnp.int32)
    pad = E_PAD - N_EDGES
    srcp = jnp.concatenate([src, jnp.zeros((pad,), jnp.int32)])
    dstp = jnp.concatenate([dst, jnp.full((pad,), N_NODES, jnp.int32)])
    dst_deg = dstp.reshape(NW, DEG_NCHUNK, CHUNK)
    src_mp = jnp.stack([srcp, srcp + N_NODES]).reshape(
        NUM_CORES, NUM_SUBCORES, MP_NCHUNK, CHUNK)
    dst_mp = dstp.reshape(NUM_SUBCORES, MP_NCHUNK, CHUNK)

    ones_deg = jnp.ones((CHUNK, DEG_W), jnp.float32)
    zeros_deg = jnp.zeros((ROWS_PER_TILE, DEG_W), jnp.float32)
    zeros64 = jnp.zeros((CHUNK, HIDDEN // 2), jnp.float32)
    zeros32 = jnp.zeros((CHUNK, EMBED // 2), jnp.float32)

    deg = _deg_call(dst_deg, ones_deg, zeros_deg)

    yw1 = pl.pallas_call(
        _tc1_body,
        grid=(_GRID,),
        in_specs=[_deg_spec(), _rows(D_IN), _full((D_IN, HIDDEN))],
        out_specs=_split_spec(HIDDEN // 2),
        out_shape=jax.ShapeDtypeStruct((NUM_CORES, N_NODES, HIDDEN // 2), jnp.float32),
    )(deg, x, W1)

    acc1 = _mp_call_64(
        yw1.reshape(NUM_CORES * N_NODES, HIDDEN // 2), src_mp, dst_mp, zeros64)

    yw2 = pl.pallas_call(
        _tc2_body,
        grid=(_GRID,),
        in_specs=[_deg_spec(), _split_spec(HIDDEN // 2), _split_spec(HIDDEN // 2),
                  _full((HIDDEN,)), _full((HIDDEN, EMBED))],
        out_specs=_split_spec(EMBED // 2),
        out_shape=jax.ShapeDtypeStruct((NUM_CORES, N_NODES, EMBED // 2), jnp.float32),
    )(deg, acc1, yw1, b1, W2)

    acc2 = _mp_call_32(
        yw2.reshape(NUM_CORES * N_NODES, EMBED // 2), src_mp, dst_mp, zeros32)

    out = pl.pallas_call(
        _tc3_body,
        grid=(_GRID,),
        in_specs=[_deg_spec(), _split_spec(EMBED // 2), _split_spec(EMBED // 2),
                  _full((EMBED,)), _full((EMBED, 1)),
                  pl.BlockSpec(memory_space=pltpu.SMEM)],
        out_specs=_rows(1),
        out_shape=jax.ShapeDtypeStruct((N_NODES, 1), jnp.float32),
    )(deg, acc2, yw2, b2, W3, b3.reshape(1, 1))

    return out.reshape(-1)

# --- scband reference (transcript-rebuilt; emitter-appended) ---
"""Pipeline reference for scband-gnnmodel-22789096472974 (READ-ONLY COPY).

The authoritative reference and input builder live on the scoring server;
editing this copy changes nothing except your own understanding.
"""

import jax, jax.numpy as jnp
import numpy as np

N_NODES = 10000
D_IN = 128
HIDDEN = 128
EMBED = 64
NEG_SLOPE = 0.01


def setup_inputs(seed: int = 0) -> dict:
    key = jax.random.key(seed)
    ks = jax.random.split(key, 8)
    x = jax.random.normal(ks[0], (N_NODES, D_IN), dtype=jnp.float32)
    edge_index = jax.random.randint(ks[1], (2, 320000), 0, N_NODES, dtype=jnp.int64 if jax.config.jax_enable_x64 else jnp.int32).astype(jnp.int32)
    # learned parameters (glorot-ish init)
    W1 = jax.random.normal(ks[2], (D_IN, HIDDEN), dtype=jnp.float32) * (1.0 / np.sqrt(D_IN))
    b1 = jnp.zeros((HIDDEN,), dtype=jnp.float32)
    W2 = jax.random.normal(ks[3], (HIDDEN, EMBED), dtype=jnp.float32) * (1.0 / np.sqrt(HIDDEN))
    b2 = jnp.zeros((EMBED,), dtype=jnp.float32)
    W3 = jax.random.normal(ks[4], (EMBED, 1), dtype=jnp.float32) * (1.0 / np.sqrt(EMBED))
    b3 = jnp.zeros((1,), dtype=jnp.float32)
    return {"x": x, "edge_index": edge_index, "W1": W1, "b1": b1, "W2": W2, "b2": b2, "W3": W3, "b3": b3}


def _gcn_conv(x, edge_index, W, b, n_nodes):
    # GCNConv: x' = D^{-1/2} (A + I) D^{-1/2} (X W) + b
    src = edge_index[0]
    dst = edge_index[1]
    loop = jnp.arange(n_nodes, dtype=src.dtype)
    src = jnp.concatenate([src, loop])
    dst = jnp.concatenate([dst, loop])
    ones = jnp.ones(src.shape[0], dtype=jnp.float32)
    deg = jnp.zeros((n_nodes,), dtype=jnp.float32).at[dst].add(ones)
    dinv = jnp.where(deg > 0, jax.lax.rsqrt(deg), 0.0)
    norm = dinv[src] * dinv[dst]
    xw = x @ W
    msg = jnp.take(xw, src, axis=0) * norm[:, None]
    out = jnp.zeros((n_nodes, W.shape[1]), dtype=jnp.float32).at[dst].add(msg)
    return out + b


def reference(x, edge_index, W1, b1, W2, b2, W3, b3):
    n = x.shape[0]
    h = _gcn_conv(x, edge_index, W1, b1, n)
    h = jax.nn.leaky_relu(h, negative_slope=NEG_SLOPE)
    # dropout_rate = 0.0 -> identity
    h = _gcn_conv(h, edge_index, W2, b2, n)
    h = jax.nn.leaky_relu(h, negative_slope=NEG_SLOPE)
    # dropout_rate = 0.0 -> identity
    out = h @ W3 + b3
    return out.reshape(-1)

if __name__ == "__main__":
    import jax
    _d = setup_inputs()
    print(jax.jit(kernel)(*tuple(_d.values())))

</pallas_src>

<mosaic_0001>
#map = affine_map<(d0, d1) -> (0, 0)>
#map1 = affine_map<(d0, d1) -> (0, 0, 0, 0)>
#map2 = affine_map<(d0, d1) -> (0, 0, 0)>
module attributes {stable_mosaic.version = 14 : i64} {
  func.func @_mp_body(%arg0: i32, %arg1: i32, %arg2: memref<20000x32xf32, #tpu.memory_space<hbm>>, %arg3: memref<2x16x160x128xi32, #tpu.memory_space<hbm>>, %arg4: memref<16x160x128xi32, #tpu.memory_space<hbm>>, %arg5: memref<128x32xf32, #tpu.memory_space<hbm>>, %arg6: memref<2x10240x32xf32, #tpu.memory_space<hbm>>, %arg7: memref<160x128xi32, #tpu.memory_space<vmem>>, %arg8: memref<160x128xi32, #tpu.memory_space<vmem>>, %arg9: memref<128x32xf32, #tpu.memory_space<vmem>>, %arg10: memref<128x32xf32, #tpu.memory_space<vmem>>, %arg11: memref<128x32xf32, #tpu.memory_space<vmem>>, %arg12: memref<128x32xf32, #tpu.memory_space<vmem>>, %arg13: memref<128x32xf32, #tpu.memory_space<vmem>>, %arg14: memref<10240x32xf32, #tpu.memory_space<vmem_shared>>, %arg15: memref<!tpu.dma_semaphore, #tpu.memory_space<semaphore_mem>>, %arg16: memref<!tpu.dma_semaphore, #tpu.memory_space<semaphore_mem>>, %arg17: memref<!tpu.dma_semaphore, #tpu.memory_space<semaphore_mem>>, %arg18: memref<!tpu.dma_semaphore, #tpu.memory_space<semaphore_mem>>, %arg19: memref<!tpu.dma_semaphore, #tpu.memory_space<semaphore_mem>>) attributes {dimension_semantics = [#tpu.dimension_semantics<core_parallel>, #tpu.dimension_semantics<subcore_parallel>], iteration_bounds = array<i64: 2, 16>, scalar_prefetch = 0 : i64, scratch_operands = 13 : i64, tpu.core_type = #tpu.core_type<sc_vector_subcore>, window_params = [{transform_indices = #map}, {transform_indices = #map1}, {transform_indices = #map2}, {transform_indices = #map}, {transform_indices = #map2}]} {
    "tpu.region"() ({
      %run_scoped3A = tpu.sem_alloc : memref<!tpu.dma_semaphore, #tpu.memory_space<semaphore_mem>>
      %dma_start3A_217 = arith.constant 0 : i32
      %dma_start3A_218 = arith.constant 0 : i32
      %dma_start3A_219 = tpu.memref_slice %arg3[%arg0, %arg1, %dma_start3A_217, %dma_start3A_218] : memref<2x16x160x128xi32, #tpu.memory_space<hbm>> -> memref<1x1x160x128xi32, #tpu.memory_space<hbm>>
      %dma_start3A_220 = tpu.memref_squeeze %dma_start3A_219 : memref<1x1x160x128xi32, #tpu.memory_space<hbm>> -> memref<160x128xi32, #tpu.memory_space<hbm>>
      %dma_start3A_221 = arith.constant 0 : i32
      %dma_start3A_222 = arith.constant 0 : i32
      %dma_start3A_223 = tpu.memref_slice %arg3[%arg0, %arg1, %dma_start3A_221, %dma_start3A_222] : memref<2x16x160x128xi32, #tpu.memory_space<hbm>> -> memref<1x1x160x128xi32, #tpu.memory_space<hbm>>
      %dma_start3A_224 = tpu.memref_squeeze %dma_start3A_223 : memref<1x1x160x128xi32, #tpu.memory_space<hbm>> -> memref<160x128xi32, #tpu.memory_space<hbm>>
      tpu.enqueue_dma source(%dma_start3A_224 : memref<160x128xi32, #tpu.memory_space<hbm>>) target(%arg7 : memref<160x128xi32, #tpu.memory_space<vmem>>) target_semaphore(%run_scoped3A : memref<!tpu.dma_semaphore, #tpu.memory_space<semaphore_mem>>)
      %dma_wait3A_225 = arith.constant 0 : i32
      %dma_wait3A_226 = arith.constant 0 : i32
      %dma_wait3A_227 = tpu.memref_slice %arg3[%arg0, %arg1, %dma_wait3A_225, %dma_wait3A_226] : memref<2x16x160x128xi32, #tpu.memory_space<hbm>> -> memref<1x1x160x128xi32, #tpu.memory_space<hbm>>
      %dma_wait3A_228 = tpu.memref_squeeze %dma_wait3A_227 : memref<1x1x160x128xi32, #tpu.memory_space<hbm>> -> memref<160x128xi32, #tpu.memory_space<hbm>>
      %dma_wait3A_229 = arith.constant 0 : i32
      %dma_wait3A_230 = arith.constant 0 : i32
      %dma_wait3A_231 = tpu.memref_slice %arg3[%arg0, %arg1, %dma_wait3A_229, %dma_wait3A_230] : memref<2x16x160x128xi32, #tpu.memory_space<hbm>> -> memref<1x1x160x128xi32, #tpu.memory_space<hbm>>
      %dma_wait3A_232 = tpu.memref_squeeze %dma_wait3A_231 : memref<1x1x160x128xi32, #tpu.memory_space<hbm>> -> memref<160x128xi32, #tpu.memory_space<hbm>>
      tpu.wait_dma2 semaphore(%run_scoped3A : memref<!tpu.dma_semaphore, #tpu.memory_space<semaphore_mem>>) src(%dma_wait3A_232 : memref<160x128xi32, #tpu.memory_space<hbm>>) dst(%arg7 : memref<160x128xi32, #tpu.memory_space<vmem>>)
      tpu.yield
    }) : () -> ()
    "tpu.region"() ({
      %run_scoped3A = tpu.sem_alloc : memref<!tpu.dma_semaphore, #tpu.memory_space<semaphore_mem>>
      %dma_start3A_217 = arith.constant 0 : i32
      %dma_start3A_218 = arith.constant 0 : i32
      %dma_start3A_219 = tpu.memref_slice %arg4[%arg1, %dma_start3A_217, %dma_start3A_218] : memref<16x160x128xi32, #tpu.memory_space<hbm>> -> memref<1x160x128xi32, #tpu.memory_space<hbm>>
      %dma_start3A_220 = tpu.memref_squeeze %dma_start3A_219 : memref<1x160x128xi32, #tpu.memory_space<hbm>> -> memref<160x128xi32, #tpu.memory_space<hbm>>
      %dma_start3A_221 = arith.constant 0 : i32
      %dma_start3A_222 = arith.constant 0 : i32
      %dma_start3A_223 = tpu.memref_slice %arg4[%arg1, %dma_start3A_221, %dma_start3A_222] : memref<16x160x128xi32, #tpu.memory_space<hbm>> -> memref<1x160x128xi32, #tpu.memory_space<hbm>>
      %dma_start3A_224 = tpu.memref_squeeze %dma_start3A_223 : memref<1x160x128xi32, #tpu.memory_space<hbm>> -> memref<160x128xi32, #tpu.memory_space<hbm>>
      tpu.enqueue_dma source(%dma_start3A_224 : memref<160x128xi32, #tpu.memory_space<hbm>>) target(%arg8 : memref<160x128xi32, #tpu.memory_space<vmem>>) target_semaphore(%run_scoped3A : memref<!tpu.dma_semaphore, #tpu.memory_space<semaphore_mem>>)
      %dma_wait3A_225 = arith.constant 0 : i32
      %dma_wait3A_226 = arith.constant 0 : i32
      %dma_wait3A_227 = tpu.memref_slice %arg4[%arg1, %dma_wait3A_225, %dma_wait3A_226] : memref<16x160x128xi32, #tpu.memory_space<hbm>> -> memref<1x160x128xi32, #tpu.memory_space<hbm>>
      %dma_wait3A_228 = tpu.memref_squeeze %dma_wait3A_227 : memref<1x160x128xi32, #tpu.memory_space<hbm>> -> memref<160x128xi32, #tpu.memory_space<hbm>>
      %dma_wait3A_229 = arith.constant 0 : i32
      %dma_wait3A_230 = arith.constant 0 : i32
      %dma_wait3A_231 = tpu.memref_slice %arg4[%arg1, %dma_wait3A_229, %dma_wait3A_230] : memref<16x160x128xi32, #tpu.memory_space<hbm>> -> memref<1x160x128xi32, #tpu.memory_space<hbm>>
      %dma_wait3A_232 = tpu.memref_squeeze %dma_wait3A_231 : memref<1x160x128xi32, #tpu.memory_space<hbm>> -> memref<160x128xi32, #tpu.memory_space<hbm>>
      tpu.wait_dma2 semaphore(%run_scoped3A : memref<!tpu.dma_semaphore, #tpu.memory_space<semaphore_mem>>) src(%dma_wait3A_232 : memref<160x128xi32, #tpu.memory_space<hbm>>) dst(%arg8 : memref<160x128xi32, #tpu.memory_space<vmem>>)
      tpu.yield
    }) : () -> ()
    %dma_start3A = arith.constant 0 : i32
    %dma_start3A_0 = arith.constant 0 : i32
    %dma_start3A_1 = tpu.memref_slice %arg7[%dma_start3A, %dma_start3A_0] : memref<160x128xi32, #tpu.memory_space<vmem>> -> memref<1x128xi32, #tpu.memory_space<vmem>>
    %dma_start3A_2 = tpu.memref_squeeze %dma_start3A_1 : memref<1x128xi32, #tpu.memory_space<vmem>> -> memref<128xi32, #tpu.memory_space<vmem>>
    %dma_start3A_3 = arith.constant 0 : i32
    %dma_start3A_4 = arith.constant 0 : i32
    %dma_start3A_5 = tpu.memref_slice %arg2[%dma_start3A_3, %dma_start3A_4] : memref<20000x32xf32, #tpu.memory_space<hbm>> -> memref<20000x32xf32, #tpu.memory_space<hbm>>
    tpu.enqueue_indirect_dma source(%dma_start3A_5 : memref<20000x32xf32, #tpu.memory_space<hbm>>) target(%arg10 : memref<128x32xf32, #tpu.memory_space<vmem>>) offsets(%dma_start3A_2 : memref<128xi32, #tpu.memory_space<vmem>>) semaphore(%arg16 : memref<!tpu.dma_semaphore, #tpu.memory_space<semaphore_mem>>)
    %dma_start3A_6 = arith.constant 1 : i32
    %dma_start3A_7 = arith.constant 0 : i32
    %dma_start3A_8 = tpu.memref_slice %arg7[%dma_start3A_6, %dma_start3A_7] : memref<160x128xi32, #tpu.memory_space<vmem>> -> memref<1x128xi32, #tpu.memory_space<vmem>>
    %dma_start3A_9 = tpu.memref_squeeze %dma_start3A_8 : memref<1x128xi32, #tpu.memory_space<vmem>> -> memref<128xi32, #tpu.memory_space<vmem>>
    %dma_start3A_10 = arith.constant 0 : i32
    %dma_start3A_11 = arith.constant 0 : i32
    %dma_start3A_12 = tpu.memref_slice %arg2[%dma_start3A_10, %dma_start3A_11] : memref<20000x32xf32, #tpu.memory_space<hbm>> -> memref<20000x32xf32, #tpu.memory_space<hbm>>
    tpu.enqueue_indirect_dma source(%dma_start3A_12 : memref<20000x32xf32, #tpu.memory_space<hbm>>) target(%arg11 : memref<128x32xf32, #tpu.memory_space<vmem>>) offsets(%dma_start3A_9 : memref<128xi32, #tpu.memory_space<vmem>>) semaphore(%arg17 : memref<!tpu.dma_semaphore, #tpu.memory_space<semaphore_mem>>)
    %dma_start3A_13 = arith.constant 2 : i32
    %dma_start3A_14 = arith.constant 0 : i32
    %dma_start3A_15 = tpu.memref_slice %arg7[%dma_start3A_13, %dma_start3A_14] : memref<160x128xi32, #tpu.memory_space<vmem>> -> memref<1x128xi32, #tpu.memory_space<vmem>>
    %dma_start3A_16 = tpu.memref_squeeze %dma_start3A_15 : memref<1x128xi32, #tpu.memory_space<vmem>> -> memref<128xi32, #tpu.memory_space<vmem>>
    %dma_start3A_17 = arith.constant 0 : i32
    %dma_start3A_18 = arith.constant 0 : i32
    %dma_start3A_19 = tpu.memref_slice %arg2[%dma_start3A_17, %dma_start3A_18] : memref<20000x32xf32, #tpu.memory_space<hbm>> -> memref<20000x32xf32, #tpu.memory_space<hbm>>
    tpu.enqueue_indirect_dma source(%dma_start3A_19 : memref<20000x32xf32, #tpu.memory_space<hbm>>) target(%arg12 : memref<128x32xf32, #tpu.memory_space<vmem>>) offsets(%dma_start3A_16 : memref<128xi32, #tpu.memory_space<vmem>>) semaphore(%arg18 : memref<!tpu.dma_semaphore, #tpu.memory_space<semaphore_mem>>)
    %dma_start3A_20 = arith.constant 3 : i32
    %dma_start3A_21 = arith.constant 0 : i32
    %dma_start3A_22 = tpu.memref_slice %arg7[%dma_start3A_20, %dma_start3A_21] : memref<160x128xi32, #tpu.memory_space<vmem>> -> memref<1x128xi32, #tpu.memory_space<vmem>>
    %dma_start3A_23 = tpu.memref_squeeze %dma_start3A_22 : memref<1x128xi32, #tpu.memory_space<vmem>> -> memref<128xi32, #tpu.memory_space<vmem>>
    %dma_start3A_24 = arith.constant 0 : i32
    %dma_start3A_25 = arith.constant 0 : i32
    %dma_start3A_26 = tpu.memref_slice %arg2[%dma_start3A_24, %dma_start3A_25] : memref<20000x32xf32, #tpu.memory_space<hbm>> -> memref<20000x32xf32, #tpu.memory_space<hbm>>
    tpu.enqueue_indirect_dma source(%dma_start3A_26 : memref<20000x32xf32, #tpu.memory_space<hbm>>) target(%arg13 : memref<128x32xf32, #tpu.memory_space<vmem>>) offsets(%dma_start3A_23 : memref<128xi32, #tpu.memory_space<vmem>>) semaphore(%arg19 : memref<!tpu.dma_semaphore, #tpu.memory_space<semaphore_mem>>)
    "tpu.region"() ({
      %run_scoped3A = tpu.sem_alloc : memref<!tpu.dma_semaphore, #tpu.memory_space<semaphore_mem>>
      tpu.enqueue_dma source(%arg5 : memref<128x32xf32, #tpu.memory_space<hbm>>) target(%arg9 : memref<128x32xf32, #tpu.memory_space<vmem>>) target_semaphore(%run_scoped3A : memref<!tpu.dma_semaphore, #tpu.memory_space<semaphore_mem>>)
      tpu.wait_dma2 semaphore(%run_scoped3A : memref<!tpu.dma_semaphore, #tpu.memory_space<semaphore_mem>>) src(%arg5 : memref<128x32xf32, #tpu.memory_space<hbm>>) dst(%arg9 : memref<128x32xf32, #tpu.memory_space<vmem>>)
      tpu.yield
    }) : () -> ()
    %mul3A = arith.constant 640 : i32
    %mul3A_27 = arith.muli %arg1, %mul3A : i32
    %add3A = arith.constant 0 : i32
    %add3A_28 = arith.addi %mul3A_27, %add3A : i32
    "tpu.region"() ({
      %run_scoped3A = tpu.sem_alloc : memref<!tpu.dma_semaphore, #tpu.memory_space<semaphore_mem>>
      %dma_start3A_217 = arith.constant 0 : i32
      %dma_start3A_218 = tpu.memref_slice %arg14[%add3A_28, %dma_start3A_217] : memref<10240x32xf32, #tpu.memory_space<vmem_shared>> -> memref<128x32xf32, #tpu.memory_space<vmem_shared>>
      %dma_start3A_219 = arith.constant 0 : i32
      %dma_start3A_220 = tpu.memref_slice %arg14[%add3A_28, %dma_start3A_219] : memref<10240x32xf32, #tpu.memory_space<vmem_shared>> -> memref<128x32xf32, #tpu.memory_space<vmem_shared>>
      tpu.enqueue_dma source(%arg9 : memref<128x32xf32, #tpu.memory_space<vmem>>) target(%dma_start3A_220 : memref<128x32xf32, #tpu.memory_space<vmem_shared>>) target_semaphore(%run_scoped3A : memref<!tpu.dma_semaphore, #tpu.memory_space<semaphore_mem>>)
      %dma_wait3A_221 = arith.constant 0 : i32
      %dma_wait3A_222 = tpu.memref_slice %arg14[%add3A_28, %dma_wait3A_221] : memref<10240x32xf32, #tpu.memory_space<vmem_shared>> -> memref<128x32xf32, #tpu.memory_space<vmem_shared>>
      %dma_wait3A_223 = arith.constant 0 : i32
      %dma_wait3A_224 = tpu.memref_slice %arg14[%add3A_28, %dma_wait3A_223] : memref<10240x32xf32, #tpu.memory_space<vmem_shared>> -> memref<128x32xf32, #tpu.memory_space<vmem_shared>>
      tpu.wait_dma2 semaphore(%run_scoped3A : memref<!tpu.dma_semaphore, #tpu.memory_space<semaphore_mem>>) src(%arg9 : memref<128x32xf32, #tpu.memory_space<vmem>>) dst(%dma_wait3A_224 : memref<128x32xf32, #tpu.memory_space<vmem_shared>>)
      tpu.yield
    }) : () -> ()
    %mul3A_29 = arith.constant 640 : i32
    %mul3A_30 = arith.muli %arg1, %mul3A_29 : i32
    %add3A_31 = arith.constant 128 : i32
    %add3A_32 = arith.addi %mul3A_30, %add3A_31 : i32
    "tpu.region"() ({
      %run_scoped3A = tpu.sem_alloc : memref<!tpu.dma_semaphore, #tpu.memory_space<semaphore_mem>>
      %dma_start3A_217 = arith.constant 0 : i32
      %dma_start3A_218 = tpu.memref_slice %arg14[%add3A_32, %dma_start3A_217] : memref<10240x32xf32, #tpu.memory_space<vmem_shared>> -> memref<128x32xf32, #tpu.memory_space<vmem_shared>>
      %dma_start3A_219 = arith.constant 0 : i32
      %dma_start3A_220 = tpu.memref_slice %arg14[%add3A_32, %dma_start3A_219] : memref<10240x32xf32, #tpu.memory_space<vmem_shared>> -> memref<128x32xf32, #tpu.memory_space<vmem_shared>>
      tpu.enqueue_dma source(%arg9 : memref<128x32xf32, #tpu.memory_space<vmem>>) target(%dma_start3A_220 : memref<128x32xf32, #tpu.memory_space<vmem_shared>>) target_semaphore(%run_scoped3A : memref<!tpu.dma_semaphore, #tpu.memory_space<semaphore_mem>>)
      %dma_wait3A_221 = arith.constant 0 : i32
      %dma_wait3A_222 = tpu.memref_slice %arg14[%add3A_32, %dma_wait3A_221] : memref<10240x32xf32, #tpu.memory_space<vmem_shared>> -> memref<128x32xf32, #tpu.memory_space<vmem_shared>>
      %dma_wait3A_223 = arith.constant 0 : i32
      %dma_wait3A_224 = tpu.memref_slice %arg14[%add3A_32, %dma_wait3A_223] : memref<10240x32xf32, #tpu.memory_space<vmem_shared>> -> memref<128x32xf32, #tpu.memory_space<vmem_shared>>
      tpu.wait_dma2 semaphore(%run_scoped3A : memref<!tpu.dma_semaphore, #tpu.memory_space<semaphore_mem>>) src(%arg9 : memref<128x32xf32, #tpu.memory_space<vmem>>) dst(%dma_wait3A_224 : memref<128x32xf32, #tpu.memory_space<vmem_shared>>)
      tpu.yield
    }) : () -> ()
    %mul3A_33 = arith.constant 640 : i32
    %mul3A_34 = arith.muli %arg1, %mul3A_33 : i32
    %add3A_35 = arith.constant 256 : i32
    %add3A_36 = arith.addi %mul3A_34, %add3A_35 : i32
    "tpu.region"() ({
      %run_scoped3A = tpu.sem_alloc : memref<!tpu.dma_semaphore, #tpu.memory_space<semaphore_mem>>
      %dma_start3A_217 = arith.constant 0 : i32
      %dma_start3A_218 = tpu.memref_slice %arg14[%add3A_36, %dma_start3A_217] : memref<10240x32xf32, #tpu.memory_space<vmem_shared>> -> memref<128x32xf32, #tpu.memory_space<vmem_shared>>
      %dma_start3A_219 = arith.constant 0 : i32
      %dma_start3A_220 = tpu.memref_slice %arg14[%add3A_36, %dma_start3A_219] : memref<10240x32xf32, #tpu.memory_space<vmem_shared>> -> memref<128x32xf32, #tpu.memory_space<vmem_shared>>
      tpu.enqueue_dma source(%arg9 : memref<128x32xf32, #tpu.memory_space<vmem>>) target(%dma_start3A_220 : memref<128x32xf32, #tpu.memory_space<vmem_shared>>) target_semaphore(%run_scoped3A : memref<!tpu.dma_semaphore, #tpu.memory_space<semaphore_mem>>)
      %dma_wait3A_221 = arith.constant 0 : i32
      %dma_wait3A_222 = tpu.memref_slice %arg14[%add3A_36, %dma_wait3A_221] : memref<10240x32xf32, #tpu.memory_space<vmem_shared>> -> memref<128x32xf32, #tpu.memory_space<vmem_shared>>
      %dma_wait3A_223 = arith.constant 0 : i32
      %dma_wait3A_224 = tpu.memref_slice %arg14[%add3A_36, %dma_wait3A_223] : memref<10240x32xf32, #tpu.memory_space<vmem_shared>> -> memref<128x32xf32, #tpu.memory_space<vmem_shared>>
      tpu.wait_dma2 semaphore(%run_scoped3A : memref<!tpu.dma_semaphore, #tpu.memory_space<semaphore_mem>>) src(%arg9 : memref<128x32xf32, #tpu.memory_space<vmem>>) dst(%dma_wait3A_224 : memref<128x32xf32, #tpu.memory_space<vmem_shared>>)
      tpu.yield
    }) : () -> ()
    %mul3A_37 = arith.constant 640 : i32
    %mul3A_38 = arith.muli %arg1, %mul3A_37 : i32
    %add3A_39 = arith.constant 384 : i32
    %add3A_40 = arith.addi %mul3A_38, %add3A_39 : i32
    "tpu.region"() ({
      %run_scoped3A = tpu.sem_alloc : memref<!tpu.dma_semaphore, #tpu.memory_space<semaphore_mem>>
      %dma_start3A_217 = arith.constant 0 : i32
      %dma_start3A_218 = tpu.memref_slice %arg14[%add3A_40, %dma_start3A_217] : memref<10240x32xf32, #tpu.memory_space<vmem_shared>> -> memref<128x32xf32, #tpu.memory_space<vmem_shared>>
      %dma_start3A_219 = arith.constant 0 : i32
      %dma_start3A_220 = tpu.memref_slice %arg14[%add3A_40, %dma_start3A_219] : memref<10240x32xf32, #tpu.memory_space<vmem_shared>> -> memref<128x32xf32, #tpu.memory_space<vmem_shared>>
      tpu.enqueue_dma source(%arg9 : memref<128x32xf32, #tpu.memory_space<vmem>>) target(%dma_start3A_220 : memref<128x32xf32, #tpu.memory_space<vmem_shared>>) target_semaphore(%run_scoped3A : memref<!tpu.dma_semaphore, #tpu.memory_space<semaphore_mem>>)
      %dma_wait3A_221 = arith.constant 0 : i32
      %dma_wait3A_222 = tpu.memref_slice %arg14[%add3A_40, %dma_wait3A_221] : memref<10240x32xf32, #tpu.memory_space<vmem_shared>> -> memref<128x32xf32, #tpu.memory_space<vmem_shared>>
      %dma_wait3A_223 = arith.constant 0 : i32
      %dma_wait3A_224 = tpu.memref_slice %arg14[%add3A_40, %dma_wait3A_223] : memref<10240x32xf32, #tpu.memory_space<vmem_shared>> -> memref<128x32xf32, #tpu.memory_space<vmem_shared>>
      tpu.wait_dma2 semaphore(%run_scoped3A : memref<!tpu.dma_semaphore, #tpu.memory_space<semaphore_mem>>) src(%arg9 : memref<128x32xf32, #tpu.memory_space<vmem>>) dst(%dma_wait3A_224 : memref<128x32xf32, #tpu.memory_space<vmem_shared>>)
      tpu.yield
    }) : () -> ()
    %mul3A_41 = arith.constant 640 : i32
    %mul3A_42 = arith.muli %arg1, %mul3A_41 : i32
    %add3A_43 = arith.constant 512 : i32
    %add3A_44 = arith.addi %mul3A_42, %add3A_43 : i32
    "tpu.region"() ({
      %run_scoped3A = tpu.sem_alloc : memref<!tpu.dma_semaphore, #tpu.memory_space<semaphore_mem>>
      %dma_start3A_217 = arith.constant 0 : i32
      %dma_start3A_218 = tpu.memref_slice %arg14[%add3A_44, %dma_start3A_217] : memref<10240x32xf32, #tpu.memory_space<vmem_shared>> -> memref<128x32xf32, #tpu.memory_space<vmem_shared>>
      %dma_start3A_219 = arith.constant 0 : i32
      %dma_start3A_220 = tpu.memref_slice %arg14[%add3A_44, %dma_start3A_219] : memref<10240x32xf32, #tpu.memory_space<vmem_shared>> -> memref<128x32xf32, #tpu.memory_space<vmem_shared>>
      tpu.enqueue_dma source(%arg9 : memref<128x32xf32, #tpu.memory_space<vmem>>) target(%dma_start3A_220 : memref<128x32xf32, #tpu.memory_space<vmem_shared>>) target_semaphore(%run_scoped3A : memref<!tpu.dma_semaphore, #tpu.memory_space<semaphore_mem>>)
      %dma_wait3A_221 = arith.constant 0 : i32
      %dma_wait3A_222 = tpu.memref_slice %arg14[%add3A_44, %dma_wait3A_221] : memref<10240x32xf32, #tpu.memory_space<vmem_shared>> -> memref<128x32xf32, #tpu.memory_space<vmem_shared>>
      %dma_wait3A_223 = arith.constant 0 : i32
      %dma_wait3A_224 = tpu.memref_slice %arg14[%add3A_44, %dma_wait3A_223] : memref<10240x32xf32, #tpu.memory_space<vmem_shared>> -> memref<128x32xf32, #tpu.memory_space<vmem_shared>>
      tpu.wait_dma2 semaphore(%run_scoped3A : memref<!tpu.dma_semaphore, #tpu.memory_space<semaphore_mem>>) src(%arg9 : memref<128x32xf32, #tpu.memory_space<vmem>>) dst(%dma_wait3A_224 : memref<128x32xf32, #tpu.memory_space<vmem_shared>>)
      tpu.yield
    }) : () -> ()
    %barrier3A = arith.constant 0 : index
    tpu.barrier barrier_id(%barrier3A)
    %dma_start3A_45 = arith.constant 4 : i32
    %dma_start3A_46 = arith.constant 0 : i32
    %dma_start3A_47 = tpu.memref_slice %arg7[%dma_start3A_45, %dma_start3A_46] : memref<160x128xi32, #tpu.memory_space<vmem>> -> memref<1x128xi32, #tpu.memory_space<vmem>>
    %dma_start3A_48 = tpu.memref_squeeze %dma_start3A_47 : memref<1x128xi32, #tpu.memory_space<vmem>> -> memref<128xi32, #tpu.memory_space<vmem>>
    %dma_start3A_49 = arith.constant 0 : i32
    %dma_start3A_50 = arith.constant 0 : i32
    %dma_start3A_51 = tpu.memref_slice %arg2[%dma_start3A_49, %dma_start3A_50] : memref<20000x32xf32, #tpu.memory_space<hbm>> -> memref<20000x32xf32, #tpu.memory_space<hbm>>
    tpu.enqueue_indirect_dma source(%dma_start3A_51 : memref<20000x32xf32, #tpu.memory_space<hbm>>) target(%arg9 : memref<128x32xf32, #tpu.memory_space<vmem>>) offsets(%dma_start3A_48 : memref<128xi32, #tpu.memory_space<vmem>>) semaphore(%arg15 : memref<!tpu.dma_semaphore, #tpu.memory_space<semaphore_mem>>)
    %scan3A = arith.constant 0 : i32
    %scan3A_52 = arith.constant 0 : i32
    %scan3A_53 = arith.constant 32 : i32
    %scan3A_54 = arith.addi %scan3A_52, %scan3A_53 : i32
    %scan3A_55 = arith.constant 1 : i32
    scf.for %scan3A_217 = %scan3A_52 to %scan3A_54 step %scan3A_55  : i32 {
      %mul3A_218 = arith.constant 5 : i32
      %mul3A_219 = arith.muli %mul3A_218, %scan3A_217 : i32
      %add3A_220 = arith.constant 0 : i32
      %add3A_221 = arith.addi %mul3A_219, %add3A_220 : i32
      %dma_wait3A_222 = arith.constant 0 : i32
      %dma_wait3A_223 = tpu.memref_slice %arg7[%add3A_221, %dma_wait3A_222] : memref<160x128xi32, #tpu.memory_space<vmem>> -> memref<1x128xi32, #tpu.memory_space<vmem>>
      %dma_wait3A_224 = tpu.memref_squeeze %dma_wait3A_223 : memref<1x128xi32, #tpu.memory_space<vmem>> -> memref<128xi32, #tpu.memory_space<vmem>>
      %dma_wait3A_225 = arith.constant 0 : i32
      %dma_wait3A_226 = arith.constant 0 : i32
      %dma_wait3A_227 = tpu.memref_slice %arg2[%dma_wait3A_225, %dma_wait3A_226] : memref<20000x32xf32, #tpu.memory_space<hbm>> -> memref<20000x32xf32, #tpu.memory_space<hbm>>
      tpu.wait_indirect_dma semaphore(%arg16 : memref<!tpu.dma_semaphore, #tpu.memory_space<semaphore_mem>>) src(%dma_wait3A_227 : memref<20000x32xf32, #tpu.memory_space<hbm>>) dst(%arg10 : memref<128x32xf32, #tpu.memory_space<vmem>>)
      "tpu.region"() ({
        %run_scoped3A = tpu.sem_alloc : memref<!tpu.dma_semaphore, #tpu.memory_space<semaphore_mem>>
        %dma_start3A_290 = arith.constant 0 : i32
        %dma_start3A_291 = tpu.memref_slice %arg8[%add3A_221, %dma_start3A_290] : memref<160x128xi32, #tpu.memory_space<vmem>> -> memref<1x128xi32, #tpu.memory_space<vmem>>
        %dma_start3A_292 = tpu.memref_squeeze %dma_start3A_291 : memref<1x128xi32, #tpu.memory_space<vmem>> -> memref<128xi32, #tpu.memory_space<vmem>>
        %dma_start3A_293 = arith.constant 0 : i32
        %dma_start3A_294 = arith.constant 0 : i32
        %dma_start3A_295 = tpu.memref_slice %arg14[%dma_start3A_293, %dma_start3A_294] : memref<10240x32xf32, #tpu.memory_space<vmem_shared>> -> memref<10240x32xf32, #tpu.memory_space<vmem_shared>>
        tpu.enqueue_indirect_dma source(%arg10 : memref<128x32xf32, #tpu.memory_space<vmem>>) target(%dma_start3A_295 : memref<10240x32xf32, #tpu.memory_space<vmem_shared>>) offsets(%dma_start3A_292 : memref<128xi32, #tpu.memory_space<vmem>>) semaphore(%run_scoped3A : memref<!tpu.dma_semaphore, #tpu.memory_space<semaphore_mem>>) {add = true}
        %dma_wait3A_296 = arith.constant 0 : i32
        %dma_wait3A_297 = tpu.memref_slice %arg8[%add3A_221, %dma_wait3A_296] : memref<160x128xi32, #tpu.memory_space<vmem>> -> memref<1x128xi32, #tpu.memory_space<vmem>>
        %dma_wait3A_298 = tpu.memref_squeeze %dma_wait3A_297 : memref<1x128xi32, #tpu.memory_space<vmem>> -> memref<128xi32, #tpu.memory_space<vmem>>
        %dma_wait3A_299 = arith.constant 0 : i32
        %dma_wait3A_300 = arith.constant 0 : i32
        %dma_wait3A_301 = tpu.memref_slice %arg14[%dma_wait3A_299, %dma_wait3A_300] : memref<10240x32xf32, #tpu.memory_space<vmem_shared>> -> memref<10240x32xf32, #tpu.memory_space<vmem_shared>>
        tpu.wait_indirect_dma semaphore(%run_scoped3A : memref<!tpu.dma_semaphore, #tpu.memory_space<semaphore_mem>>) src(%arg10 : memref<128x32xf32, #tpu.memory_space<vmem>>) dst(%dma_wait3A_301 : memref<10240x32xf32, #tpu.memory_space<vmem_shared>>)
        tpu.yield
      }) : () -> ()
      %lt3A = arith.constant 31 : i32
      %lt3A_228 = arith.cmpi slt, %scan3A_217, %lt3A : i32
      %convert_element_type3A = arith.extui %lt3A_228 : i1 to i32
      %cond3A = arith.constant 0 : i32
      %cond3A_229 = arith.cmpi ne, %convert_element_type3A, %cond3A : i32
      scf.if %cond3A_229 {
        %add3A_290 = arith.constant 5 : i32
        %add3A_291 = arith.addi %add3A_221, %add3A_290 : i32
        %dma_start3A_292 = arith.constant 0 : i32
        %dma_start3A_293 = tpu.memref_slice %arg7[%add3A_291, %dma_start3A_292] : memref<160x128xi32, #tpu.memory_space<vmem>> -> memref<1x128xi32, #tpu.memory_space<vmem>>
        %dma_start3A_294 = tpu.memref_squeeze %dma_start3A_293 : memref<1x128xi32, #tpu.memory_space<vmem>> -> memref<128xi32, #tpu.memory_space<vmem>>
        %dma_start3A_295 = arith.constant 0 : i32
        %dma_start3A_296 = arith.constant 0 : i32
        %dma_start3A_297 = tpu.memref_slice %arg2[%dma_start3A_295, %dma_start3A_296] : memref<20000x32xf32, #tpu.memory_space<hbm>> -> memref<20000x32xf32, #tpu.memory_space<hbm>>
        tpu.enqueue_indirect_dma source(%dma_start3A_297 : memref<20000x32xf32, #tpu.memory_space<hbm>>) target(%arg10 : memref<128x32xf32, #tpu.memory_space<vmem>>) offsets(%dma_start3A_294 : memref<128xi32, #tpu.memory_space<vmem>>) semaphore(%arg16 : memref<!tpu.dma_semaphore, #tpu.memory_space<semaphore_mem>>)
      } else {
      }
      %mul3A_230 = arith.constant 5 : i32
      %mul3A_231 = arith.muli %mul3A_230, %scan3A_217 : i32
      %add3A_232 = arith.constant 1 : i32
      %add3A_233 = arith.addi %mul3A_231, %add3A_232 : i32
      %dma_wait3A_234 = arith.constant 0 : i32
      %dma_wait3A_235 = tpu.memref_slice %arg7[%add3A_233, %dma_wait3A_234] : memref<160x128xi32, #tpu.memory_space<vmem>> -> memref<1x128xi32, #tpu.memory_space<vmem>>
      %dma_wait3A_236 = tpu.memref_squeeze %dma_wait3A_235 : memref<1x128xi32, #tpu.memory_space<vmem>> -> memref<128xi32, #tpu.memory_space<vmem>>
      %dma_wait3A_237 = arith.constant 0 : i32
      %dma_wait3A_238 = arith.constant 0 : i32
      %dma_wait3A_239 = tpu.memref_slice %arg2[%dma_wait3A_237, %dma_wait3A_238] : memref<20000x32xf32, #tpu.memory_space<hbm>> -> memref<20000x32xf32, #tpu.memory_space<hbm>>
      tpu.wait_indirect_dma semaphore(%arg17 : memref<!tpu.dma_semaphore, #tpu.memory_space<semaphore_mem>>) src(%dma_wait3A_239 : memref<20000x32xf32, #tpu.memory_space<hbm>>) dst(%arg11 : memref<128x32xf32, #tpu.memory_space<vmem>>)
      "tpu.region"() ({
        %run_scoped3A = tpu.sem_alloc : memref<!tpu.dma_semaphore, #tpu.memory_space<semaphore_mem>>
        %dma_start3A_290 = arith.constant 0 : i32
        %dma_start3A_291 = tpu.memref_slice %arg8[%add3A_233, %dma_start3A_290] : memref<160x128xi32, #tpu.memory_space<vmem>> -> memref<1x128xi32, #tpu.memory_space<vmem>>
        %dma_start3A_292 = tpu.memref_squeeze %dma_start3A_291 : memref<1x128xi32, #tpu.memory_space<vmem>> -> memref<128xi32, #tpu.memory_space<vmem>>
        %dma_start3A_293 = arith.constant 0 : i32
        %dma_start3A_294 = arith.constant 0 : i32
        %dma_start3A_295 = tpu.memref_slice %arg14[%dma_start3A_293, %dma_start3A_294] : memref<10240x32xf32, #tpu.memory_space<vmem_shared>> -> memref<10240x32xf32, #tpu.memory_space<vmem_shared>>
        tpu.enqueue_indirect_dma source(%arg11 : memref<128x32xf32, #tpu.memory_space<vmem>>) target(%dma_start3A_295 : memref<10240x32xf32, #tpu.memory_space<vmem_shared>>) offsets(%dma_start3A_292 : memref<128xi32, #tpu.memory_space<vmem>>) semaphore(%run_scoped3A : memref<!tpu.dma_semaphore, #tpu.memory_space<semaphore_mem>>) {add = true}
        %dma_wait3A_296 = arith.constant 0 : i32
        %dma_wait3A_297 = tpu.memref_slice %arg8[%add3A_233, %dma_wait3A_296] : memref<160x128xi32, #tpu.memory_space<vmem>> -> memref<1x128xi32, #tpu.memory_space<vmem>>
        %dma_wait3A_298 = tpu.memref_squeeze %dma_wait3A_297 : memref<1x128xi32, #tpu.memory_space<vmem>> -> memref<128xi32, #tpu.memory_space<vmem>>
        %dma_wait3A_299 = arith.constant 0 : i32
        %dma_wait3A_300 = arith.constant 0 : i32
        %dma_wait3A_301 = tpu.memref_slice %arg14[%dma_wait3A_299, %dma_wait3A_300] : memref<10240x32xf32, #tpu.memory_space<vmem_shared>> -> memref<10240x32xf32, #tpu.memory_space<vmem_shared>>
        tpu.wait_indirect_dma semaphore(%run_scoped3A : memref<!tpu.dma_semaphore, #tpu.memory_space<semaphore_mem>>) src(%arg11 : memref<128x32xf32, #tpu.memory_space<vmem>>) dst(%dma_wait3A_301 : memref<10240x32xf32, #tpu.memory_space<vmem_shared>>)
        tpu.yield
      }) : () -> ()
      %lt3A_240 = arith.constant 31 : i32
      %lt3A_241 = arith.cmpi slt, %scan3A_217, %lt3A_240 : i32
      %convert_element_type3A_242 = arith.extui %lt3A_241 : i1 to i32
      %cond3A_243 = arith.constant 0 : i32
      %cond3A_244 = arith.cmpi ne, %convert_element_type3A_242, %cond3A_243 : i32
      scf.if %cond3A_244 {
        %add3A_290 = arith.constant 5 : i32
        %add3A_291 = arith.addi %add3A_233, %add3A_290 : i32
        %dma_start3A_292 = arith.constant 0 : i32
        %dma_start3A_293 = tpu.memref_slice %arg7[%add3A_291, %dma_start3A_292] : memref<160x128xi32, #tpu.memory_space<vmem>> -> memref<1x128xi32, #tpu.memory_space<vmem>>
        %dma_start3A_294 = tpu.memref_squeeze %dma_start3A_293 : memref<1x128xi32, #tpu.memory_space<vmem>> -> memref<128xi32, #tpu.memory_space<vmem>>
        %dma_start3A_295 = arith.constant 0 : i32
        %dma_start3A_296 = arith.constant 0 : i32
        %dma_start3A_297 = tpu.memref_slice %arg2[%dma_start3A_295, %dma_start3A_296] : memref<20000x32xf32, #tpu.memory_space<hbm>> -> memref<20000x32xf32, #tpu.memory_space<hbm>>
        tpu.enqueue_indirect_dma source(%dma_start3A_297 : memref<20000x32xf32, #tpu.memory_space<hbm>>) target(%arg11 : memref<128x32xf32, #tpu.memory_space<vmem>>) offsets(%dma_start3A_294 : memref<128xi32, #tpu.memory_space<vmem>>) semaphore(%arg17 : memref<!tpu.dma_semaphore, #tpu.memory_space<semaphore_mem>>)
      } else {
      }
      %mul3A_245 = arith.constant 5 : i32
      %mul3A_246 = arith.muli %mul3A_245, %scan3A_217 : i32
      %add3A_247 = arith.constant 2 : i32
      %add3A_248 = arith.addi %mul3A_246, %add3A_247 : i32
      %dma_wait3A_249 = arith.constant 0 : i32
      %dma_wait3A_250 = tpu.memref_slice %arg7[%add3A_248, %dma_wait3A_249] : memref<160x128xi32, #tpu.memory_space<vmem>> -> memref<1x128xi32, #tpu.memory_space<vmem>>
      %dma_wait3A_251 = tpu.memref_squeeze %dma_wait3A_250 : memref<1x128xi32, #tpu.memory_space<vmem>> -> memref<128xi32, #tpu.memory_space<vmem>>
      %dma_wait3A_252 = arith.constant 0 : i32
      %dma_wait3A_253 = arith.constant 0 : i32
      %dma_wait3A_254 = tpu.memref_slice %arg2[%dma_wait3A_252, %dma_wait3A_253] : memref<20000x32xf32, #tpu.memory_space<hbm>> -> memref<20000x32xf32, #tpu.memory_space<hbm>>
      tpu.wait_indirect_dma semaphore(%arg18 : memref<!tpu.dma_semaphore, #tpu.memory_space<semaphore_mem>>) src(%dma_wait3A_254 : memref<20000x32xf32, #tpu.memory_space<hbm>>) dst(%arg12 : memref<128x32xf32, #tpu.memory_space<vmem>>)
      "tpu.region"() ({
        %run_scoped3A = tpu.sem_alloc : memref<!tpu.dma_semaphore, #tpu.memory_space<semaphore_mem>>
        %dma_start3A_290 = arith.constant 0 : i32
        %dma_start3A_291 = tpu.memref_slice %arg8[%add3A_248, %dma_start3A_290] : memref<160x128xi32, #tpu.memory_space<vmem>> -> memref<1x128xi32, #tpu.memory_space<vmem>>
        %dma_start3A_292 = tpu.memref_squeeze %dma_start3A_291 : memref<1x128xi32, #tpu.memory_space<vmem>> -> memref<128xi32, #tpu.memory_space<vmem>>
        %dma_start3A_293 = arith.constant 0 : i32
        %dma_start3A_294 = arith.constant 0 : i32
        %dma_start3A_295 = tpu.memref_slice %arg14[%dma_start3A_293, %dma_start3A_294] : memref<10240x32xf32, #tpu.memory_space<vmem_shared>> -> memref<10240x32xf32, #tpu.memory_space<vmem_shared>>
        tpu.enqueue_indirect_dma source(%arg12 : memref<128x32xf32, #tpu.memory_space<vmem>>) target(%dma_start3A_295 : memref<10240x32xf32, #tpu.memory_space<vmem_shared>>) offsets(%dma_start3A_292 : memref<128xi32, #tpu.memory_space<vmem>>) semaphore(%run_scoped3A : memref<!tpu.dma_semaphore, #tpu.memory_space<semaphore_mem>>) {add = true}
        %dma_wait3A_296 = arith.constant 0 : i32
        %dma_wait3A_297 = tpu.memref_slice %arg8[%add3A_248, %dma_wait3A_296] : memref<160x128xi32, #tpu.memory_space<vmem>> -> memref<1x128xi32, #tpu.memory_space<vmem>>
        %dma_wait3A_298 = tpu.memref_squeeze %dma_wait3A_297 : memref<1x128xi32, #tpu.memory_space<vmem>> -> memref<128xi32, #tpu.memory_space<vmem>>
        %dma_wait3A_299 = arith.constant 0 : i32
        %dma_wait3A_300 = arith.constant 0 : i32
        %dma_wait3A_301 = tpu.memref_slice %arg14[%dma_wait3A_299, %dma_wait3A_300] : memref<10240x32xf32, #tpu.memory_space<vmem_shared>> -> memref<10240x32xf32, #tpu.memory_space<vmem_shared>>
        tpu.wait_indirect_dma semaphore(%run_scoped3A : memref<!tpu.dma_semaphore, #tpu.memory_space<semaphore_mem>>) src(%arg12 : memref<128x32xf32, #tpu.memory_space<vmem>>) dst(%dma_wait3A_301 : memref<10240x32xf32, #tpu.memory_space<vmem_shared>>)
        tpu.yield
      }) : () -> ()
      %lt3A_255 = arith.constant 31 : i32
      %lt3A_256 = arith.cmpi slt, %scan3A_217, %lt3A_255 : i32
      %convert_element_type3A_257 = arith.extui %lt3A_256 : i1 to i32
      %cond3A_258 = arith.constant 0 : i32
      %cond3A_259 = arith.cmpi ne, %convert_element_type3A_257, %cond3A_258 : i32
      scf.if %cond3A_259 {
        %add3A_290 = arith.constant 5 : i32
        %add3A_291 = arith.addi %add3A_248, %add3A_290 : i32
        %dma_start3A_292 = arith.constant 0 : i32
        %dma_start3A_293 = tpu.memref_slice %arg7[%add3A_291, %dma_start3A_292] : memref<160x128xi32, #tpu.memory_space<vmem>> -> memref<1x128xi32, #tpu.memory_space<vmem>>
        %dma_start3A_294 = tpu.memref_squeeze %dma_start3A_293 : memref<1x128xi32, #tpu.memory_space<vmem>> -> memref<128xi32, #tpu.memory_space<vmem>>
        %dma_start3A_295 = arith.constant 0 : i32
        %dma_start3A_296 = arith.constant 0 : i32
        %dma_start3A_297 = tpu.memref_slice %arg2[%dma_start3A_295, %dma_start3A_296] : memref<20000x32xf32, #tpu.memory_space<hbm>> -> memref<20000x32xf32, #tpu.memory_space<hbm>>
        tpu.enqueue_indirect_dma source(%dma_start3A_297 : memref<20000x32xf32, #tpu.memory_space<hbm>>) target(%arg12 : memref<128x32xf32, #tpu.memory_space<vmem>>) offsets(%dma_start3A_294 : memref<128xi32, #tpu.memory_space<vmem>>) semaphore(%arg18 : memref<!tpu.dma_semaphore, #tpu.memory_space<semaphore_mem>>)
      } else {
      }
      %mul3A_260 = arith.constant 5 : i32
      %mul3A_261 = arith.muli %mul3A_260, %scan3A_217 : i32
      %add3A_262 = arith.constant 3 : i32
      %add3A_263 = arith.addi %mul3A_261, %add3A_262 : i32
      %dma_wait3A_264 = arith.constant 0 : i32
      %dma_wait3A_265 = tpu.memref_slice %arg7[%add3A_263, %dma_wait3A_264] : memref<160x128xi32, #tpu.memory_space<vmem>> -> memref<1x128xi32, #tpu.memory_space<vmem>>
      %dma_wait3A_266 = tpu.memref_squeeze %dma_wait3A_265 : memref<1x128xi32, #tpu.memory_space<vmem>> -> memref<128xi32, #tpu.memory_space<vmem>>
      %dma_wait3A_267 = arith.constant 0 : i32
      %dma_wait3A_268 = arith.constant 0 : i32
      %dma_wait3A_269 = tpu.memref_slice %arg2[%dma_wait3A_267, %dma_wait3A_268] : memref<20000x32xf32, #tpu.memory_space<hbm>> -> memref<20000x32xf32, #tpu.memory_space<hbm>>
      tpu.wait_indirect_dma semaphore(%arg19 : memref<!tpu.dma_semaphore, #tpu.memory_space<semaphore_mem>>) src(%dma_wait3A_269 : memref<20000x32xf32, #tpu.memory_space<hbm>>) dst(%arg13 : memref<128x32xf32, #tpu.memory_space<vmem>>)
      "tpu.region"() ({
        %run_scoped3A = tpu.sem_alloc : memref<!tpu.dma_semaphore, #tpu.memory_space<semaphore_mem>>
        %dma_start3A_290 = arith.constant 0 : i32
        %dma_start3A_291 = tpu.memref_slice %arg8[%add3A_263, %dma_start3A_290] : memref<160x128xi32, #tpu.memory_space<vmem>> -> memref<1x128xi32, #tpu.memory_space<vmem>>
        %dma_start3A_292 = tpu.memref_squeeze %dma_start3A_291 : memref<1x128xi32, #tpu.memory_space<vmem>> -> memref<128xi32, #tpu.memory_space<vmem>>
        %dma_start3A_293 = arith.constant 0 : i32
        %dma_start3A_294 = arith.constant 0 : i32
        %dma_start3A_295 = tpu.memref_slice %arg14[%dma_start3A_293, %dma_start3A_294] : memref<10240x32xf32, #tpu.memory_space<vmem_shared>> -> memref<10240x32xf32, #tpu.memory_space<vmem_shared>>
        tpu.enqueue_indirect_dma source(%arg13 : memref<128x32xf32, #tpu.memory_space<vmem>>) target(%dma_start3A_295 : memref<10240x32xf32, #tpu.memory_space<vmem_shared>>) offsets(%dma_start3A_292 : memref<128xi32, #tpu.memory_space<vmem>>) semaphore(%run_scoped3A : memref<!tpu.dma_semaphore, #tpu.memory_space<semaphore_mem>>) {add = true}
        %dma_wait3A_296 = arith.constant 0 : i32
        %dma_wait3A_297 = tpu.memref_slice %arg8[%add3A_263, %dma_wait3A_296] : memref<160x128xi32, #tpu.memory_space<vmem>> -> memref<1x128xi32, #tpu.memory_space<vmem>>
        %dma_wait3A_298 = tpu.memref_squeeze %dma_wait3A_297 : memref<1x128xi32, #tpu.memory_space<vmem>> -> memref<128xi32, #tpu.memory_space<vmem>>
        %dma_wait3A_299 = arith.constant 0 : i32
        %dma_wait3A_300 = arith.constant 0 : i32
        %dma_wait3A_301 = tpu.memref_slice %arg14[%dma_wait3A_299, %dma_wait3A_300] : memref<10240x32xf32, #tpu.memory_space<vmem_shared>> -> memref<10240x32xf32, #tpu.memory_space<vmem_shared>>
        tpu.wait_indirect_dma semaphore(%run_scoped3A : memref<!tpu.dma_semaphore, #tpu.memory_space<semaphore_mem>>) src(%arg13 : memref<128x32xf32, #tpu.memory_space<vmem>>) dst(%dma_wait3A_301 : memref<10240x32xf32, #tpu.memory_space<vmem_shared>>)
        tpu.yield
      }) : () -> ()
      %lt3A_270 = arith.constant 31 : i32
      %lt3A_271 = arith.cmpi slt, %scan3A_217, %lt3A_270 : i32
      %convert_element_type3A_272 = arith.extui %lt3A_271 : i1 to i32
      %cond3A_273 = arith.constant 0 : i32
      %cond3A_274 = arith.cmpi ne, %convert_element_type3A_272, %cond3A_273 : i32
      scf.if %cond3A_274 {
        %add3A_290 = arith.constant 5 : i32
        %add3A_291 = arith.addi %add3A_263, %add3A_290 : i32
        %dma_start3A_292 = arith.constant 0 : i32
        %dma_start3A_293 = tpu.memref_slice %arg7[%add3A_291, %dma_start3A_292] : memref<160x128xi32, #tpu.memory_space<vmem>> -> memref<1x128xi32, #tpu.memory_space<vmem>>
        %dma_start3A_294 = tpu.memref_squeeze %dma_start3A_293 : memref<1x128xi32, #tpu.memory_space<vmem>> -> memref<128xi32, #tpu.memory_space<vmem>>
        %dma_start3A_295 = arith.constant 0 : i32
        %dma_start3A_296 = arith.constant 0 : i32
        %dma_start3A_297 = tpu.memref_slice %arg2[%dma_start3A_295, %dma_start3A_296] : memref<20000x32xf32, #tpu.memory_space<hbm>> -> memref<20000x32xf32, #tpu.memory_space<hbm>>
        tpu.enqueue_indirect_dma source(%dma_start3A_297 : memref<20000x32xf32, #tpu.memory_space<hbm>>) target(%arg13 : memref<128x32xf32, #tpu.memory_space<vmem>>) offsets(%dma_start3A_294 : memref<128xi32, #tpu.memory_space<vmem>>) semaphore(%arg19 : memref<!tpu.dma_semaphore, #tpu.memory_space<semaphore_mem>>)
      } else {
      }
      %mul3A_275 = arith.constant 5 : i32
      %mul3A_276 = arith.muli %mul3A_275, %scan3A_217 : i32
      %add3A_277 = arith.constant 4 : i32
      %add3A_278 = arith.addi %mul3A_276, %add3A_277 : i32
      %dma_wait3A_279 = arith.constant 0 : i32
      %dma_wait3A_280 = tpu.memref_slice %arg7[%add3A_278, %dma_wait3A_279] : memref<160x128xi32, #tpu.memory_space<vmem>> -> memref<1x128xi32, #tpu.memory_space<vmem>>
      %dma_wait3A_281 = tpu.memref_squeeze %dma_wait3A_280 : memref<1x128xi32, #tpu.memory_space<vmem>> -> memref<128xi32, #tpu.memory_space<vmem>>
      %dma_wait3A_282 = arith.constant 0 : i32
      %dma_wait3A_283 = arith.constant 0 : i32
      %dma_wait3A_284 = tpu.memref_slice %arg2[%dma_wait3A_282, %dma_wait3A_283] : memref<20000x32xf32, #tpu.memory_space<hbm>> -> memref<20000x32xf32, #tpu.memory_space<hbm>>
      tpu.wait_indirect_dma semaphore(%arg15 : memref<!tpu.dma_semaphore, #tpu.memory_space<semaphore_mem>>) src(%dma_wait3A_284 : memref<20000x32xf32, #tpu.memory_space<hbm>>) dst(%arg9 : memref<128x32xf32, #tpu.memory_space<vmem>>)
      "tpu.region"() ({
        %run_scoped3A = tpu.sem_alloc : memref<!tpu.dma_semaphore, #tpu.memory_space<semaphore_mem>>
        %dma_start3A_290 = arith.constant 0 : i32
        %dma_start3A_291 = tpu.memref_slice %arg8[%add3A_278, %dma_start3A_290] : memref<160x128xi32, #tpu.memory_space<vmem>> -> memref<1x128xi32, #tpu.memory_space<vmem>>
        %dma_start3A_292 = tpu.memref_squeeze %dma_start3A_291 : memref<1x128xi32, #tpu.memory_space<vmem>> -> memref<128xi32, #tpu.memory_space<vmem>>
        %dma_start3A_293 = arith.constant 0 : i32
        %dma_start3A_294 = arith.constant 0 : i32
        %dma_start3A_295 = tpu.memref_slice %arg14[%dma_start3A_293, %dma_start3A_294] : memref<10240x32xf32, #tpu.memory_space<vmem_shared>> -> memref<10240x32xf32, #tpu.memory_space<vmem_shared>>
        tpu.enqueue_indirect_dma source(%arg9 : memref<128x32xf32, #tpu.memory_space<vmem>>) target(%dma_start3A_295 : memref<10240x32xf32, #tpu.memory_space<vmem_shared>>) offsets(%dma_start3A_292 : memref<128xi32, #tpu.memory_space<vmem>>) semaphore(%run_scoped3A : memref<!tpu.dma_semaphore, #tpu.memory_space<semaphore_mem>>) {add = true}
        %dma_wait3A_296 = arith.constant 0 : i32
        %dma_wait3A_297 = tpu.memref_slice %arg8[%add3A_278, %dma_wait3A_296] : memref<160x128xi32, #tpu.memory_space<vmem>> -> memref<1x128xi32, #tpu.memory_space<vmem>>
        %dma_wait3A_298 = tpu.memref_squeeze %dma_wait3A_297 : memref<1x128xi32, #tpu.memory_space<vmem>> -> memref<128xi32, #tpu.memory_space<vmem>>
        %dma_wait3A_299 = arith.constant 0 : i32
        %dma_wait3A_300 = arith.constant 0 : i32
        %dma_wait3A_301 = tpu.memref_slice %arg14[%dma_wait3A_299, %dma_wait3A_300] : memref<10240x32xf32, #tpu.memory_space<vmem_shared>> -> memref<10240x32xf32, #tpu.memory_space<vmem_shared>>
        tpu.wait_indirect_dma semaphore(%run_scoped3A : memref<!tpu.dma_semaphore, #tpu.memory_space<semaphore_mem>>) src(%arg9 : memref<128x32xf32, #tpu.memory_space<vmem>>) dst(%dma_wait3A_301 : memref<10240x32xf32, #tpu.memory_space<vmem_shared>>)
        tpu.yield
      }) : () -> ()
      %lt3A_285 = arith.constant 31 : i32
      %lt3A_286 = arith.cmpi slt, %scan3A_217, %lt3A_285 : i32
      %convert_element_type3A_287 = arith.extui %lt3A_286 : i1 to i32
      %cond3A_288 = arith.constant 0 : i32
      %cond3A_289 = arith.cmpi ne, %convert_element_type3A_287, %cond3A_288 : i32
      scf.if %cond3A_289 {
        %add3A_290 = arith.constant 5 : i32
        %add3A_291 = arith.addi %add3A_278, %add3A_290 : i32
        %dma_start3A_292 = arith.constant 0 : i32
        %dma_start3A_293 = tpu.memref_slice %arg7[%add3A_291, %dma_start3A_292] : memref<160x128xi32, #tpu.memory_space<vmem>> -> memref<1x128xi32, #tpu.memory_space<vmem>>
        %dma_start3A_294 = tpu.memref_squeeze %dma_start3A_293 : memref<1x128xi32, #tpu.memory_space<vmem>> -> memref<128xi32, #tpu.memory_space<vmem>>
        %dma_start3A_295 = arith.constant 0 : i32
        %dma_start3A_296 = arith.constant 0 : i32
        %dma_start3A_297 = tpu.memref_slice %arg2[%dma_start3A_295, %dma_start3A_296] : memref<20000x32xf32, #tpu.memory_space<hbm>> -> memref<20000x32xf32, #tpu.memory_space<hbm>>
        tpu.enqueue_indirect_dma source(%dma_start3A_297 : memref<20000x32xf32, #tpu.memory_space<hbm>>) target(%arg9 : memref<128x32xf32, #tpu.memory_space<vmem>>) offsets(%dma_start3A_294 : memref<128xi32, #tpu.memory_space<vmem>>) semaphore(%arg15 : memref<!tpu.dma_semaphore, #tpu.memory_space<semaphore_mem>>)
      } else {
      }
    }
    %scan3A_56 = arith.constant 32 : i32
    %barrier3A_57 = arith.constant 0 : index
    tpu.barrier barrier_id(%barrier3A_57)
    %mul3A_58 = arith.constant 640 : i32
    %mul3A_59 = arith.muli %arg1, %mul3A_58 : i32
    %add3A_60 = arith.constant 0 : i32
    %add3A_61 = arith.addi %mul3A_59, %add3A_60 : i32
    %dma_start3A_62 = arith.constant 0 : i32
    %dma_start3A_63 = tpu.memref_slice %arg14[%add3A_61, %dma_start3A_62] : memref<10240x32xf32, #tpu.memory_space<vmem_shared>> -> memref<128x32xf32, #tpu.memory_space<vmem_shared>>
    %dma_start3A_64 = arith.constant 0 : i32
    %dma_start3A_65 = tpu.memref_slice %arg14[%add3A_61, %dma_start3A_64] : memref<10240x32xf32, #tpu.memory_space<vmem_shared>> -> memref<128x32xf32, #tpu.memory_space<vmem_shared>>
    tpu.enqueue_dma source(%dma_start3A_65 : memref<128x32xf32, #tpu.memory_space<vmem_shared>>) target(%arg9 : memref<128x32xf32, #tpu.memory_space<vmem>>) target_semaphore(%arg15 : memref<!tpu.dma_semaphore, #tpu.memory_space<semaphore_mem>>)
    %mul3A_66 = arith.constant 640 : i32
    %mul3A_67 = arith.muli %arg1, %mul3A_66 : i32
    %add3A_68 = arith.constant 128 : i32
    %add3A_69 = arith.addi %mul3A_67, %add3A_68 : i32
    %dma_start3A_70 = arith.constant 0 : i32
    %dma_start3A_71 = tpu.memref_slice %arg14[%add3A_69, %dma_start3A_70] : memref<10240x32xf32, #tpu.memory_space<vmem_shared>> -> memref<128x32xf32, #tpu.memory_space<vmem_shared>>
    %dma_start3A_72 = arith.constant 0 : i32
    %dma_start3A_73 = tpu.memref_slice %arg14[%add3A_69, %dma_start3A_72] : memref<10240x32xf32, #tpu.memory_space<vmem_shared>> -> memref<128x32xf32, #tpu.memory_space<vmem_shared>>
    tpu.enqueue_dma source(%dma_start3A_73 : memref<128x32xf32, #tpu.memory_space<vmem_shared>>) target(%arg10 : memref<128x32xf32, #tpu.memory_space<vmem>>) target_semaphore(%arg16 : memref<!tpu.dma_semaphore, #tpu.memory_space<semaphore_mem>>)
    %mul3A_74 = arith.constant 640 : i32
    %mul3A_75 = arith.muli %arg1, %mul3A_74 : i32
    %add3A_76 = arith.constant 256 : i32
    %add3A_77 = arith.addi %mul3A_75, %add3A_76 : i32
    %dma_start3A_78 = arith.constant 0 : i32
    %dma_start3A_79 = tpu.memref_slice %arg14[%add3A_77, %dma_start3A_78] : memref<10240x32xf32, #tpu.memory_space<vmem_shared>> -> memref<128x32xf32, #tpu.memory_space<vmem_shared>>
    %dma_start3A_80 = arith.constant 0 : i32
    %dma_start3A_81 = tpu.memref_slice %arg14[%add3A_77, %dma_start3A_80] : memref<10240x32xf32, #tpu.memory_space<vmem_shared>> -> memref<128x32xf32, #tpu.memory_space<vmem_shared>>
    tpu.enqueue_dma source(%dma_start3A_81 : memref<128x32xf32, #tpu.memory_space<vmem_shared>>) target(%arg11 : memref<128x32xf32, #tpu.memory_space<vmem>>) target_semaphore(%arg17 : memref<!tpu.dma_semaphore, #tpu.memory_space<semaphore_mem>>)
    %mul3A_82 = arith.constant 640 : i32
    %mul3A_83 = arith.muli %arg1, %mul3A_82 : i32
    %add3A_84 = arith.constant 384 : i32
    %add3A_85 = arith.addi %mul3A_83, %add3A_84 : i32
    %dma_start3A_86 = arith.constant 0 : i32
    %dma_start3A_87 = tpu.memref_slice %arg14[%add3A_85, %dma_start3A_86] : memref<10240x32xf32, #tpu.memory_space<vmem_shared>> -> memref<128x32xf32, #tpu.memory_space<vmem_shared>>
    %dma_start3A_88 = arith.constant 0 : i32
    %dma_start3A_89 = tpu.memref_slice %arg14[%add3A_85, %dma_start3A_88] : memref<10240x32xf32, #tpu.memory_space<vmem_shared>> -> memref<128x32xf32, #tpu.memory_space<vmem_shared>>
    tpu.enqueue_dma source(%dma_start3A_89 : memref<128x32xf32, #tpu.memory_space<vmem_shared>>) target(%arg12 : memref<128x32xf32, #tpu.memory_space<vmem>>) target_semaphore(%arg18 : memref<!tpu.dma_semaphore, #tpu.memory_space<semaphore_mem>>)
    %mul3A_90 = arith.constant 640 : i32
    %mul3A_91 = arith.muli %arg1, %mul3A_90 : i32
    %add3A_92 = arith.constant 512 : i32
    %add3A_93 = arith.addi %mul3A_91, %add3A_92 : i32
    %dma_start3A_94 = arith.constant 0 : i32
    %dma_start3A_95 = tpu.memref_slice %arg14[%add3A_93, %dma_start3A_94] : memref<10240x32xf32, #tpu.memory_space<vmem_shared>> -> memref<128x32xf32, #tpu.memory_space<vmem_shared>>
    %dma_start3A_96 = arith.constant 0 : i32
    %dma_start3A_97 = tpu.memref_slice %arg14[%add3A_93, %dma_start3A_96] : memref<10240x32xf32, #tpu.memory_space<vmem_shared>> -> memref<128x32xf32, #tpu.memory_space<vmem_shared>>
    tpu.enqueue_dma source(%dma_start3A_97 : memref<128x32xf32, #tpu.memory_space<vmem_shared>>) target(%arg13 : memref<128x32xf32, #tpu.memory_space<vmem>>) target_semaphore(%arg19 : memref<!tpu.dma_semaphore, #tpu.memory_space<semaphore_mem>>)
    %mul3A_98 = arith.constant 640 : i32
    %mul3A_99 = arith.muli %arg1, %mul3A_98 : i32
    %add3A_100 = arith.constant 0 : i32
    %add3A_101 = arith.addi %mul3A_99, %add3A_100 : i32
    %dma_wait3A = arith.constant 0 : i32
    %dma_wait3A_102 = tpu.memref_slice %arg14[%add3A_101, %dma_wait3A] : memref<10240x32xf32, #tpu.memory_space<vmem_shared>> -> memref<128x32xf32, #tpu.memory_space<vmem_shared>>
    %dma_wait3A_103 = arith.constant 0 : i32
    %dma_wait3A_104 = tpu.memref_slice %arg14[%add3A_101, %dma_wait3A_103] : memref<10240x32xf32, #tpu.memory_space<vmem_shared>> -> memref<128x32xf32, #tpu.memory_space<vmem_shared>>
    tpu.wait_dma2 semaphore(%arg15 : memref<!tpu.dma_semaphore, #tpu.memory_space<semaphore_mem>>) src(%dma_wait3A_104 : memref<128x32xf32, #tpu.memory_space<vmem_shared>>) dst(%arg9 : memref<128x32xf32, #tpu.memory_space<vmem>>)
    %dma_start3A_105 = arith.constant 0 : i32
    %dma_start3A_106 = tpu.memref_slice %arg6[%arg0, %add3A_101, %dma_start3A_105] : memref<2x10240x32xf32, #tpu.memory_space<hbm>> -> memref<1x128x32xf32, #tpu.memory_space<hbm>>
    %dma_start3A_107 = tpu.memref_squeeze %dma_start3A_106 : memref<1x128x32xf32, #tpu.memory_space<hbm>> -> memref<128x32xf32, #tpu.memory_space<hbm>>
    %dma_start3A_108 = arith.constant 0 : i32
    %dma_start3A_109 = tpu.memref_slice %arg6[%arg0, %add3A_101, %dma_start3A_108] : memref<2x10240x32xf32, #tpu.memory_space<hbm>> -> memref<1x128x32xf32, #tpu.memory_space<hbm>>
    %dma_start3A_110 = tpu.memref_squeeze %dma_start3A_109 : memref<1x128x32xf32, #tpu.memory_space<hbm>> -> memref<128x32xf32, #tpu.memory_space<hbm>>
    tpu.enqueue_dma source(%arg9 : memref<128x32xf32, #tpu.memory_space<vmem>>) target(%dma_start3A_110 : memref<128x32xf32, #tpu.memory_space<hbm>>) target_semaphore(%arg15 : memref<!tpu.dma_semaphore, #tpu.memory_space<semaphore_mem>>)
    %mul3A_111 = arith.constant 640 : i32
    %mul3A_112 = arith.muli %arg1, %mul3A_111 : i32
    %add3A_113 = arith.constant 128 : i32
    %add3A_114 = arith.addi %mul3A_112, %add3A_113 : i32
    %dma_wait3A_115 = arith.constant 0 : i32
    %dma_wait3A_116 = tpu.memref_slice %arg14[%add3A_114, %dma_wait3A_115] : memref<10240x32xf32, #tpu.memory_space<vmem_shared>> -> memref<128x32xf32, #tpu.memory_space<vmem_shared>>
    %dma_wait3A_117 = arith.constant 0 : i32
    %dma_wait3A_118 = tpu.memref_slice %arg14[%add3A_114, %dma_wait3A_117] : memref<10240x32xf32, #tpu.memory_space<vmem_shared>> -> memref<128x32xf32, #tpu.memory_space<vmem_shared>>
    tpu.wait_dma2 semaphore(%arg16 : memref<!tpu.dma_semaphore, #tpu.memory_space<semaphore_mem>>) src(%dma_wait3A_118 : memref<128x32xf32, #tpu.memory_space<vmem_shared>>) dst(%arg10 : memref<128x32xf32, #tpu.memory_space<vmem>>)
    %dma_start3A_119 = arith.constant 0 : i32
    %dma_start3A_120 = tpu.memref_slice %arg6[%arg0, %add3A_114, %dma_start3A_119] : memref<2x10240x32xf32, #tpu.memory_space<hbm>> -> memref<1x128x32xf32, #tpu.memory_space<hbm>>
    %dma_start3A_121 = tpu.memref_squeeze %dma_start3A_120 : memref<1x128x32xf32, #tpu.memory_space<hbm>> -> memref<128x32xf32, #tpu.memory_space<hbm>>
    %dma_start3A_122 = arith.constant 0 : i32
    %dma_start3A_123 = tpu.memref_slice %arg6[%arg0, %add3A_114, %dma_start3A_122] : memref<2x10240x32xf32, #tpu.memory_space<hbm>> -> memref<1x128x32xf32, #tpu.memory_space<hbm>>
    %dma_start3A_124 = tpu.memref_squeeze %dma_start3A_123 : memref<1x128x32xf32, #tpu.memory_space<hbm>> -> memref<128x32xf32, #tpu.memory_space<hbm>>
    tpu.enqueue_dma source(%arg10 : memref<128x32xf32, #tpu.memory_space<vmem>>) target(%dma_start3A_124 : memref<128x32xf32, #tpu.memory_space<hbm>>) target_semaphore(%arg16 : memref<!tpu.dma_semaphore, #tpu.memory_space<semaphore_mem>>)
    %mul3A_125 = arith.constant 640 : i32
    %mul3A_126 = arith.muli %arg1, %mul3A_125 : i32
    %add3A_127 = arith.constant 256 : i32
    %add3A_128 = arith.addi %mul3A_126, %add3A_127 : i32
    %dma_wait3A_129 = arith.constant 0 : i32
    %dma_wait3A_130 = tpu.memref_slice %arg14[%add3A_128, %dma_wait3A_129] : memref<10240x32xf32, #tpu.memory_space<vmem_shared>> -> memref<128x32xf32, #tpu.memory_space<vmem_shared>>
    %dma_wait3A_131 = arith.constant 0 : i32
    %dma_wait3A_132 = tpu.memref_slice %arg14[%add3A_128, %dma_wait3A_131] : memref<10240x32xf32, #tpu.memory_space<vmem_shared>> -> memref<128x32xf32, #tpu.memory_space<vmem_shared>>
    tpu.wait_dma2 semaphore(%arg17 : memref<!tpu.dma_semaphore, #tpu.memory_space<semaphore_mem>>) src(%dma_wait3A_132 : memref<128x32xf32, #tpu.memory_space<vmem_shared>>) dst(%arg11 : memref<128x32xf32, #tpu.memory_space<vmem>>)
    %dma_start3A_133 = arith.constant 0 : i32
    %dma_start3A_134 = tpu.memref_slice %arg6[%arg0, %add3A_128, %dma_start3A_133] : memref<2x10240x32xf32, #tpu.memory_space<hbm>> -> memref<1x128x32xf32, #tpu.memory_space<hbm>>
    %dma_start3A_135 = tpu.memref_squeeze %dma_start3A_134 : memref<1x128x32xf32, #tpu.memory_space<hbm>> -> memref<128x32xf32, #tpu.memory_space<hbm>>
    %dma_start3A_136 = arith.constant 0 : i32
    %dma_start3A_137 = tpu.memref_slice %arg6[%arg0, %add3A_128, %dma_start3A_136] : memref<2x10240x32xf32, #tpu.memory_space<hbm>> -> memref<1x128x32xf32, #tpu.memory_space<hbm>>
    %dma_start3A_138 = tpu.memref_squeeze %dma_start3A_137 : memref<1x128x32xf32, #tpu.memory_space<hbm>> -> memref<128x32xf32, #tpu.memory_space<hbm>>
    tpu.enqueue_dma source(%arg11 : memref<128x32xf32, #tpu.memory_space<vmem>>) target(%dma_start3A_138 : memref<128x32xf32, #tpu.memory_space<hbm>>) target_semaphore(%arg17 : memref<!tpu.dma_semaphore, #tpu.memory_space<semaphore_mem>>)
    %mul3A_139 = arith.constant 640 : i32
    %mul3A_140 = arith.muli %arg1, %mul3A_139 : i32
    %add3A_141 = arith.constant 384 : i32
    %add3A_142 = arith.addi %mul3A_140, %add3A_141 : i32
    %dma_wait3A_143 = arith.constant 0 : i32
    %dma_wait3A_144 = tpu.memref_slice %arg14[%add3A_142, %dma_wait3A_143] : memref<10240x32xf32, #tpu.memory_space<vmem_shared>> -> memref<128x32xf32, #tpu.memory_space<vmem_shared>>
    %dma_wait3A_145 = arith.constant 0 : i32
    %dma_wait3A_146 = tpu.memref_slice %arg14[%add3A_142, %dma_wait3A_145] : memref<10240x32xf32, #tpu.memory_space<vmem_shared>> -> memref<128x32xf32, #tpu.memory_space<vmem_shared>>
    tpu.wait_dma2 semaphore(%arg18 : memref<!tpu.dma_semaphore, #tpu.memory_space<semaphore_mem>>) src(%dma_wait3A_146 : memref<128x32xf32, #tpu.memory_space<vmem_shared>>) dst(%arg12 : memref<128x32xf32, #tpu.memory_space<vmem>>)
    %dma_start3A_147 = arith.constant 0 : i32
    %dma_start3A_148 = tpu.memref_slice %arg6[%arg0, %add3A_142, %dma_start3A_147] : memref<2x10240x32xf32, #tpu.memory_space<hbm>> -> memref<1x128x32xf32, #tpu.memory_space<hbm>>
    %dma_start3A_149 = tpu.memref_squeeze %dma_start3A_148 : memref<1x128x32xf32, #tpu.memory_space<hbm>> -> memref<128x32xf32, #tpu.memory_space<hbm>>
    %dma_start3A_150 = arith.constant 0 : i32
    %dma_start3A_151 = tpu.memref_slice %arg6[%arg0, %add3A_142, %dma_start3A_150] : memref<2x10240x32xf32, #tpu.memory_space<hbm>> -> memref<1x128x32xf32, #tpu.memory_space<hbm>>
    %dma_start3A_152 = tpu.memref_squeeze %dma_start3A_151 : memref<1x128x32xf32, #tpu.memory_space<hbm>> -> memref<128x32xf32, #tpu.memory_space<hbm>>
    tpu.enqueue_dma source(%arg12 : memref<128x32xf32, #tpu.memory_space<vmem>>) target(%dma_start3A_152 : memref<128x32xf32, #tpu.memory_space<hbm>>) target_semaphore(%arg18 : memref<!tpu.dma_semaphore, #tpu.memory_space<semaphore_mem>>)
    %mul3A_153 = arith.constant 640 : i32
    %mul3A_154 = arith.muli %arg1, %mul3A_153 : i32
    %add3A_155 = arith.constant 512 : i32
    %add3A_156 = arith.addi %mul3A_154, %add3A_155 : i32
    %dma_wait3A_157 = arith.constant 0 : i32
    %dma_wait3A_158 = tpu.memref_slice %arg14[%add3A_156, %dma_wait3A_157] : memref<10240x32xf32, #tpu.memory_space<vmem_shared>> -> memref<128x32xf32, #tpu.memory_space<vmem_shared>>
    %dma_wait3A_159 = arith.constant 0 : i32
    %dma_wait3A_160 = tpu.memref_slice %arg14[%add3A_156, %dma_wait3A_159] : memref<10240x32xf32, #tpu.memory_space<vmem_shared>> -> memref<128x32xf32, #tpu.memory_space<vmem_shared>>
    tpu.wait_dma2 semaphore(%arg19 : memref<!tpu.dma_semaphore, #tpu.memory_space<semaphore_mem>>) src(%dma_wait3A_160 : memref<128x32xf32, #tpu.memory_space<vmem_shared>>) dst(%arg13 : memref<128x32xf32, #tpu.memory_space<vmem>>)
    %dma_start3A_161 = arith.constant 0 : i32
    %dma_start3A_162 = tpu.memref_slice %arg6[%arg0, %add3A_156, %dma_start3A_161] : memref<2x10240x32xf32, #tpu.memory_space<hbm>> -> memref<1x128x32xf32, #tpu.memory_space<hbm>>
    %dma_start3A_163 = tpu.memref_squeeze %dma_start3A_162 : memref<1x128x32xf32, #tpu.memory_space<hbm>> -> memref<128x32xf32, #tpu.memory_space<hbm>>
    %dma_start3A_164 = arith.constant 0 : i32
    %dma_start3A_165 = tpu.memref_slice %arg6[%arg0, %add3A_156, %dma_start3A_164] : memref<2x10240x32xf32, #tpu.memory_space<hbm>> -> memref<1x128x32xf32, #tpu.memory_space<hbm>>
    %dma_start3A_166 = tpu.memref_squeeze %dma_start3A_165 : memref<1x128x32xf32, #tpu.memory_space<hbm>> -> memref<128x32xf32, #tpu.memory_space<hbm>>
    tpu.enqueue_dma source(%arg13 : memref<128x32xf32, #tpu.memory_space<vmem>>) target(%dma_start3A_166 : memref<128x32xf32, #tpu.memory_space<hbm>>) target_semaphore(%arg19 : memref<!tpu.dma_semaphore, #tpu.memory_space<semaphore_mem>>)
    %mul3A_167 = arith.constant 640 : i32
    %mul3A_168 = arith.muli %arg1, %mul3A_167 : i32
    %add3A_169 = arith.constant 0 : i32
    %add3A_170 = arith.addi %mul3A_168, %add3A_169 : i32
    %dma_wait3A_171 = arith.constant 0 : i32
    %dma_wait3A_172 = tpu.memref_slice %arg6[%arg0, %add3A_170, %dma_wait3A_171] : memref<2x10240x32xf32, #tpu.memory_space<hbm>> -> memref<1x128x32xf32, #tpu.memory_space<hbm>>
    %dma_wait3A_173 = tpu.memref_squeeze %dma_wait3A_172 : memref<1x128x32xf32, #tpu.memory_space<hbm>> -> memref<128x32xf32, #tpu.memory_space<hbm>>
    %dma_wait3A_174 = arith.constant 0 : i32
    %dma_wait3A_175 = tpu.memref_slice %arg6[%arg0, %add3A_170, %dma_wait3A_174] : memref<2x10240x32xf32, #tpu.memory_space<hbm>> -> memref<1x128x32xf32, #tpu.memory_space<hbm>>
    %dma_wait3A_176 = tpu.memref_squeeze %dma_wait3A_175 : memref<1x128x32xf32, #tpu.memory_space<hbm>> -> memref<128x32xf32, #tpu.memory_space<hbm>>
    tpu.wait_dma2 semaphore(%arg15 : memref<!tpu.dma_semaphore, #tpu.memory_space<semaphore_mem>>) src(%arg9 : memref<128x32xf32, #tpu.memory_space<vmem>>) dst(%dma_wait3A_176 : memref<128x32xf32, #tpu.memory_space<hbm>>)
    %mul3A_177 = arith.constant 640 : i32
    %mul3A_178 = arith.muli %arg1, %mul3A_177 : i32
    %add3A_179 = arith.constant 128 : i32
    %add3A_180 = arith.addi %mul3A_178, %add3A_179 : i32
    %dma_wait3A_181 = arith.constant 0 : i32
    %dma_wait3A_182 = tpu.memref_slice %arg6[%arg0, %add3A_180, %dma_wait3A_181] : memref<2x10240x32xf32, #tpu.memory_space<hbm>> -> memref<1x128x32xf32, #tpu.memory_space<hbm>>
    %dma_wait3A_183 = tpu.memref_squeeze %dma_wait3A_182 : memref<1x128x32xf32, #tpu.memory_space<hbm>> -> memref<128x32xf32, #tpu.memory_space<hbm>>
    %dma_wait3A_184 = arith.constant 0 : i32
    %dma_wait3A_185 = tpu.memref_slice %arg6[%arg0, %add3A_180, %dma_wait3A_184] : memref<2x10240x32xf32, #tpu.memory_space<hbm>> -> memref<1x128x32xf32, #tpu.memory_space<hbm>>
    %dma_wait3A_186 = tpu.memref_squeeze %dma_wait3A_185 : memref<1x128x32xf32, #tpu.memory_space<hbm>> -> memref<128x32xf32, #tpu.memory_space<hbm>>
    tpu.wait_dma2 semaphore(%arg16 : memref<!tpu.dma_semaphore, #tpu.memory_space<semaphore_mem>>) src(%arg10 : memref<128x32xf32, #tpu.memory_space<vmem>>) dst(%dma_wait3A_186 : memref<128x32xf32, #tpu.memory_space<hbm>>)
    %mul3A_187 = arith.constant 640 : i32
    %mul3A_188 = arith.muli %arg1, %mul3A_187 : i32
    %add3A_189 = arith.constant 256 : i32
    %add3A_190 = arith.addi %mul3A_188, %add3A_189 : i32
    %dma_wait3A_191 = arith.constant 0 : i32
    %dma_wait3A_192 = tpu.memref_slice %arg6[%arg0, %add3A_190, %dma_wait3A_191] : memref<2x10240x32xf32, #tpu.memory_space<hbm>> -> memref<1x128x32xf32, #tpu.memory_space<hbm>>
    %dma_wait3A_193 = tpu.memref_squeeze %dma_wait3A_192 : memref<1x128x32xf32, #tpu.memory_space<hbm>> -> memref<128x32xf32, #tpu.memory_space<hbm>>
    %dma_wait3A_194 = arith.constant 0 : i32
    %dma_wait3A_195 = tpu.memref_slice %arg6[%arg0, %add3A_190, %dma_wait3A_194] : memref<2x10240x32xf32, #tpu.memory_space<hbm>> -> memref<1x128x32xf32, #tpu.memory_space<hbm>>
    %dma_wait3A_196 = tpu.memref_squeeze %dma_wait3A_195 : memref<1x128x32xf32, #tpu.memory_space<hbm>> -> memref<128x32xf32, #tpu.memory_space<hbm>>
    tpu.wait_dma2 semaphore(%arg17 : memref<!tpu.dma_semaphore, #tpu.memory_space<semaphore_mem>>) src(%arg11 : memref<128x32xf32, #tpu.memory_space<vmem>>) dst(%dma_wait3A_196 : memref<128x32xf32, #tpu.memory_space<hbm>>)
    %mul3A_197 = arith.constant 640 : i32
    %mul3A_198 = arith.muli %arg1, %mul3A_197 : i32
    %add3A_199 = arith.constant 384 : i32
    %add3A_200 = arith.addi %mul3A_198, %add3A_199 : i32
    %dma_wait3A_201 = arith.constant 0 : i32
    %dma_wait3A_202 = tpu.memref_slice %arg6[%arg0, %add3A_200, %dma_wait3A_201] : memref<2x10240x32xf32, #tpu.memory_space<hbm>> -> memref<1x128x32xf32, #tpu.memory_space<hbm>>
    %dma_wait3A_203 = tpu.memref_squeeze %dma_wait3A_202 : memref<1x128x32xf32, #tpu.memory_space<hbm>> -> memref<128x32xf32, #tpu.memory_space<hbm>>
    %dma_wait3A_204 = arith.constant 0 : i32
    %dma_wait3A_205 = tpu.memref_slice %arg6[%arg0, %add3A_200, %dma_wait3A_204] : memref<2x10240x32xf32, #tpu.memory_space<hbm>> -> memref<1x128x32xf32, #tpu.memory_space<hbm>>
    %dma_wait3A_206 = tpu.memref_squeeze %dma_wait3A_205 : memref<1x128x32xf32, #tpu.memory_space<hbm>> -> memref<128x32xf32, #tpu.memory_space<hbm>>
    tpu.wait_dma2 semaphore(%arg18 : memref<!tpu.dma_semaphore, #tpu.memory_space<semaphore_mem>>) src(%arg12 : memref<128x32xf32, #tpu.memory_space<vmem>>) dst(%dma_wait3A_206 : memref<128x32xf32, #tpu.memory_space<hbm>>)
    %mul3A_207 = arith.constant 640 : i32
    %mul3A_208 = arith.muli %arg1, %mul3A_207 : i32
    %add3A_209 = arith.constant 512 : i32
    %add3A_210 = arith.addi %mul3A_208, %add3A_209 : i32
    %dma_wait3A_211 = arith.constant 0 : i32
    %dma_wait3A_212 = tpu.memref_slice %arg6[%arg0, %add3A_210, %dma_wait3A_211] : memref<2x10240x32xf32, #tpu.memory_space<hbm>> -> memref<1x128x32xf32, #tpu.memory_space<hbm>>
    %dma_wait3A_213 = tpu.memref_squeeze %dma_wait3A_212 : memref<1x128x32xf32, #tpu.memory_space<hbm>> -> memref<128x32xf32, #tpu.memory_space<hbm>>
    %dma_wait3A_214 = arith.constant 0 : i32
    %dma_wait3A_215 = tpu.memref_slice %arg6[%arg0, %add3A_210, %dma_wait3A_214] : memref<2x10240x32xf32, #tpu.memory_space<hbm>> -> memref<1x128x32xf32, #tpu.memory_space<hbm>>
    %dma_wait3A_216 = tpu.memref_squeeze %dma_wait3A_215 : memref<1x128x32xf32, #tpu.memory_space<hbm>> -> memref<128x32xf32, #tpu.memory_space<hbm>>
    tpu.wait_dma2 semaphore(%arg19 : memref<!tpu.dma_semaphore, #tpu.memory_space<semaphore_mem>>) src(%arg13 : memref<128x32xf32, #tpu.memory_space<vmem>>) dst(%dma_wait3A_216 : memref<128x32xf32, #tpu.memory_space<hbm>>)
    return
  }
}

#map = affine_map<(d0, d1) -> (0, 0)>
#map1 = affine_map<(d0, d1) -> (0, 0, 0, 0)>
#map2 = affine_map<(d0, d1) -> (0, 0, 0)>
module attributes {stable_mosaic.version = 14 : i64} {
  func.func @_mp_body(%arg0: i32, %arg1: i32, %arg2: memref<20000x64xf32, #tpu.memory_space<hbm>>, %arg3: memref<2x16x160x128xi32, #tpu.memory_space<hbm>>, %arg4: memref<16x160x128xi32, #tpu.memory_space<hbm>>, %arg5: memref<128x64xf32, #tpu.memory_space<hbm>>, %arg6: memref<2x10240x64xf32, #tpu.memory_space<hbm>>, %arg7: memref<160x128xi32, #tpu.memory_space<vmem>>, %arg8: memref<160x128xi32, #tpu.memory_space<vmem>>, %arg9: memref<128x64xf32, #tpu.memory_space<vmem>>, %arg10: memref<128x64xf32, #tpu.memory_space<vmem>>, %arg11: memref<128x64xf32, #tpu.memory_space<vmem>>, %arg12: memref<128x64xf32, #tpu.memory_space<vmem>>, %arg13: memref<128x64xf32, #tpu.memory_space<vmem>>, %arg14: memref<10240x64xf32, #tpu.memory_space<vmem_shared>>, %arg15: memref<!tpu.dma_semaphore, #tpu.memory_space<semaphore_mem>>, %arg16: memref<!tpu.dma_semaphore, #tpu.memory_space<semaphore_mem>>, %arg17: memref<!tpu.dma_semaphore, #tpu.memory_space<semaphore_mem>>, %arg18: memref<!tpu.dma_semaphore, #tpu.memory_space<semaphore_mem>>, %arg19: memref<!tpu.dma_semaphore, #tpu.memory_space<semaphore_mem>>) attributes {dimension_semantics = [#tpu.dimension_semantics<core_parallel>, #tpu.dimension_semantics<subcore_parallel>], iteration_bounds = array<i64: 2, 16>, scalar_prefetch = 0 : i64, scratch_operands = 13 : i64, tpu.core_type = #tpu.core_type<sc_vector_subcore>, window_params = [{transform_indices = #map}, {transform_indices = #map1}, {transform_indices = #map2}, {transform_indices = #map}, {transform_indices = #map2}]} {
    "tpu.region"() ({
      %run_scoped3A = tpu.sem_alloc : memref<!tpu.dma_semaphore, #tpu.memory_space<semaphore_mem>>
      %dma_start3A_217 = arith.constant 0 : i32
      %dma_start3A_218 = arith.constant 0 : i32
      %dma_start3A_219 = tpu.memref_slice %arg3[%arg0, %arg1, %dma_start3A_217, %dma_start3A_218] : memref<2x16x160x128xi32, #tpu.memory_space<hbm>> -> memref<1x1x160x128xi32, #tpu.memory_space<hbm>>
      %dma_start3A_220 = tpu.memref_squeeze %dma_start3A_219 : memref<1x1x160x128xi32, #tpu.memory_space<hbm>> -> memref<160x128xi32, #tpu.memory_space<hbm>>
      %dma_start3A_221 = arith.constant 0 : i32
      %dma_start3A_222 = arith.constant 0 : i32
      %dma_start3A_223 = tpu.memref_slice %arg3[%arg0, %arg1, %dma_start3A_221, %dma_start3A_222] : memref<2x16x160x128xi32, #tpu.memory_space<hbm>> -> memref<1x1x160x128xi32, #tpu.memory_space<hbm>>
      %dma_start3A_224 = tpu.memref_squeeze %dma_start3A_223 : memref<1x1x160x128xi32, #tpu.memory_space<hbm>> -> memref<160x128xi32, #tpu.memory_space<hbm>>
      tpu.enqueue_dma source(%dma_start3A_224 : memref<160x128xi32, #tpu.memory_space<hbm>>) target(%arg7 : memref<160x128xi32, #tpu.memory_space<vmem>>) target_semaphore(%run_scoped3A : memref<!tpu.dma_semaphore, #tpu.memory_space<semaphore_mem>>)
      %dma_wait3A_225 = arith.constant 0 : i32
      %dma_wait3A_226 = arith.constant 0 : i32
      %dma_wait3A_227 = tpu.memref_slice %arg3[%arg0, %arg1, %dma_wait3A_225, %dma_wait3A_226] : memref<2x16x160x128xi32, #tpu.memory_space<hbm>> -> memref<1x1x160x128xi32, #tpu.memory_space<hbm>>
      %dma_wait3A_228 = tpu.memref_squeeze %dma_wait3A_227 : memref<1x1x160x128xi32, #tpu.memory_space<hbm>> -> memref<160x128xi32, #tpu.memory_space<hbm>>
      %dma_wait3A_229 = arith.constant 0 : i32
      %dma_wait3A_230 = arith.constant 0 : i32
      %dma_wait3A_231 = tpu.memref_slice %arg3[%arg0, %arg1, %dma_wait3A_229, %dma_wait3A_230] : memref<2x16x160x128xi32, #tpu.memory_space<hbm>> -> memref<1x1x160x128xi32, #tpu.memory_space<hbm>>
      %dma_wait3A_232 = tpu.memref_squeeze %dma_wait3A_231 : memref<1x1x160x128xi32, #tpu.memory_space<hbm>> -> memref<160x128xi32, #tpu.memory_space<hbm>>
      tpu.wait_dma2 semaphore(%run_scoped3A : memref<!tpu.dma_semaphore, #tpu.memory_space<semaphore_mem>>) src(%dma_wait3A_232 : memref<160x128xi32, #tpu.memory_space<hbm>>) dst(%arg7 : memref<160x128xi32, #tpu.memory_space<vmem>>)
      tpu.yield
    }) : () -> ()
    "tpu.region"() ({
      %run_scoped3A = tpu.sem_alloc : memref<!tpu.dma_semaphore, #tpu.memory_space<semaphore_mem>>
      %dma_start3A_217 = arith.constant 0 : i32
      %dma_start3A_218 = arith.constant 0 : i32
      %dma_start3A_219 = tpu.memref_slice %arg4[%arg1, %dma_start3A_217, %dma_start3A_218] : memref<16x160x128xi32, #tpu.memory_space<hbm>> -> memref<1x160x128xi32, #tpu.memory_space<hbm>>
      %dma_start3A_220 = tpu.memref_squeeze %dma_start3A_219 : memref<1x160x128xi32, #tpu.memory_space<hbm>> -> memref<160x128xi32, #tpu.memory_space<hbm>>
      %dma_start3A_221 = arith.constant 0 : i32
      %dma_start3A_222 = arith.constant 0 : i32
      %dma_start3A_223 = tpu.memref_slice %arg4[%arg1, %dma_start3A_221, %dma_start3A_222] : memref<16x160x128xi32, #tpu.memory_space<hbm>> -> memref<1x160x128xi32, #tpu.memory_space<hbm>>
      %dma_start3A_224 = tpu.memref_squeeze %dma_start3A_223 : memref<1x160x128xi32, #tpu.memory_space<hbm>> -> memref<160x128xi32, #tpu.memory_space<hbm>>
      tpu.enqueue_dma source(%dma_start3A_224 : memref<160x128xi32, #tpu.memory_space<hbm>>) target(%arg8 : memref<160x128xi32, #tpu.memory_space<vmem>>) target_semaphore(%run_scoped3A : memref<!tpu.dma_semaphore, #tpu.memory_space<semaphore_mem>>)
      %dma_wait3A_225 = arith.constant 0 : i32
      %dma_wait3A_226 = arith.constant 0 : i32
      %dma_wait3A_227 = tpu.memref_slice %arg4[%arg1, %dma_wait3A_225, %dma_wait3A_226] : memref<16x160x128xi32, #tpu.memory_space<hbm>> -> memref<1x160x128xi32, #tpu.memory_space<hbm>>
      %dma_wait3A_228 = tpu.memref_squeeze %dma_wait3A_227 : memref<1x160x128xi32, #tpu.memory_space<hbm>> -> memref<160x128xi32, #tpu.memory_space<hbm>>
      %dma_wait3A_229 = arith.constant 0 : i32
      %dma_wait3A_230 = arith.constant 0 : i32
      %dma_wait3A_231 = tpu.memref_slice %arg4[%arg1, %dma_wait3A_229, %dma_wait3A_230] : memref<16x160x128xi32, #tpu.memory_space<hbm>> -> memref<1x160x128xi32, #tpu.memory_space<hbm>>
      %dma_wait3A_232 = tpu.memref_squeeze %dma_wait3A_231 : memref<1x160x128xi32, #tpu.memory_space<hbm>> -> memref<160x128xi32, #tpu.memory_space<hbm>>
      tpu.wait_dma2 semaphore(%run_scoped3A : memref<!tpu.dma_semaphore, #tpu.memory_space<semaphore_mem>>) src(%dma_wait3A_232 : memref<160x128xi32, #tpu.memory_space<hbm>>) dst(%arg8 : memref<160x128xi32, #tpu.memory_space<vmem>>)
      tpu.yield
    }) : () -> ()
    %dma_start3A = arith.constant 0 : i32
    %dma_start3A_0 = arith.constant 0 : i32
    %dma_start3A_1 = tpu.memref_slice %arg7[%dma_start3A, %dma_start3A_0] : memref<160x128xi32, #tpu.memory_space<vmem>> -> memref<1x128xi32, #tpu.memory_space<vmem>>
    %dma_start3A_2 = tpu.memref_squeeze %dma_start3A_1 : memref<1x128xi32, #tpu.memory_space<vmem>> -> memref<128xi32, #tpu.memory_space<vmem>>
    %dma_start3A_3 = arith.constant 0 : i32
    %dma_start3A_4 = arith.constant 0 : i32
    %dma_start3A_5 = tpu.memref_slice %arg2[%dma_start3A_3, %dma_start3A_4] : memref<20000x64xf32, #tpu.memory_space<hbm>> -> memref<20000x64xf32, #tpu.memory_space<hbm>>
    tpu.enqueue_indirect_dma source(%dma_start3A_5 : memref<20000x64xf32, #tpu.memory_space<hbm>>) target(%arg10 : memref<128x64xf32, #tpu.memory_space<vmem>>) offsets(%dma_start3A_2 : memref<128xi32, #tpu.memory_space<vmem>>) semaphore(%arg16 : memref<!tpu.dma_semaphore, #tpu.memory_space<semaphore_mem>>)
    %dma_start3A_6 = arith.constant 1 : i32
    %dma_start3A_7 = arith.constant 0 : i32
    %dma_start3A_8 = tpu.memref_slice %arg7[%dma_start3A_6, %dma_start3A_7] : memref<160x128xi32, #tpu.memory_space<vmem>> -> memref<1x128xi32, #tpu.memory_space<vmem>>
    %dma_start3A_9 = tpu.memref_squeeze %dma_start3A_8 : memref<1x128xi32, #tpu.memory_space<vmem>> -> memref<128xi32, #tpu.memory_space<vmem>>
    %dma_start3A_10 = arith.constant 0 : i32
    %dma_start3A_11 = arith.constant 0 : i32
    %dma_start3A_12 = tpu.memref_slice %arg2[%dma_start3A_10, %dma_start3A_11] : memref<20000x64xf32, #tpu.memory_space<hbm>> -> memref<20000x64xf32, #tpu.memory_space<hbm>>
    tpu.enqueue_indirect_dma source(%dma_start3A_12 : memref<20000x64xf32, #tpu.memory_space<hbm>>) target(%arg11 : memref<128x64xf32, #tpu.memory_space<vmem>>) offsets(%dma_start3A_9 : memref<128xi32, #tpu.memory_space<vmem>>) semaphore(%arg17 : memref<!tpu.dma_semaphore, #tpu.memory_space<semaphore_mem>>)
    %dma_start3A_13 = arith.constant 2 : i32
    %dma_start3A_14 = arith.constant 0 : i32
    %dma_start3A_15 = tpu.memref_slice %arg7[%dma_start3A_13, %dma_start3A_14] : memref<160x128xi32, #tpu.memory_space<vmem>> -> memref<1x128xi32, #tpu.memory_space<vmem>>
    %dma_start3A_16 = tpu.memref_squeeze %dma_start3A_15 : memref<1x128xi32, #tpu.memory_space<vmem>> -> memref<128xi32, #tpu.memory_space<vmem>>
    %dma_start3A_17 = arith.constant 0 : i32
    %dma_start3A_18 = arith.constant 0 : i32
    %dma_start3A_19 = tpu.memref_slice %arg2[%dma_start3A_17, %dma_start3A_18] : memref<20000x64xf32, #tpu.memory_space<hbm>> -> memref<20000x64xf32, #tpu.memory_space<hbm>>
    tpu.enqueue_indirect_dma source(%dma_start3A_19 : memref<20000x64xf32, #tpu.memory_space<hbm>>) target(%arg12 : memref<128x64xf32, #tpu.memory_space<vmem>>) offsets(%dma_start3A_16 : memref<128xi32, #tpu.memory_space<vmem>>) semaphore(%arg18 : memref<!tpu.dma_semaphore, #tpu.memory_space<semaphore_mem>>)
    %dma_start3A_20 = arith.constant 3 : i32
    %dma_start3A_21 = arith.constant 0 : i32
    %dma_start3A_22 = tpu.memref_slice %arg7[%dma_start3A_20, %dma_start3A_21] : memref<160x128xi32, #tpu.memory_space<vmem>> -> memref<1x128xi32, #tpu.memory_space<vmem>>
    %dma_start3A_23 = tpu.memref_squeeze %dma_start3A_22 : memref<1x128xi32, #tpu.memory_space<vmem>> -> memref<128xi32, #tpu.memory_space<vmem>>
    %dma_start3A_24 = arith.constant 0 : i32
    %dma_start3A_25 = arith.constant 0 : i32
    %dma_start3A_26 = tpu.memref_slice %arg2[%dma_start3A_24, %dma_start3A_25] : memref<20000x64xf32, #tpu.memory_space<hbm>> -> memref<20000x64xf32, #tpu.memory_space<hbm>>
    tpu.enqueue_indirect_dma source(%dma_start3A_26 : memref<20000x64xf32, #tpu.memory_space<hbm>>) target(%arg13 : memref<128x64xf32, #tpu.memory_space<vmem>>) offsets(%dma_start3A_23 : memref<128xi32, #tpu.memory_space<vmem>>) semaphore(%arg19 : memref<!tpu.dma_semaphore, #tpu.memory_space<semaphore_mem>>)
    "tpu.region"() ({
      %run_scoped3A = tpu.sem_alloc : memref<!tpu.dma_semaphore, #tpu.memory_space<semaphore_mem>>
      tpu.enqueue_dma source(%arg5 : memref<128x64xf32, #tpu.memory_space<hbm>>) target(%arg9 : memref<128x64xf32, #tpu.memory_space<vmem>>) target_semaphore(%run_scoped3A : memref<!tpu.dma_semaphore, #tpu.memory_space<semaphore_mem>>)
      tpu.wait_dma2 semaphore(%run_scoped3A : memref<!tpu.dma_semaphore, #tpu.memory_space<semaphore_mem>>) src(%arg5 : memref<128x64xf32, #tpu.memory_space<hbm>>) dst(%arg9 : memref<128x64xf32, #tpu.memory_space<vmem>>)
      tpu.yield
    }) : () -> ()
    %mul3A = arith.constant 640 : i32
    %mul3A_27 = arith.muli %arg1, %mul3A : i32
    %add3A = arith.constant 0 : i32
    %add3A_28 = arith.addi %mul3A_27, %add3A : i32
    "tpu.region"() ({
      %run_scoped3A = tpu.sem_alloc : memref<!tpu.dma_semaphore, #tpu.memory_space<semaphore_mem>>
      %dma_start3A_217 = arith.constant 0 : i32
      %dma_start3A_218 = tpu.memref_slice %arg14[%add3A_28, %dma_start3A_217] : memref<10240x64xf32, #tpu.memory_space<vmem_shared>> -> memref<128x64xf32, #tpu.memory_space<vmem_shared>>
      %dma_start3A_219 = arith.constant 0 : i32
      %dma_start3A_220 = tpu.memref_slice %arg14[%add3A_28, %dma_start3A_219] : memref<10240x64xf32, #tpu.memory_space<vmem_shared>> -> memref<128x64xf32, #tpu.memory_space<vmem_shared>>
      tpu.enqueue_dma source(%arg9 : memref<128x64xf32, #tpu.memory_space<vmem>>) target(%dma_start3A_220 : memref<128x64xf32, #tpu.memory_space<vmem_shared>>) target_semaphore(%run_scoped3A : memref<!tpu.dma_semaphore, #tpu.memory_space<semaphore_mem>>)
      %dma_wait3A_221 = arith.constant 0 : i32
      %dma_wait3A_222 = tpu.memref_slice %arg14[%add3A_28, %dma_wait3A_221] : memref<10240x64xf32, #tpu.memory_space<vmem_shared>> -> memref<128x64xf32, #tpu.memory_space<vmem_shared>>
      %dma_wait3A_223 = arith.constant 0 : i32
      %dma_wait3A_224 = tpu.memref_slice %arg14[%add3A_28, %dma_wait3A_223] : memref<10240x64xf32, #tpu.memory_space<vmem_shared>> -> memref<128x64xf32, #tpu.memory_space<vmem_shared>>
      tpu.wait_dma2 semaphore(%run_scoped3A : memref<!tpu.dma_semaphore, #tpu.memory_space<semaphore_mem>>) src(%arg9 : memref<128x64xf32, #tpu.memory_space<vmem>>) dst(%dma_wait3A_224 : memref<128x64xf32, #tpu.memory_space<vmem_shared>>)
      tpu.yield
    }) : () -> ()
    %mul3A_29 = arith.constant 640 : i32
    %mul3A_30 = arith.muli %arg1, %mul3A_29 : i32
    %add3A_31 = arith.constant 128 : i32
    %add3A_32 = arith.addi %mul3A_30, %add3A_31 : i32
    "tpu.region"() ({
      %run_scoped3A = tpu.sem_alloc : memref<!tpu.dma_semaphore, #tpu.memory_space<semaphore_mem>>
      %dma_start3A_217 = arith.constant 0 : i32
      %dma_start3A_218 = tpu.memref_slice %arg14[%add3A_32, %dma_start3A_217] : memref<10240x64xf32, #tpu.memory_space<vmem_shared>> -> memref<128x64xf32, #tpu.memory_space<vmem_shared>>
      %dma_start3A_219 = arith.constant 0 : i32
      %dma_start3A_220 = tpu.memref_slice %arg14[%add3A_32, %dma_start3A_219] : memref<10240x64xf32, #tpu.memory_space<vmem_shared>> -> memref<128x64xf32, #tpu.memory_space<vmem_shared>>
      tpu.enqueue_dma source(%arg9 : memref<128x64xf32, #tpu.memory_space<vmem>>) target(%dma_start3A_220 : memref<128x64xf32, #tpu.memory_space<vmem_shared>>) target_semaphore(%run_scoped3A : memref<!tpu.dma_semaphore, #tpu.memory_space<semaphore_mem>>)
      %dma_wait3A_221 = arith.constant 0 : i32
      %dma_wait3A_222 = tpu.memref_slice %arg14[%add3A_32, %dma_wait3A_221] : memref<10240x64xf32, #tpu.memory_space<vmem_shared>> -> memref<128x64xf32, #tpu.memory_space<vmem_shared>>
      %dma_wait3A_223 = arith.constant 0 : i32
      %dma_wait3A_224 = tpu.memref_slice %arg14[%add3A_32, %dma_wait3A_223] : memref<10240x64xf32, #tpu.memory_space<vmem_shared>> -> memref<128x64xf32, #tpu.memory_space<vmem_shared>>
      tpu.wait_dma2 semaphore(%run_scoped3A : memref<!tpu.dma_semaphore, #tpu.memory_space<semaphore_mem>>) src(%arg9 : memref<128x64xf32, #tpu.memory_space<vmem>>) dst(%dma_wait3A_224 : memref<128x64xf32, #tpu.memory_space<vmem_shared>>)
      tpu.yield
    }) : () -> ()
    %mul3A_33 = arith.constant 640 : i32
    %mul3A_34 = arith.muli %arg1, %mul3A_33 : i32
    %add3A_35 = arith.constant 256 : i32
    %add3A_36 = arith.addi %mul3A_34, %add3A_35 : i32
    "tpu.region"() ({
      %run_scoped3A = tpu.sem_alloc : memref<!tpu.dma_semaphore, #tpu.memory_space<semaphore_mem>>
      %dma_start3A_217 = arith.constant 0 : i32
      %dma_start3A_218 = tpu.memref_slice %arg14[%add3A_36, %dma_start3A_217] : memref<10240x64xf32, #tpu.memory_space<vmem_shared>> -> memref<128x64xf32, #tpu.memory_space<vmem_shared>>
      %dma_start3A_219 = arith.constant 0 : i32
      %dma_start3A_220 = tpu.memref_slice %arg14[%add3A_36, %dma_start3A_219] : memref<10240x64xf32, #tpu.memory_space<vmem_shared>> -> memref<128x64xf32, #tpu.memory_space<vmem_shared>>
      tpu.enqueue_dma source(%arg9 : memref<128x64xf32, #tpu.memory_space<vmem>>) target(%dma_start3A_220 : memref<128x64xf32, #tpu.memory_space<vmem_shared>>) target_semaphore(%run_scoped3A : memref<!tpu.dma_semaphore, #tpu.memory_space<semaphore_mem>>)
      %dma_wait3A_221 = arith.constant 0 : i32
      %dma_wait3A_222 = tpu.memref_slice %arg14[%add3A_36, %dma_wait3A_221] : memref<10240x64xf32, #tpu.memory_space<vmem_shared>> -> memref<128x64xf32, #tpu.memory_space<vmem_shared>>
      %dma_wait3A_223 = arith.constant 0 : i32
      %dma_wait3A_224 = tpu.memref_slice %arg14[%add3A_36, %dma_wait3A_223] : memref<10240x64xf32, #tpu.memory_space<vmem_shared>> -> memref<128x64xf32, #tpu.memory_space<vmem_shared>>
      tpu.wait_dma2 semaphore(%run_scoped3A : memref<!tpu.dma_semaphore, #tpu.memory_space<semaphore_mem>>) src(%arg9 : memref<128x64xf32, #tpu.memory_space<vmem>>) dst(%dma_wait3A_224 : memref<128x64xf32, #tpu.memory_space<vmem_shared>>)
      tpu.yield
    }) : () -> ()
    %mul3A_37 = arith.constant 640 : i32
    %mul3A_38 = arith.muli %arg1, %mul3A_37 : i32
    %add3A_39 = arith.constant 384 : i32
    %add3A_40 = arith.addi %mul3A_38, %add3A_39 : i32
    "tpu.region"() ({
      %run_scoped3A = tpu.sem_alloc : memref<!tpu.dma_semaphore, #tpu.memory_space<semaphore_mem>>
      %dma_start3A_217 = arith.constant 0 : i32
      %dma_start3A_218 = tpu.memref_slice %arg14[%add3A_40, %dma_start3A_217] : memref<10240x64xf32, #tpu.memory_space<vmem_shared>> -> memref<128x64xf32, #tpu.memory_space<vmem_shared>>
      %dma_start3A_219 = arith.constant 0 : i32
      %dma_start3A_220 = tpu.memref_slice %arg14[%add3A_40, %dma_start3A_219] : memref<10240x64xf32, #tpu.memory_space<vmem_shared>> -> memref<128x64xf32, #tpu.memory_space<vmem_shared>>
      tpu.enqueue_dma source(%arg9 : memref<128x64xf32, #tpu.memory_space<vmem>>) target(%dma_start3A_220 : memref<128x64xf32, #tpu.memory_space<vmem_shared>>) target_semaphore(%run_scoped3A : memref<!tpu.dma_semaphore, #tpu.memory_space<semaphore_mem>>)
      %dma_wait3A_221 = arith.constant 0 : i32
      %dma_wait3A_222 = tpu.memref_slice %arg14[%add3A_40, %dma_wait3A_221] : memref<10240x64xf32, #tpu.memory_space<vmem_shared>> -> memref<128x64xf32, #tpu.memory_space<vmem_shared>>
      %dma_wait3A_223 = arith.constant 0 : i32
      %dma_wait3A_224 = tpu.memref_slice %arg14[%add3A_40, %dma_wait3A_223] : memref<10240x64xf32, #tpu.memory_space<vmem_shared>> -> memref<128x64xf32, #tpu.memory_space<vmem_shared>>
      tpu.wait_dma2 semaphore(%run_scoped3A : memref<!tpu.dma_semaphore, #tpu.memory_space<semaphore_mem>>) src(%arg9 : memref<128x64xf32, #tpu.memory_space<vmem>>) dst(%dma_wait3A_224 : memref<128x64xf32, #tpu.memory_space<vmem_shared>>)
      tpu.yield
    }) : () -> ()
    %mul3A_41 = arith.constant 640 : i32
    %mul3A_42 = arith.muli %arg1, %mul3A_41 : i32
    %add3A_43 = arith.constant 512 : i32
    %add3A_44 = arith.addi %mul3A_42, %add3A_43 : i32
    "tpu.region"() ({
      %run_scoped3A = tpu.sem_alloc : memref<!tpu.dma_semaphore, #tpu.memory_space<semaphore_mem>>
      %dma_start3A_217 = arith.constant 0 : i32
      %dma_start3A_218 = tpu.memref_slice %arg14[%add3A_44, %dma_start3A_217] : memref<10240x64xf32, #tpu.memory_space<vmem_shared>> -> memref<128x64xf32, #tpu.memory_space<vmem_shared>>
      %dma_start3A_219 = arith.constant 0 : i32
      %dma_start3A_220 = tpu.memref_slice %arg14[%add3A_44, %dma_start3A_219] : memref<10240x64xf32, #tpu.memory_space<vmem_shared>> -> memref<128x64xf32, #tpu.memory_space<vmem_shared>>
      tpu.enqueue_dma source(%arg9 : memref<128x64xf32, #tpu.memory_space<vmem>>) target(%dma_start3A_220 : memref<128x64xf32, #tpu.memory_space<vmem_shared>>) target_semaphore(%run_scoped3A : memref<!tpu.dma_semaphore, #tpu.memory_space<semaphore_mem>>)
      %dma_wait3A_221 = arith.constant 0 : i32
      %dma_wait3A_222 = tpu.memref_slice %arg14[%add3A_44, %dma_wait3A_221] : memref<10240x64xf32, #tpu.memory_space<vmem_shared>> -> memref<128x64xf32, #tpu.memory_space<vmem_shared>>
      %dma_wait3A_223 = arith.constant 0 : i32
      %dma_wait3A_224 = tpu.memref_slice %arg14[%add3A_44, %dma_wait3A_223] : memref<10240x64xf32, #tpu.memory_space<vmem_shared>> -> memref<128x64xf32, #tpu.memory_space<vmem_shared>>
      tpu.wait_dma2 semaphore(%run_scoped3A : memref<!tpu.dma_semaphore, #tpu.memory_space<semaphore_mem>>) src(%arg9 : memref<128x64xf32, #tpu.memory_space<vmem>>) dst(%dma_wait3A_224 : memref<128x64xf32, #tpu.memory_space<vmem_shared>>)
      tpu.yield
    }) : () -> ()
    %barrier3A = arith.constant 0 : index
    tpu.barrier barrier_id(%barrier3A)
    %dma_start3A_45 = arith.constant 4 : i32
    %dma_start3A_46 = arith.constant 0 : i32
    %dma_start3A_47 = tpu.memref_slice %arg7[%dma_start3A_45, %dma_start3A_46] : memref<160x128xi32, #tpu.memory_space<vmem>> -> memref<1x128xi32, #tpu.memory_space<vmem>>
    %dma_start3A_48 = tpu.memref_squeeze %dma_start3A_47 : memref<1x128xi32, #tpu.memory_space<vmem>> -> memref<128xi32, #tpu.memory_space<vmem>>
    %dma_start3A_49 = arith.constant 0 : i32
    %dma_start3A_50 = arith.constant 0 : i32
    %dma_start3A_51 = tpu.memref_slice %arg2[%dma_start3A_49, %dma_start3A_50] : memref<20000x64xf32, #tpu.memory_space<hbm>> -> memref<20000x64xf32, #tpu.memory_space<hbm>>
    tpu.enqueue_indirect_dma source(%dma_start3A_51 : memref<20000x64xf32, #tpu.memory_space<hbm>>) target(%arg9 : memref<128x64xf32, #tpu.memory_space<vmem>>) offsets(%dma_start3A_48 : memref<128xi32, #tpu.memory_space<vmem>>) semaphore(%arg15 : memref<!tpu.dma_semaphore, #tpu.memory_space<semaphore_mem>>)
    %scan3A = arith.constant 0 : i32
    %scan3A_52 = arith.constant 0 : i32
    %scan3A_53 = arith.constant 32 : i32
    %scan3A_54 = arith.addi %scan3A_52, %scan3A_53 : i32
    %scan3A_55 = arith.constant 1 : i32
    scf.for %scan3A_217 = %scan3A_52 to %scan3A_54 step %scan3A_55  : i32 {
      %mul3A_218 = arith.constant 5 : i32
      %mul3A_219 = arith.muli %mul3A_218, %scan3A_217 : i32
      %add3A_220 = arith.constant 0 : i32
      %add3A_221 = arith.addi %mul3A_219, %add3A_220 : i32
      %dma_wait3A_222 = arith.constant 0 : i32
      %dma_wait3A_223 = tpu.memref_slice %arg7[%add3A_221, %dma_wait3A_222] : memref<160x128xi32, #tpu.memory_space<vmem>> -> memref<1x128xi32, #tpu.memory_space<vmem>>
      %dma_wait3A_224 = tpu.memref_squeeze %dma_wait3A_223 : memref<1x128xi32, #tpu.memory_space<vmem>> -> memref<128xi32, #tpu.memory_space<vmem>>
      %dma_wait3A_225 = arith.constant 0 : i32
      %dma_wait3A_226 = arith.constant 0 : i32
      %dma_wait3A_227 = tpu.memref_slice %arg2[%dma_wait3A_225, %dma_wait3A_226] : memref<20000x64xf32, #tpu.memory_space<hbm>> -> memref<20000x64xf32, #tpu.memory_space<hbm>>
      tpu.wait_indirect_dma semaphore(%arg16 : memref<!tpu.dma_semaphore, #tpu.memory_space<semaphore_mem>>) src(%dma_wait3A_227 : memref<20000x64xf32, #tpu.memory_space<hbm>>) dst(%arg10 : memref<128x64xf32, #tpu.memory_space<vmem>>)
      "tpu.region"() ({
        %run_scoped3A = tpu.sem_alloc : memref<!tpu.dma_semaphore, #tpu.memory_space<semaphore_mem>>
        %dma_start3A_290 = arith.constant 0 : i32
        %dma_start3A_291 = tpu.memref_slice %arg8[%add3A_221, %dma_start3A_290] : memref<160x128xi32, #tpu.memory_space<vmem>> -> memref<1x128xi32, #tpu.memory_space<vmem>>
        %dma_start3A_292 = tpu.memref_squeeze %dma_start3A_291 : memref<1x128xi32, #tpu.memory_space<vmem>> -> memref<128xi32, #tpu.memory_space<vmem>>
        %dma_start3A_293 = arith.constant 0 : i32
        %dma_start3A_294 = arith.constant 0 : i32
        %dma_start3A_295 = tpu.memref_slice %arg14[%dma_start3A_293, %dma_start3A_294] : memref<10240x64xf32, #tpu.memory_space<vmem_shared>> -> memref<10240x64xf32, #tpu.memory_space<vmem_shared>>
        tpu.enqueue_indirect_dma source(%arg10 : memref<128x64xf32, #tpu.memory_space<vmem>>) target(%dma_start3A_295 : memref<10240x64xf32, #tpu.memory_space<vmem_shared>>) offsets(%dma_start3A_292 : memref<128xi32, #tpu.memory_space<vmem>>) semaphore(%run_scoped3A : memref<!tpu.dma_semaphore, #tpu.memory_space<semaphore_mem>>) {add = true}
        %dma_wait3A_296 = arith.constant 0 : i32
        %dma_wait3A_297 = tpu.memref_slice %arg8[%add3A_221, %dma_wait3A_296] : memref<160x128xi32, #tpu.memory_space<vmem>> -> memref<1x128xi32, #tpu.memory_space<vmem>>
        %dma_wait3A_298 = tpu.memref_squeeze %dma_wait3A_297 : memref<1x128xi32, #tpu.memory_space<vmem>> -> memref<128xi32, #tpu.memory_space<vmem>>
        %dma_wait3A_299 = arith.constant 0 : i32
        %dma_wait3A_300 = arith.constant 0 : i32
        %dma_wait3A_301 = tpu.memref_slice %arg14[%dma_wait3A_299, %dma_wait3A_300] : memref<10240x64xf32, #tpu.memory_space<vmem_shared>> -> memref<10240x64xf32, #tpu.memory_space<vmem_shared>>
        tpu.wait_indirect_dma semaphore(%run_scoped3A : memref<!tpu.dma_semaphore, #tpu.memory_space<semaphore_mem>>) src(%arg10 : memref<128x64xf32, #tpu.memory_space<vmem>>) dst(%dma_wait3A_301 : memref<10240x64xf32, #tpu.memory_space<vmem_shared>>)
        tpu.yield
      }) : () -> ()
      %lt3A = arith.constant 31 : i32
      %lt3A_228 = arith.cmpi slt, %scan3A_217, %lt3A : i32
      %convert_element_type3A = arith.extui %lt3A_228 : i1 to i32
      %cond3A = arith.constant 0 : i32
      %cond3A_229 = arith.cmpi ne, %convert_element_type3A, %cond3A : i32
      scf.if %cond3A_229 {
        %add3A_290 = arith.constant 5 : i32
        %add3A_291 = arith.addi %add3A_221, %add3A_290 : i32
        %dma_start3A_292 = arith.constant 0 : i32
        %dma_start3A_293 = tpu.memref_slice %arg7[%add3A_291, %dma_start3A_292] : memref<160x128xi32, #tpu.memory_space<vmem>> -> memref<1x128xi32, #tpu.memory_space<vmem>>
        %dma_start3A_294 = tpu.memref_squeeze %dma_start3A_293 : memref<1x128xi32, #tpu.memory_space<vmem>> -> memref<128xi32, #tpu.memory_space<vmem>>
        %dma_start3A_295 = arith.constant 0 : i32
        %dma_start3A_296 = arith.constant 0 : i32
        %dma_start3A_297 = tpu.memref_slice %arg2[%dma_start3A_295, %dma_start3A_296] : memref<20000x64xf32, #tpu.memory_space<hbm>> -> memref<20000x64xf32, #tpu.memory_space<hbm>>
        tpu.enqueue_indirect_dma source(%dma_start3A_297 : memref<20000x64xf32, #tpu.memory_space<hbm>>) target(%arg10 : memref<128x64xf32, #tpu.memory_space<vmem>>) offsets(%dma_start3A_294 : memref<128xi32, #tpu.memory_space<vmem>>) semaphore(%arg16 : memref<!tpu.dma_semaphore, #tpu.memory_space<semaphore_mem>>)
      } else {
      }
      %mul3A_230 = arith.constant 5 : i32
      %mul3A_231 = arith.muli %mul3A_230, %scan3A_217 : i32
      %add3A_232 = arith.constant 1 : i32
      %add3A_233 = arith.addi %mul3A_231, %add3A_232 : i32
      %dma_wait3A_234 = arith.constant 0 : i32
      %dma_wait3A_235 = tpu.memref_slice %arg7[%add3A_233, %dma_wait3A_234] : memref<160x128xi32, #tpu.memory_space<vmem>> -> memref<1x128xi32, #tpu.memory_space<vmem>>
      %dma_wait3A_236 = tpu.memref_squeeze %dma_wait3A_235 : memref<1x128xi32, #tpu.memory_space<vmem>> -> memref<128xi32, #tpu.memory_space<vmem>>
      %dma_wait3A_237 = arith.constant 0 : i32
      %dma_wait3A_238 = arith.constant 0 : i32
      %dma_wait3A_239 = tpu.memref_slice %arg2[%dma_wait3A_237, %dma_wait3A_238] : memref<20000x64xf32, #tpu.memory_space<hbm>> -> memref<20000x64xf32, #tpu.memory_space<hbm>>
      tpu.wait_indirect_dma semaphore(%arg17 : memref<!tpu.dma_semaphore, #tpu.memory_space<semaphore_mem>>) src(%dma_wait3A_239 : memref<20000x64xf32, #tpu.memory_space<hbm>>) dst(%arg11 : memref<128x64xf32, #tpu.memory_space<vmem>>)
      "tpu.region"() ({
        %run_scoped3A = tpu.sem_alloc : memref<!tpu.dma_semaphore, #tpu.memory_space<semaphore_mem>>
        %dma_start3A_290 = arith.constant 0 : i32
        %dma_start3A_291 = tpu.memref_slice %arg8[%add3A_233, %dma_start3A_290] : memref<160x128xi32, #tpu.memory_space<vmem>> -> memref<1x128xi32, #tpu.memory_space<vmem>>
        %dma_start3A_292 = tpu.memref_squeeze %dma_start3A_291 : memref<1x128xi32, #tpu.memory_space<vmem>> -> memref<128xi32, #tpu.memory_space<vmem>>
        %dma_start3A_293 = arith.constant 0 : i32
        %dma_start3A_294 = arith.constant 0 : i32
        %dma_start3A_295 = tpu.memref_slice %arg14[%dma_start3A_293, %dma_start3A_294] : memref<10240x64xf32, #tpu.memory_space<vmem_shared>> -> memref<10240x64xf32, #tpu.memory_space<vmem_shared>>
        tpu.enqueue_indirect_dma source(%arg11 : memref<128x64xf32, #tpu.memory_space<vmem>>) target(%dma_start3A_295 : memref<10240x64xf32, #tpu.memory_space<vmem_shared>>) offsets(%dma_start3A_292 : memref<128xi32, #tpu.memory_space<vmem>>) semaphore(%run_scoped3A : memref<!tpu.dma_semaphore, #tpu.memory_space<semaphore_mem>>) {add = true}
        %dma_wait3A_296 = arith.constant 0 : i32
        %dma_wait3A_297 = tpu.memref_slice %arg8[%add3A_233, %dma_wait3A_296] : memref<160x128xi32, #tpu.memory_space<vmem>> -> memref<1x128xi32, #tpu.memory_space<vmem>>
        %dma_wait3A_298 = tpu.memref_squeeze %dma_wait3A_297 : memref<1x128xi32, #tpu.memory_space<vmem>> -> memref<128xi32, #tpu.memory_space<vmem>>
        %dma_wait3A_299 = arith.constant 0 : i32
        %dma_wait3A_300 = arith.constant 0 : i32
        %dma_wait3A_301 = tpu.memref_slice %arg14[%dma_wait3A_299, %dma_wait3A_300] : memref<10240x64xf32, #tpu.memory_space<vmem_shared>> -> memref<10240x64xf32, #tpu.memory_space<vmem_shared>>
        tpu.wait_indirect_dma semaphore(%run_scoped3A : memref<!tpu.dma_semaphore, #tpu.memory_space<semaphore_mem>>) src(%arg11 : memref<128x64xf32, #tpu.memory_space<vmem>>) dst(%dma_wait3A_301 : memref<10240x64xf32, #tpu.memory_space<vmem_shared>>)
        tpu.yield
      }) : () -> ()
      %lt3A_240 = arith.constant 31 : i32
      %lt3A_241 = arith.cmpi slt, %scan3A_217, %lt3A_240 : i32
      %convert_element_type3A_242 = arith.extui %lt3A_241 : i1 to i32
      %cond3A_243 = arith.constant 0 : i32
      %cond3A_244 = arith.cmpi ne, %convert_element_type3A_242, %cond3A_243 : i32
      scf.if %cond3A_244 {
        %add3A_290 = arith.constant 5 : i32
        %add3A_291 = arith.addi %add3A_233, %add3A_290 : i32
        %dma_start3A_292 = arith.constant 0 : i32
        %dma_start3A_293 = tpu.memref_slice %arg7[%add3A_291, %dma_start3A_292] : memref<160x128xi32, #tpu.memory_space<vmem>> -> memref<1x128xi32, #tpu.memory_space<vmem>>
        %dma_start3A_294 = tpu.memref_squeeze %dma_start3A_293 : memref<1x128xi32, #tpu.memory_space<vmem>> -> memref<128xi32, #tpu.memory_space<vmem>>
        %dma_start3A_295 = arith.constant 0 : i32
        %dma_start3A_296 = arith.constant 0 : i32
        %dma_start3A_297 = tpu.memref_slice %arg2[%dma_start3A_295, %dma_start3A_296] : memref<20000x64xf32, #tpu.memory_space<hbm>> -> memref<20000x64xf32, #tpu.memory_space<hbm>>
        tpu.enqueue_indirect_dma source(%dma_start3A_297 : memref<20000x64xf32, #tpu.memory_space<hbm>>) target(%arg11 : memref<128x64xf32, #tpu.memory_space<vmem>>) offsets(%dma_start3A_294 : memref<128xi32, #tpu.memory_space<vmem>>) semaphore(%arg17 : memref<!tpu.dma_semaphore, #tpu.memory_space<semaphore_mem>>)
      } else {
      }
      %mul3A_245 = arith.constant 5 : i32
      %mul3A_246 = arith.muli %mul3A_245, %scan3A_217 : i32
      %add3A_247 = arith.constant 2 : i32
      %add3A_248 = arith.addi %mul3A_246, %add3A_247 : i32
      %dma_wait3A_249 = arith.constant 0 : i32
      %dma_wait3A_250 = tpu.memref_slice %arg7[%add3A_248, %dma_wait3A_249] : memref<160x128xi32, #tpu.memory_space<vmem>> -> memref<1x128xi32, #tpu.memory_space<vmem>>
      %dma_wait3A_251 = tpu.memref_squeeze %dma_wait3A_250 : memref<1x128xi32, #tpu.memory_space<vmem>> -> memref<128xi32, #tpu.memory_space<vmem>>
      %dma_wait3A_252 = arith.constant 0 : i32
      %dma_wait3A_253 = arith.constant 0 : i32
      %dma_wait3A_254 = tpu.memref_slice %arg2[%dma_wait3A_252, %dma_wait3A_253] : memref<20000x64xf32, #tpu.memory_space<hbm>> -> memref<20000x64xf32, #tpu.memory_space<hbm>>
      tpu.wait_indirect_dma semaphore(%arg18 : memref<!tpu.dma_semaphore, #tpu.memory_space<semaphore_mem>>) src(%dma_wait3A_254 : memref<20000x64xf32, #tpu.memory_space<hbm>>) dst(%arg12 : memref<128x64xf32, #tpu.memory_space<vmem>>)
      "tpu.region"() ({
        %run_scoped3A = tpu.sem_alloc : memref<!tpu.dma_semaphore, #tpu.memory_space<semaphore_mem>>
        %dma_start3A_290 = arith.constant 0 : i32
        %dma_start3A_291 = tpu.memref_slice %arg8[%add3A_248, %dma_start3A_290] : memref<160x128xi32, #tpu.memory_space<vmem>> -> memref<1x128xi32, #tpu.memory_space<vmem>>
        %dma_start3A_292 = tpu.memref_squeeze %dma_start3A_291 : memref<1x128xi32, #tpu.memory_space<vmem>> -> memref<128xi32, #tpu.memory_space<vmem>>
        %dma_start3A_293 = arith.constant 0 : i32
        %dma_start3A_294 = arith.constant 0 : i32
        %dma_start3A_295 = tpu.memref_slice %arg14[%dma_start3A_293, %dma_start3A_294] : memref<10240x64xf32, #tpu.memory_space<vmem_shared>> -> memref<10240x64xf32, #tpu.memory_space<vmem_shared>>
        tpu.enqueue_indirect_dma source(%arg12 : memref<128x64xf32, #tpu.memory_space<vmem>>) target(%dma_start3A_295 : memref<10240x64xf32, #tpu.memory_space<vmem_shared>>) offsets(%dma_start3A_292 : memref<128xi32, #tpu.memory_space<vmem>>) semaphore(%run_scoped3A : memref<!tpu.dma_semaphore, #tpu.memory_space<semaphore_mem>>) {add = true}
        %dma_wait3A_296 = arith.constant 0 : i32
        %dma_wait3A_297 = tpu.memref_slice %arg8[%add3A_248, %dma_wait3A_296] : memref<160x128xi32, #tpu.memory_space<vmem>> -> memref<1x128xi32, #tpu.memory_space<vmem>>
        %dma_wait3A_298 = tpu.memref_squeeze %dma_wait3A_297 : memref<1x128xi32, #tpu.memory_space<vmem>> -> memref<128xi32, #tpu.memory_space<vmem>>
        %dma_wait3A_299 = arith.constant 0 : i32
        %dma_wait3A_300 = arith.constant 0 : i32
        %dma_wait3A_301 = tpu.memref_slice %arg14[%dma_wait3A_299, %dma_wait3A_300] : memref<10240x64xf32, #tpu.memory_space<vmem_shared>> -> memref<10240x64xf32, #tpu.memory_space<vmem_shared>>
        tpu.wait_indirect_dma semaphore(%run_scoped3A : memref<!tpu.dma_semaphore, #tpu.memory_space<semaphore_mem>>) src(%arg12 : memref<128x64xf32, #tpu.memory_space<vmem>>) dst(%dma_wait3A_301 : memref<10240x64xf32, #tpu.memory_space<vmem_shared>>)
        tpu.yield
      }) : () -> ()
      %lt3A_255 = arith.constant 31 : i32
      %lt3A_256 = arith.cmpi slt, %scan3A_217, %lt3A_255 : i32
      %convert_element_type3A_257 = arith.extui %lt3A_256 : i1 to i32
      %cond3A_258 = arith.constant 0 : i32
      %cond3A_259 = arith.cmpi ne, %convert_element_type3A_257, %cond3A_258 : i32
      scf.if %cond3A_259 {
        %add3A_290 = arith.constant 5 : i32
        %add3A_291 = arith.addi %add3A_248, %add3A_290 : i32
        %dma_start3A_292 = arith.constant 0 : i32
        %dma_start3A_293 = tpu.memref_slice %arg7[%add3A_291, %dma_start3A_292] : memref<160x128xi32, #tpu.memory_space<vmem>> -> memref<1x128xi32, #tpu.memory_space<vmem>>
        %dma_start3A_294 = tpu.memref_squeeze %dma_start3A_293 : memref<1x128xi32, #tpu.memory_space<vmem>> -> memref<128xi32, #tpu.memory_space<vmem>>
        %dma_start3A_295 = arith.constant 0 : i32
        %dma_start3A_296 = arith.constant 0 : i32
        %dma_start3A_297 = tpu.memref_slice %arg2[%dma_start3A_295, %dma_start3A_296] : memref<20000x64xf32, #tpu.memory_space<hbm>> -> memref<20000x64xf32, #tpu.memory_space<hbm>>
        tpu.enqueue_indirect_dma source(%dma_start3A_297 : memref<20000x64xf32, #tpu.memory_space<hbm>>) target(%arg12 : memref<128x64xf32, #tpu.memory_space<vmem>>) offsets(%dma_start3A_294 : memref<128xi32, #tpu.memory_space<vmem>>) semaphore(%arg18 : memref<!tpu.dma_semaphore, #tpu.memory_space<semaphore_mem>>)
      } else {
      }
      %mul3A_260 = arith.constant 5 : i32
      %mul3A_261 = arith.muli %mul3A_260, %scan3A_217 : i32
      %add3A_262 = arith.constant 3 : i32
      %add3A_263 = arith.addi %mul3A_261, %add3A_262 : i32
      %dma_wait3A_264 = arith.constant 0 : i32
      %dma_wait3A_265 = tpu.memref_slice %arg7[%add3A_263, %dma_wait3A_264] : memref<160x128xi32, #tpu.memory_space<vmem>> -> memref<1x128xi32, #tpu.memory_space<vmem>>
      %dma_wait3A_266 = tpu.memref_squeeze %dma_wait3A_265 : memref<1x128xi32, #tpu.memory_space<vmem>> -> memref<128xi32, #tpu.memory_space<vmem>>
      %dma_wait3A_267 = arith.constant 0 : i32
      %dma_wait3A_268 = arith.constant 0 : i32
      %dma_wait3A_269 = tpu.memref_slice %arg2[%dma_wait3A_267, %dma_wait3A_268] : memref<20000x64xf32, #tpu.memory_space<hbm>> -> memref<20000x64xf32, #tpu.memory_space<hbm>>
      tpu.wait_indirect_dma semaphore(%arg19 : memref<!tpu.dma_semaphore, #tpu.memory_space<semaphore_mem>>) src(%dma_wait3A_269 : memref<20000x64xf32, #tpu.memory_space<hbm>>) dst(%arg13 : memref<128x64xf32, #tpu.memory_space<vmem>>)
      "tpu.region"() ({
        %run_scoped3A = tpu.sem_alloc : memref<!tpu.dma_semaphore, #tpu.memory_space<semaphore_mem>>
        %dma_start3A_290 = arith.constant 0 : i32
        %dma_start3A_291 = tpu.memref_slice %arg8[%add3A_263, %dma_start3A_290] : memref<160x128xi32, #tpu.memory_space<vmem>> -> memref<1x128xi32, #tpu.memory_space<vmem>>
        %dma_start3A_292 = tpu.memref_squeeze %dma_start3A_291 : memref<1x128xi32, #tpu.memory_space<vmem>> -> memref<128xi32, #tpu.memory_space<vmem>>
        %dma_start3A_293 = arith.constant 0 : i32
        %dma_start3A_294 = arith.constant 0 : i32
        %dma_start3A_295 = tpu.memref_slice %arg14[%dma_start3A_293, %dma_start3A_294] : memref<10240x64xf32, #tpu.memory_space<vmem_shared>> -> memref<10240x64xf32, #tpu.memory_space<vmem_shared>>
        tpu.enqueue_indirect_dma source(%arg13 : memref<128x64xf32, #tpu.memory_space<vmem>>) target(%dma_start3A_295 : memref<10240x64xf32, #tpu.memory_space<vmem_shared>>) offsets(%dma_start3A_292 : memref<128xi32, #tpu.memory_space<vmem>>) semaphore(%run_scoped3A : memref<!tpu.dma_semaphore, #tpu.memory_space<semaphore_mem>>) {add = true}
        %dma_wait3A_296 = arith.constant 0 : i32
        %dma_wait3A_297 = tpu.memref_slice %arg8[%add3A_263, %dma_wait3A_296] : memref<160x128xi32, #tpu.memory_space<vmem>> -> memref<1x128xi32, #tpu.memory_space<vmem>>
        %dma_wait3A_298 = tpu.memref_squeeze %dma_wait3A_297 : memref<1x128xi32, #tpu.memory_space<vmem>> -> memref<128xi32, #tpu.memory_space<vmem>>
        %dma_wait3A_299 = arith.constant 0 : i32
        %dma_wait3A_300 = arith.constant 0 : i32
        %dma_wait3A_301 = tpu.memref_slice %arg14[%dma_wait3A_299, %dma_wait3A_300] : memref<10240x64xf32, #tpu.memory_space<vmem_shared>> -> memref<10240x64xf32, #tpu.memory_space<vmem_shared>>
        tpu.wait_indirect_dma semaphore(%run_scoped3A : memref<!tpu.dma_semaphore, #tpu.memory_space<semaphore_mem>>) src(%arg13 : memref<128x64xf32, #tpu.memory_space<vmem>>) dst(%dma_wait3A_301 : memref<10240x64xf32, #tpu.memory_space<vmem_shared>>)
        tpu.yield
      }) : () -> ()
      %lt3A_270 = arith.constant 31 : i32
      %lt3A_271 = arith.cmpi slt, %scan3A_217, %lt3A_270 : i32
      %convert_element_type3A_272 = arith.extui %lt3A_271 : i1 to i32
      %cond3A_273 = arith.constant 0 : i32
      %cond3A_274 = arith.cmpi ne, %convert_element_type3A_272, %cond3A_273 : i32
      scf.if %cond3A_274 {
        %add3A_290 = arith.constant 5 : i32
        %add3A_291 = arith.addi %add3A_263, %add3A_290 : i32
        %dma_start3A_292 = arith.constant 0 : i32
        %dma_start3A_293 = tpu.memref_slice %arg7[%add3A_291, %dma_start3A_292] : memref<160x128xi32, #tpu.memory_space<vmem>> -> memref<1x128xi32, #tpu.memory_space<vmem>>
        %dma_start3A_294 = tpu.memref_squeeze %dma_start3A_293 : memref<1x128xi32, #tpu.memory_space<vmem>> -> memref<128xi32, #tpu.memory_space<vmem>>
        %dma_start3A_295 = arith.constant 0 : i32
        %dma_start3A_296 = arith.constant 0 : i32
        %dma_start3A_297 = tpu.memref_slice %arg2[%dma_start3A_295, %dma_start3A_296] : memref<20000x64xf32, #tpu.memory_space<hbm>> -> memref<20000x64xf32, #tpu.memory_space<hbm>>
        tpu.enqueue_indirect_dma source(%dma_start3A_297 : memref<20000x64xf32, #tpu.memory_space<hbm>>) target(%arg13 : memref<128x64xf32, #tpu.memory_space<vmem>>) offsets(%dma_start3A_294 : memref<128xi32, #tpu.memory_space<vmem>>) semaphore(%arg19 : memref<!tpu.dma_semaphore, #tpu.memory_space<semaphore_mem>>)
      } else {
      }
      %mul3A_275 = arith.constant 5 : i32
      %mul3A_276 = arith.muli %mul3A_275, %scan3A_217 : i32
      %add3A_277 = arith.constant 4 : i32
      %add3A_278 = arith.addi %mul3A_276, %add3A_277 : i32
      %dma_wait3A_279 = arith.constant 0 : i32
      %dma_wait3A_280 = tpu.memref_slice %arg7[%add3A_278, %dma_wait3A_279] : memref<160x128xi32, #tpu.memory_space<vmem>> -> memref<1x128xi32, #tpu.memory_space<vmem>>
      %dma_wait3A_281 = tpu.memref_squeeze %dma_wait3A_280 : memref<1x128xi32, #tpu.memory_space<vmem>> -> memref<128xi32, #tpu.memory_space<vmem>>
      %dma_wait3A_282 = arith.constant 0 : i32
      %dma_wait3A_283 = arith.constant 0 : i32
      %dma_wait3A_284 = tpu.memref_slice %arg2[%dma_wait3A_282, %dma_wait3A_283] : memref<20000x64xf32, #tpu.memory_space<hbm>> -> memref<20000x64xf32, #tpu.memory_space<hbm>>
      tpu.wait_indirect_dma semaphore(%arg15 : memref<!tpu.dma_semaphore, #tpu.memory_space<semaphore_mem>>) src(%dma_wait3A_284 : memref<20000x64xf32, #tpu.memory_space<hbm>>) dst(%arg9 : memref<128x64xf32, #tpu.memory_space<vmem>>)
      "tpu.region"() ({
        %run_scoped3A = tpu.sem_alloc : memref<!tpu.dma_semaphore, #tpu.memory_space<semaphore_mem>>
        %dma_start3A_290 = arith.constant 0 : i32
        %dma_start3A_291 = tpu.memref_slice %arg8[%add3A_278, %dma_start3A_290] : memref<160x128xi32, #tpu.memory_space<vmem>> -> memref<1x128xi32, #tpu.memory_space<vmem>>
        %dma_start3A_292 = tpu.memref_squeeze %dma_start3A_291 : memref<1x128xi32, #tpu.memory_space<vmem>> -> memref<128xi32, #tpu.memory_space<vmem>>
        %dma_start3A_293 = arith.constant 0 : i32
        %dma_start3A_294 = arith.constant 0 : i32
        %dma_start3A_295 = tpu.memref_slice %arg14[%dma_start3A_293, %dma_start3A_294] : memref<10240x64xf32, #tpu.memory_space<vmem_shared>> -> memref<10240x64xf32, #tpu.memory_space<vmem_shared>>
        tpu.enqueue_indirect_dma source(%arg9 : memref<128x64xf32, #tpu.memory_space<vmem>>) target(%dma_start3A_295 : memref<10240x64xf32, #tpu.memory_space<vmem_shared>>) offsets(%dma_start3A_292 : memref<128xi32, #tpu.memory_space<vmem>>) semaphore(%run_scoped3A : memref<!tpu.dma_semaphore, #tpu.memory_space<semaphore_mem>>) {add = true}
        %dma_wait3A_296 = arith.constant 0 : i32
        %dma_wait3A_297 = tpu.memref_slice %arg8[%add3A_278, %dma_wait3A_296] : memref<160x128xi32, #tpu.memory_space<vmem>> -> memref<1x128xi32, #tpu.memory_space<vmem>>
        %dma_wait3A_298 = tpu.memref_squeeze %dma_wait3A_297 : memref<1x128xi32, #tpu.memory_space<vmem>> -> memref<128xi32, #tpu.memory_space<vmem>>
        %dma_wait3A_299 = arith.constant 0 : i32
        %dma_wait3A_300 = arith.constant 0 : i32
        %dma_wait3A_301 = tpu.memref_slice %arg14[%dma_wait3A_299, %dma_wait3A_300] : memref<10240x64xf32, #tpu.memory_space<vmem_shared>> -> memref<10240x64xf32, #tpu.memory_space<vmem_shared>>
        tpu.wait_indirect_dma semaphore(%run_scoped3A : memref<!tpu.dma_semaphore, #tpu.memory_space<semaphore_mem>>) src(%arg9 : memref<128x64xf32, #tpu.memory_space<vmem>>) dst(%dma_wait3A_301 : memref<10240x64xf32, #tpu.memory_space<vmem_shared>>)
        tpu.yield
      }) : () -> ()
      %lt3A_285 = arith.constant 31 : i32
      %lt3A_286 = arith.cmpi slt, %scan3A_217, %lt3A_285 : i32
      %convert_element_type3A_287 = arith.extui %lt3A_286 : i1 to i32
      %cond3A_288 = arith.constant 0 : i32
      %cond3A_289 = arith.cmpi ne, %convert_element_type3A_287, %cond3A_288 : i32
      scf.if %cond3A_289 {
        %add3A_290 = arith.constant 5 : i32
        %add3A_291 = arith.addi %add3A_278, %add3A_290 : i32
        %dma_start3A_292 = arith.constant 0 : i32
        %dma_start3A_293 = tpu.memref_slice %arg7[%add3A_291, %dma_start3A_292] : memref<160x128xi32, #tpu.memory_space<vmem>> -> memref<1x128xi32, #tpu.memory_space<vmem>>
        %dma_start3A_294 = tpu.memref_squeeze %dma_start3A_293 : memref<1x128xi32, #tpu.memory_space<vmem>> -> memref<128xi32, #tpu.memory_space<vmem>>
        %dma_start3A_295 = arith.constant 0 : i32
        %dma_start3A_296 = arith.constant 0 : i32
        %dma_start3A_297 = tpu.memref_slice %arg2[%dma_start3A_295, %dma_start3A_296] : memref<20000x64xf32, #tpu.memory_space<hbm>> -> memref<20000x64xf32, #tpu.memory_space<hbm>>
        tpu.enqueue_indirect_dma source(%dma_start3A_297 : memref<20000x64xf32, #tpu.memory_space<hbm>>) target(%arg9 : memref<128x64xf32, #tpu.memory_space<vmem>>) offsets(%dma_start3A_294 : memref<128xi32, #tpu.memory_space<vmem>>) semaphore(%arg15 : memref<!tpu.dma_semaphore, #tpu.memory_space<semaphore_mem>>)
      } else {
      }
    }
    %scan3A_56 = arith.constant 32 : i32
    %barrier3A_57 = arith.constant 0 : index
    tpu.barrier barrier_id(%barrier3A_57)
    %mul3A_58 = arith.constant 640 : i32
    %mul3A_59 = arith.muli %arg1, %mul3A_58 : i32
    %add3A_60 = arith.constant 0 : i32
    %add3A_61 = arith.addi %mul3A_59, %add3A_60 : i32
    %dma_start3A_62 = arith.constant 0 : i32
    %dma_start3A_63 = tpu.memref_slice %arg14[%add3A_61, %dma_start3A_62] : memref<10240x64xf32, #tpu.memory_space<vmem_shared>> -> memref<128x64xf32, #tpu.memory_space<vmem_shared>>
    %dma_start3A_64 = arith.constant 0 : i32
    %dma_start3A_65 = tpu.memref_slice %arg14[%add3A_61, %dma_start3A_64] : memref<10240x64xf32, #tpu.memory_space<vmem_shared>> -> memref<128x64xf32, #tpu.memory_space<vmem_shared>>
    tpu.enqueue_dma source(%dma_start3A_65 : memref<128x64xf32, #tpu.memory_space<vmem_shared>>) target(%arg9 : memref<128x64xf32, #tpu.memory_space<vmem>>) target_semaphore(%arg15 : memref<!tpu.dma_semaphore, #tpu.memory_space<semaphore_mem>>)
    %mul3A_66 = arith.constant 640 : i32
    %mul3A_67 = arith.muli %arg1, %mul3A_66 : i32
    %add3A_68 = arith.constant 128 : i32
    %add3A_69 = arith.addi %mul3A_67, %add3A_68 : i32
    %dma_start3A_70 = arith.constant 0 : i32
    %dma_start3A_71 = tpu.memref_slice %arg14[%add3A_69, %dma_start3A_70] : memref<10240x64xf32, #tpu.memory_space<vmem_shared>> -> memref<128x64xf32, #tpu.memory_space<vmem_shared>>
    %dma_start3A_72 = arith.constant 0 : i32
    %dma_start3A_73 = tpu.memref_slice %arg14[%add3A_69, %dma_start3A_72] : memref<10240x64xf32, #tpu.memory_space<vmem_shared>> -> memref<128x64xf32, #tpu.memory_space<vmem_shared>>
    tpu.enqueue_dma source(%dma_start3A_73 : memref<128x64xf32, #tpu.memory_space<vmem_shared>>) target(%arg10 : memref<128x64xf32, #tpu.memory_space<vmem>>) target_semaphore(%arg16 : memref<!tpu.dma_semaphore, #tpu.memory_space<semaphore_mem>>)
    %mul3A_74 = arith.constant 640 : i32
    %mul3A_75 = arith.muli %arg1, %mul3A_74 : i32
    %add3A_76 = arith.constant 256 : i32
    %add3A_77 = arith.addi %mul3A_75, %add3A_76 : i32
    %dma_start3A_78 = arith.constant 0 : i32
    %dma_start3A_79 = tpu.memref_slice %arg14[%add3A_77, %dma_start3A_78] : memref<10240x64xf32, #tpu.memory_space<vmem_shared>> -> memref<128x64xf32, #tpu.memory_space<vmem_shared>>
    %dma_start3A_80 = arith.constant 0 : i32
    %dma_start3A_81 = tpu.memref_slice %arg14[%add3A_77, %dma_start3A_80] : memref<10240x64xf32, #tpu.memory_space<vmem_shared>> -> memref<128x64xf32, #tpu.memory_space<vmem_shared>>
    tpu.enqueue_dma source(%dma_start3A_81 : memref<128x64xf32, #tpu.memory_space<vmem_shared>>) target(%arg11 : memref<128x64xf32, #tpu.memory_space<vmem>>) target_semaphore(%arg17 : memref<!tpu.dma_semaphore, #tpu.memory_space<semaphore_mem>>)
    %mul3A_82 = arith.constant 640 : i32
    %mul3A_83 = arith.muli %arg1, %mul3A_82 : i32
    %add3A_84 = arith.constant 384 : i32
    %add3A_85 = arith.addi %mul3A_83, %add3A_84 : i32
    %dma_start3A_86 = arith.constant 0 : i32
    %dma_start3A_87 = tpu.memref_slice %arg14[%add3A_85, %dma_start3A_86] : memref<10240x64xf32, #tpu.memory_space<vmem_shared>> -> memref<128x64xf32, #tpu.memory_space<vmem_shared>>
    %dma_start3A_88 = arith.constant 0 : i32
    %dma_start3A_89 = tpu.memref_slice %arg14[%add3A_85, %dma_start3A_88] : memref<10240x64xf32, #tpu.memory_space<vmem_shared>> -> memref<128x64xf32, #tpu.memory_space<vmem_shared>>
    tpu.enqueue_dma source(%dma_start3A_89 : memref<128x64xf32, #tpu.memory_space<vmem_shared>>) target(%arg12 : memref<128x64xf32, #tpu.memory_space<vmem>>) target_semaphore(%arg18 : memref<!tpu.dma_semaphore, #tpu.memory_space<semaphore_mem>>)
    %mul3A_90 = arith.constant 640 : i32
    %mul3A_91 = arith.muli %arg1, %mul3A_90 : i32
    %add3A_92 = arith.constant 512 : i32
    %add3A_93 = arith.addi %mul3A_91, %add3A_92 : i32
    %dma_start3A_94 = arith.constant 0 : i32
    %dma_start3A_95 = tpu.memref_slice %arg14[%add3A_93, %dma_start3A_94] : memref<10240x64xf32, #tpu.memory_space<vmem_shared>> -> memref<128x64xf32, #tpu.memory_space<vmem_shared>>
    %dma_start3A_96 = arith.constant 0 : i32
    %dma_start3A_97 = tpu.memref_slice %arg14[%add3A_93, %dma_start3A_96] : memref<10240x64xf32, #tpu.memory_space<vmem_shared>> -> memref<128x64xf32, #tpu.memory_space<vmem_shared>>
    tpu.enqueue_dma source(%dma_start3A_97 : memref<128x64xf32, #tpu.memory_space<vmem_shared>>) target(%arg13 : memref<128x64xf32, #tpu.memory_space<vmem>>) target_semaphore(%arg19 : memref<!tpu.dma_semaphore, #tpu.memory_space<semaphore_mem>>)
    %mul3A_98 = arith.constant 640 : i32
    %mul3A_99 = arith.muli %arg1, %mul3A_98 : i32
    %add3A_100 = arith.constant 0 : i32
    %add3A_101 = arith.addi %mul3A_99, %add3A_100 : i32
    %dma_wait3A = arith.constant 0 : i32
    %dma_wait3A_102 = tpu.memref_slice %arg14[%add3A_101, %dma_wait3A] : memref<10240x64xf32, #tpu.memory_space<vmem_shared>> -> memref<128x64xf32, #tpu.memory_space<vmem_shared>>
    %dma_wait3A_103 = arith.constant 0 : i32
    %dma_wait3A_104 = tpu.memref_slice %arg14[%add3A_101, %dma_wait3A_103] : memref<10240x64xf32, #tpu.memory_space<vmem_shared>> -> memref<128x64xf32, #tpu.memory_space<vmem_shared>>
    tpu.wait_dma2 semaphore(%arg15 : memref<!tpu.dma_semaphore, #tpu.memory_space<semaphore_mem>>) src(%dma_wait3A_104 : memref<128x64xf32, #tpu.memory_space<vmem_shared>>) dst(%arg9 : memref<128x64xf32, #tpu.memory_space<vmem>>)
    %dma_start3A_105 = arith.constant 0 : i32
    %dma_start3A_106 = tpu.memref_slice %arg6[%arg0, %add3A_101, %dma_start3A_105] : memref<2x10240x64xf32, #tpu.memory_space<hbm>> -> memref<1x128x64xf32, #tpu.memory_space<hbm>>
    %dma_start3A_107 = tpu.memref_squeeze %dma_start3A_106 : memref<1x128x64xf32, #tpu.memory_space<hbm>> -> memref<128x64xf32, #tpu.memory_space<hbm>>
    %dma_start3A_108 = arith.constant 0 : i32
    %dma_start3A_109 = tpu.memref_slice %arg6[%arg0, %add3A_101, %dma_start3A_108] : memref<2x10240x64xf32, #tpu.memory_space<hbm>> -> memref<1x128x64xf32, #tpu.memory_space<hbm>>
    %dma_start3A_110 = tpu.memref_squeeze %dma_start3A_109 : memref<1x128x64xf32, #tpu.memory_space<hbm>> -> memref<128x64xf32, #tpu.memory_space<hbm>>
    tpu.enqueue_dma source(%arg9 : memref<128x64xf32, #tpu.memory_space<vmem>>) target(%dma_start3A_110 : memref<128x64xf32, #tpu.memory_space<hbm>>) target_semaphore(%arg15 : memref<!tpu.dma_semaphore, #tpu.memory_space<semaphore_mem>>)
    %mul3A_111 = arith.constant 640 : i32
    %mul3A_112 = arith.muli %arg1, %mul3A_111 : i32
    %add3A_113 = arith.constant 128 : i32
    %add3A_114 = arith.addi %mul3A_112, %add3A_113 : i32
    %dma_wait3A_115 = arith.constant 0 : i32
    %dma_wait3A_116 = tpu.memref_slice %arg14[%add3A_114, %dma_wait3A_115] : memref<10240x64xf32, #tpu.memory_space<vmem_shared>> -> memref<128x64xf32, #tpu.memory_space<vmem_shared>>
    %dma_wait3A_117 = arith.constant 0 : i32
    %dma_wait3A_118 = tpu.memref_slice %arg14[%add3A_114, %dma_wait3A_117] : memref<10240x64xf32, #tpu.memory_space<vmem_shared>> -> memref<128x64xf32, #tpu.memory_space<vmem_shared>>
    tpu.wait_dma2 semaphore(%arg16 : memref<!tpu.dma_semaphore, #tpu.memory_space<semaphore_mem>>) src(%dma_wait3A_118 : memref<128x64xf32, #tpu.memory_space<vmem_shared>>) dst(%arg10 : memref<128x64xf32, #tpu.memory_space<vmem>>)
    %dma_start3A_119 = arith.constant 0 : i32
    %dma_start3A_120 = tpu.memref_slice %arg6[%arg0, %add3A_114, %dma_start3A_119] : memref<2x10240x64xf32, #tpu.memory_space<hbm>> -> memref<1x128x64xf32, #tpu.memory_space<hbm>>
    %dma_start3A_121 = tpu.memref_squeeze %dma_start3A_120 : memref<1x128x64xf32, #tpu.memory_space<hbm>> -> memref<128x64xf32, #tpu.memory_space<hbm>>
    %dma_start3A_122 = arith.constant 0 : i32
    %dma_start3A_123 = tpu.memref_slice %arg6[%arg0, %add3A_114, %dma_start3A_122] : memref<2x10240x64xf32, #tpu.memory_space<hbm>> -> memref<1x128x64xf32, #tpu.memory_space<hbm>>
    %dma_start3A_124 = tpu.memref_squeeze %dma_start3A_123 : memref<1x128x64xf32, #tpu.memory_space<hbm>> -> memref<128x64xf32, #tpu.memory_space<hbm>>
    tpu.enqueue_dma source(%arg10 : memref<128x64xf32, #tpu.memory_space<vmem>>) target(%dma_start3A_124 : memref<128x64xf32, #tpu.memory_space<hbm>>) target_semaphore(%arg16 : memref<!tpu.dma_semaphore, #tpu.memory_space<semaphore_mem>>)
    %mul3A_125 = arith.constant 640 : i32
    %mul3A_126 = arith.muli %arg1, %mul3A_125 : i32
    %add3A_127 = arith.constant 256 : i32
    %add3A_128 = arith.addi %mul3A_126, %add3A_127 : i32
    %dma_wait3A_129 = arith.constant 0 : i32
    %dma_wait3A_130 = tpu.memref_slice %arg14[%add3A_128, %dma_wait3A_129] : memref<10240x64xf32, #tpu.memory_space<vmem_shared>> -> memref<128x64xf32, #tpu.memory_space<vmem_shared>>
    %dma_wait3A_131 = arith.constant 0 : i32
    %dma_wait3A_132 = tpu.memref_slice %arg14[%add3A_128, %dma_wait3A_131] : memref<10240x64xf32, #tpu.memory_space<vmem_shared>> -> memref<128x64xf32, #tpu.memory_space<vmem_shared>>
    tpu.wait_dma2 semaphore(%arg17 : memref<!tpu.dma_semaphore, #tpu.memory_space<semaphore_mem>>) src(%dma_wait3A_132 : memref<128x64xf32, #tpu.memory_space<vmem_shared>>) dst(%arg11 : memref<128x64xf32, #tpu.memory_space<vmem>>)
    %dma_start3A_133 = arith.constant 0 : i32
    %dma_start3A_134 = tpu.memref_slice %arg6[%arg0, %add3A_128, %dma_start3A_133] : memref<2x10240x64xf32, #tpu.memory_space<hbm>> -> memref<1x128x64xf32, #tpu.memory_space<hbm>>
    %dma_start3A_135 = tpu.memref_squeeze %dma_start3A_134 : memref<1x128x64xf32, #tpu.memory_space<hbm>> -> memref<128x64xf32, #tpu.memory_space<hbm>>
    %dma_start3A_136 = arith.constant 0 : i32
    %dma_start3A_137 = tpu.memref_slice %arg6[%arg0, %add3A_128, %dma_start3A_136] : memref<2x10240x64xf32, #tpu.memory_space<hbm>> -> memref<1x128x64xf32, #tpu.memory_space<hbm>>
    %dma_start3A_138 = tpu.memref_squeeze %dma_start3A_137 : memref<1x128x64xf32, #tpu.memory_space<hbm>> -> memref<128x64xf32, #tpu.memory_space<hbm>>
    tpu.enqueue_dma source(%arg11 : memref<128x64xf32, #tpu.memory_space<vmem>>) target(%dma_start3A_138 : memref<128x64xf32, #tpu.memory_space<hbm>>) target_semaphore(%arg17 : memref<!tpu.dma_semaphore, #tpu.memory_space<semaphore_mem>>)
    %mul3A_139 = arith.constant 640 : i32
    %mul3A_140 = arith.muli %arg1, %mul3A_139 : i32
    %add3A_141 = arith.constant 384 : i32
    %add3A_142 = arith.addi %mul3A_140, %add3A_141 : i32
    %dma_wait3A_143 = arith.constant 0 : i32
    %dma_wait3A_144 = tpu.memref_slice %arg14[%add3A_142, %dma_wait3A_143] : memref<10240x64xf32, #tpu.memory_space<vmem_shared>> -> memref<128x64xf32, #tpu.memory_space<vmem_shared>>
    %dma_wait3A_145 = arith.constant 0 : i32
    %dma_wait3A_146 = tpu.memref_slice %arg14[%add3A_142, %dma_wait3A_145] : memref<10240x64xf32, #tpu.memory_space<vmem_shared>> -> memref<128x64xf32, #tpu.memory_space<vmem_shared>>
    tpu.wait_dma2 semaphore(%arg18 : memref<!tpu.dma_semaphore, #tpu.memory_space<semaphore_mem>>) src(%dma_wait3A_146 : memref<128x64xf32, #tpu.memory_space<vmem_shared>>) dst(%arg12 : memref<128x64xf32, #tpu.memory_space<vmem>>)
    %dma_start3A_147 = arith.constant 0 : i32
    %dma_start3A_148 = tpu.memref_slice %arg6[%arg0, %add3A_142, %dma_start3A_147] : memref<2x10240x64xf32, #tpu.memory_space<hbm>> -> memref<1x128x64xf32, #tpu.memory_space<hbm>>
    %dma_start3A_149 = tpu.memref_squeeze %dma_start3A_148 : memref<1x128x64xf32, #tpu.memory_space<hbm>> -> memref<128x64xf32, #tpu.memory_space<hbm>>
    %dma_start3A_150 = arith.constant 0 : i32
    %dma_start3A_151 = tpu.memref_slice %arg6[%arg0, %add3A_142, %dma_start3A_150] : memref<2x10240x64xf32, #tpu.memory_space<hbm>> -> memref<1x128x64xf32, #tpu.memory_space<hbm>>
    %dma_start3A_152 = tpu.memref_squeeze %dma_start3A_151 : memref<1x128x64xf32, #tpu.memory_space<hbm>> -> memref<128x64xf32, #tpu.memory_space<hbm>>
    tpu.enqueue_dma source(%arg12 : memref<128x64xf32, #tpu.memory_space<vmem>>) target(%dma_start3A_152 : memref<128x64xf32, #tpu.memory_space<hbm>>) target_semaphore(%arg18 : memref<!tpu.dma_semaphore, #tpu.memory_space<semaphore_mem>>)
    %mul3A_153 = arith.constant 640 : i32
    %mul3A_154 = arith.muli %arg1, %mul3A_153 : i32
    %add3A_155 = arith.constant 512 : i32
    %add3A_156 = arith.addi %mul3A_154, %add3A_155 : i32
    %dma_wait3A_157 = arith.constant 0 : i32
    %dma_wait3A_158 = tpu.memref_slice %arg14[%add3A_156, %dma_wait3A_157] : memref<10240x64xf32, #tpu.memory_space<vmem_shared>> -> memref<128x64xf32, #tpu.memory_space<vmem_shared>>
    %dma_wait3A_159 = arith.constant 0 : i32
    %dma_wait3A_160 = tpu.memref_slice %arg14[%add3A_156, %dma_wait3A_159] : memref<10240x64xf32, #tpu.memory_space<vmem_shared>> -> memref<128x64xf32, #tpu.memory_space<vmem_shared>>
    tpu.wait_dma2 semaphore(%arg19 : memref<!tpu.dma_semaphore, #tpu.memory_space<semaphore_mem>>) src(%dma_wait3A_160 : memref<128x64xf32, #tpu.memory_space<vmem_shared>>) dst(%arg13 : memref<128x64xf32, #tpu.memory_space<vmem>>)
    %dma_start3A_161 = arith.constant 0 : i32
    %dma_start3A_162 = tpu.memref_slice %arg6[%arg0, %add3A_156, %dma_start3A_161] : memref<2x10240x64xf32, #tpu.memory_space<hbm>> -> memref<1x128x64xf32, #tpu.memory_space<hbm>>
    %dma_start3A_163 = tpu.memref_squeeze %dma_start3A_162 : memref<1x128x64xf32, #tpu.memory_space<hbm>> -> memref<128x64xf32, #tpu.memory_space<hbm>>
    %dma_start3A_164 = arith.constant 0 : i32
    %dma_start3A_165 = tpu.memref_slice %arg6[%arg0, %add3A_156, %dma_start3A_164] : memref<2x10240x64xf32, #tpu.memory_space<hbm>> -> memref<1x128x64xf32, #tpu.memory_space<hbm>>
    %dma_start3A_166 = tpu.memref_squeeze %dma_start3A_165 : memref<1x128x64xf32, #tpu.memory_space<hbm>> -> memref<128x64xf32, #tpu.memory_space<hbm>>
    tpu.enqueue_dma source(%arg13 : memref<128x64xf32, #tpu.memory_space<vmem>>) target(%dma_start3A_166 : memref<128x64xf32, #tpu.memory_space<hbm>>) target_semaphore(%arg19 : memref<!tpu.dma_semaphore, #tpu.memory_space<semaphore_mem>>)
    %mul3A_167 = arith.constant 640 : i32
    %mul3A_168 = arith.muli %arg1, %mul3A_167 : i32
    %add3A_169 = arith.constant 0 : i32
    %add3A_170 = arith.addi %mul3A_168, %add3A_169 : i32
    %dma_wait3A_171 = arith.constant 0 : i32
    %dma_wait3A_172 = tpu.memref_slice %arg6[%arg0, %add3A_170, %dma_wait3A_171] : memref<2x10240x64xf32, #tpu.memory_space<hbm>> -> memref<1x128x64xf32, #tpu.memory_space<hbm>>
    %dma_wait3A_173 = tpu.memref_squeeze %dma_wait3A_172 : memref<1x128x64xf32, #tpu.memory_space<hbm>> -> memref<128x64xf32, #tpu.memory_space<hbm>>
    %dma_wait3A_174 = arith.constant 0 : i32
    %dma_wait3A_175 = tpu.memref_slice %arg6[%arg0, %add3A_170, %dma_wait3A_174] : memref<2x10240x64xf32, #tpu.memory_space<hbm>> -> memref<1x128x64xf32, #tpu.memory_space<hbm>>
    %dma_wait3A_176 = tpu.memref_squeeze %dma_wait3A_175 : memref<1x128x64xf32, #tpu.memory_space<hbm>> -> memref<128x64xf32, #tpu.memory_space<hbm>>
    tpu.wait_dma2 semaphore(%arg15 : memref<!tpu.dma_semaphore, #tpu.memory_space<semaphore_mem>>) src(%arg9 : memref<128x64xf32, #tpu.memory_space<vmem>>) dst(%dma_wait3A_176 : memref<128x64xf32, #tpu.memory_space<hbm>>)
    %mul3A_177 = arith.constant 640 : i32
    %mul3A_178 = arith.muli %arg1, %mul3A_177 : i32
    %add3A_179 = arith.constant 128 : i32
    %add3A_180 = arith.addi %mul3A_178, %add3A_179 : i32
    %dma_wait3A_181 = arith.constant 0 : i32
    %dma_wait3A_182 = tpu.memref_slice %arg6[%arg0, %add3A_180, %dma_wait3A_181] : memref<2x10240x64xf32, #tpu.memory_space<hbm>> -> memref<1x128x64xf32, #tpu.memory_space<hbm>>
    %dma_wait3A_183 = tpu.memref_squeeze %dma_wait3A_182 : memref<1x128x64xf32, #tpu.memory_space<hbm>> -> memref<128x64xf32, #tpu.memory_space<hbm>>
    %dma_wait3A_184 = arith.constant 0 : i32
    %dma_wait3A_185 = tpu.memref_slice %arg6[%arg0, %add3A_180, %dma_wait3A_184] : memref<2x10240x64xf32, #tpu.memory_space<hbm>> -> memref<1x128x64xf32, #tpu.memory_space<hbm>>
    %dma_wait3A_186 = tpu.memref_squeeze %dma_wait3A_185 : memref<1x128x64xf32, #tpu.memory_space<hbm>> -> memref<128x64xf32, #tpu.memory_space<hbm>>
    tpu.wait_dma2 semaphore(%arg16 : memref<!tpu.dma_semaphore, #tpu.memory_space<semaphore_mem>>) src(%arg10 : memref<128x64xf32, #tpu.memory_space<vmem>>) dst(%dma_wait3A_186 : memref<128x64xf32, #tpu.memory_space<hbm>>)
    %mul3A_187 = arith.constant 640 : i32
    %mul3A_188 = arith.muli %arg1, %mul3A_187 : i32
    %add3A_189 = arith.constant 256 : i32
    %add3A_190 = arith.addi %mul3A_188, %add3A_189 : i32
    %dma_wait3A_191 = arith.constant 0 : i32
    %dma_wait3A_192 = tpu.memref_slice %arg6[%arg0, %add3A_190, %dma_wait3A_191] : memref<2x10240x64xf32, #tpu.memory_space<hbm>> -> memref<1x128x64xf32, #tpu.memory_space<hbm>>
    %dma_wait3A_193 = tpu.memref_squeeze %dma_wait3A_192 : memref<1x128x64xf32, #tpu.memory_space<hbm>> -> memref<128x64xf32, #tpu.memory_space<hbm>>
    %dma_wait3A_194 = arith.constant 0 : i32
    %dma_wait3A_195 = tpu.memref_slice %arg6[%arg0, %add3A_190, %dma_wait3A_194] : memref<2x10240x64xf32, #tpu.memory_space<hbm>> -> memref<1x128x64xf32, #tpu.memory_space<hbm>>
    %dma_wait3A_196 = tpu.memref_squeeze %dma_wait3A_195 : memref<1x128x64xf32, #tpu.memory_space<hbm>> -> memref<128x64xf32, #tpu.memory_space<hbm>>
    tpu.wait_dma2 semaphore(%arg17 : memref<!tpu.dma_semaphore, #tpu.memory_space<semaphore_mem>>) src(%arg11 : memref<128x64xf32, #tpu.memory_space<vmem>>) dst(%dma_wait3A_196 : memref<128x64xf32, #tpu.memory_space<hbm>>)
    %mul3A_197 = arith.constant 640 : i32
    %mul3A_198 = arith.muli %arg1, %mul3A_197 : i32
    %add3A_199 = arith.constant 384 : i32
    %add3A_200 = arith.addi %mul3A_198, %add3A_199 : i32
    %dma_wait3A_201 = arith.constant 0 : i32
    %dma_wait3A_202 = tpu.memref_slice %arg6[%arg0, %add3A_200, %dma_wait3A_201] : memref<2x10240x64xf32, #tpu.memory_space<hbm>> -> memref<1x128x64xf32, #tpu.memory_space<hbm>>
    %dma_wait3A_203 = tpu.memref_squeeze %dma_wait3A_202 : memref<1x128x64xf32, #tpu.memory_space<hbm>> -> memref<128x64xf32, #tpu.memory_space<hbm>>
    %dma_wait3A_204 = arith.constant 0 : i32
    %dma_wait3A_205 = tpu.memref_slice %arg6[%arg0, %add3A_200, %dma_wait3A_204] : memref<2x10240x64xf32, #tpu.memory_space<hbm>> -> memref<1x128x64xf32, #tpu.memory_space<hbm>>
    %dma_wait3A_206 = tpu.memref_squeeze %dma_wait3A_205 : memref<1x128x64xf32, #tpu.memory_space<hbm>> -> memref<128x64xf32, #tpu.memory_space<hbm>>
    tpu.wait_dma2 semaphore(%arg18 : memref<!tpu.dma_semaphore, #tpu.memory_space<semaphore_mem>>) src(%arg12 : memref<128x64xf32, #tpu.memory_space<vmem>>) dst(%dma_wait3A_206 : memref<128x64xf32, #tpu.memory_space<hbm>>)
    %mul3A_207 = arith.constant 640 : i32
    %mul3A_208 = arith.muli %arg1, %mul3A_207 : i32
    %add3A_209 = arith.constant 512 : i32
    %add3A_210 = arith.addi %mul3A_208, %add3A_209 : i32
    %dma_wait3A_211 = arith.constant 0 : i32
    %dma_wait3A_212 = tpu.memref_slice %arg6[%arg0, %add3A_210, %dma_wait3A_211] : memref<2x10240x64xf32, #tpu.memory_space<hbm>> -> memref<1x128x64xf32, #tpu.memory_space<hbm>>
    %dma_wait3A_213 = tpu.memref_squeeze %dma_wait3A_212 : memref<1x128x64xf32, #tpu.memory_space<hbm>> -> memref<128x64xf32, #tpu.memory_space<hbm>>
    %dma_wait3A_214 = arith.constant 0 : i32
    %dma_wait3A_215 = tpu.memref_slice %arg6[%arg0, %add3A_210, %dma_wait3A_214] : memref<2x10240x64xf32, #tpu.memory_space<hbm>> -> memref<1x128x64xf32, #tpu.memory_space<hbm>>
    %dma_wait3A_216 = tpu.memref_squeeze %dma_wait3A_215 : memref<1x128x64xf32, #tpu.memory_space<hbm>> -> memref<128x64xf32, #tpu.memory_space<hbm>>
    tpu.wait_dma2 semaphore(%arg19 : memref<!tpu.dma_semaphore, #tpu.memory_space<semaphore_mem>>) src(%arg13 : memref<128x64xf32, #tpu.memory_space<vmem>>) dst(%dma_wait3A_216 : memref<128x64xf32, #tpu.memory_space<hbm>>)
    return
  }
}

#map = affine_map<(d0, d1) -> (0, 0, 0)>
#map1 = affine_map<(d0, d1) -> (0, 0)>
module attributes {stable_mosaic.version = 14 : i64} {
  func.func @_deg_body(%arg0: i32, %arg1: i32, %arg2: memref<32x80x128xi32, #tpu.memory_space<hbm>>, %arg3: memref<128x16xf32, #tpu.memory_space<hbm>>, %arg4: memref<640x16xf32, #tpu.memory_space<hbm>>, %arg5: memref<2x10240x1xf32, #tpu.memory_space<hbm>>, %arg6: memref<80x128xi32, #tpu.memory_space<vmem>>, %arg7: memref<128x16xf32, #tpu.memory_space<vmem>>, %arg8: memref<640x16xf32, #tpu.memory_space<vmem>>, %arg9: memref<640x1xf32, #tpu.memory_space<vmem>>, %arg10: memref<10240x16xf32, #tpu.memory_space<vmem_shared>>) attributes {dimension_semantics = [#tpu.dimension_semantics<core_parallel>, #tpu.dimension_semantics<subcore_parallel>], iteration_bounds = array<i64: 2, 16>, scalar_prefetch = 0 : i64, scratch_operands = 5 : i64, tpu.core_type = #tpu.core_type<sc_vector_subcore>, window_params = [{transform_indices = #map}, {transform_indices = #map1}, {transform_indices = #map1}, {transform_indices = #map}]} {
    %mul3A = arith.constant 2 : i32
    %mul3A_0 = arith.muli %arg1, %mul3A : i32
    %add3A = arith.addi %mul3A_0, %arg0 : i32
    "tpu.region"() ({
      %run_scoped3A = tpu.sem_alloc : memref<!tpu.dma_semaphore, #tpu.memory_space<semaphore_mem>>
      tpu.enqueue_dma source(%arg4 : memref<640x16xf32, #tpu.memory_space<hbm>>) target(%arg8 : memref<640x16xf32, #tpu.memory_space<vmem>>) target_semaphore(%run_scoped3A : memref<!tpu.dma_semaphore, #tpu.memory_space<semaphore_mem>>)
      tpu.wait_dma2 semaphore(%run_scoped3A : memref<!tpu.dma_semaphore, #tpu.memory_space<semaphore_mem>>) src(%arg4 : memref<640x16xf32, #tpu.memory_space<hbm>>) dst(%arg8 : memref<640x16xf32, #tpu.memory_space<vmem>>)
      tpu.yield
    }) : () -> ()
    %mul3A_1 = arith.constant 640 : i32
    %mul3A_2 = arith.muli %arg1, %mul3A_1 : i32
    "tpu.region"() ({
      %run_scoped3A = tpu.sem_alloc : memref<!tpu.dma_semaphore, #tpu.memory_space<semaphore_mem>>
      %dma_start3A = arith.constant 0 : i32
      %dma_start3A_11 = tpu.memref_slice %arg10[%mul3A_2, %dma_start3A] : memref<10240x16xf32, #tpu.memory_space<vmem_shared>> -> memref<640x16xf32, #tpu.memory_space<vmem_shared>>
      %dma_start3A_12 = arith.constant 0 : i32
      %dma_start3A_13 = tpu.memref_slice %arg10[%mul3A_2, %dma_start3A_12] : memref<10240x16xf32, #tpu.memory_space<vmem_shared>> -> memref<640x16xf32, #tpu.memory_space<vmem_shared>>
      tpu.enqueue_dma source(%arg8 : memref<640x16xf32, #tpu.memory_space<vmem>>) target(%dma_start3A_13 : memref<640x16xf32, #tpu.memory_space<vmem_shared>>) target_semaphore(%run_scoped3A : memref<!tpu.dma_semaphore, #tpu.memory_space<semaphore_mem>>)
      %dma_wait3A = arith.constant 0 : i32
      %dma_wait3A_14 = tpu.memref_slice %arg10[%mul3A_2, %dma_wait3A] : memref<10240x16xf32, #tpu.memory_space<vmem_shared>> -> memref<640x16xf32, #tpu.memory_space<vmem_shared>>
      %dma_wait3A_15 = arith.constant 0 : i32
      %dma_wait3A_16 = tpu.memref_slice %arg10[%mul3A_2, %dma_wait3A_15] : memref<10240x16xf32, #tpu.memory_space<vmem_shared>> -> memref<640x16xf32, #tpu.memory_space<vmem_shared>>
      tpu.wait_dma2 semaphore(%run_scoped3A : memref<!tpu.dma_semaphore, #tpu.memory_space<semaphore_mem>>) src(%arg8 : memref<640x16xf32, #tpu.memory_space<vmem>>) dst(%dma_wait3A_16 : memref<640x16xf32, #tpu.memory_space<vmem_shared>>)
      tpu.yield
    }) : () -> ()
    %barrier3A = arith.constant 0 : index
    tpu.barrier barrier_id(%barrier3A)
    "tpu.region"() ({
      %run_scoped3A = tpu.sem_alloc : memref<!tpu.dma_semaphore, #tpu.memory_space<semaphore_mem>>
      %dma_start3A = arith.constant 0 : i32
      %dma_start3A_11 = arith.constant 0 : i32
      %dma_start3A_12 = tpu.memref_slice %arg2[%add3A, %dma_start3A, %dma_start3A_11] : memref<32x80x128xi32, #tpu.memory_space<hbm>> -> memref<1x80x128xi32, #tpu.memory_space<hbm>>
      %dma_start3A_13 = tpu.memref_squeeze %dma_start3A_12 : memref<1x80x128xi32, #tpu.memory_space<hbm>> -> memref<80x128xi32, #tpu.memory_space<hbm>>
      %dma_start3A_14 = arith.constant 0 : i32
      %dma_start3A_15 = arith.constant 0 : i32
      %dma_start3A_16 = tpu.memref_slice %arg2[%add3A, %dma_start3A_14, %dma_start3A_15] : memref<32x80x128xi32, #tpu.memory_space<hbm>> -> memref<1x80x128xi32, #tpu.memory_space<hbm>>
      %dma_start3A_17 = tpu.memref_squeeze %dma_start3A_16 : memref<1x80x128xi32, #tpu.memory_space<hbm>> -> memref<80x128xi32, #tpu.memory_space<hbm>>
      tpu.enqueue_dma source(%dma_start3A_17 : memref<80x128xi32, #tpu.memory_space<hbm>>) target(%arg6 : memref<80x128xi32, #tpu.memory_space<vmem>>) target_semaphore(%run_scoped3A : memref<!tpu.dma_semaphore, #tpu.memory_space<semaphore_mem>>)
      %dma_wait3A = arith.constant 0 : i32
      %dma_wait3A_18 = arith.constant 0 : i32
      %dma_wait3A_19 = tpu.memref_slice %arg2[%add3A, %dma_wait3A, %dma_wait3A_18] : memref<32x80x128xi32, #tpu.memory_space<hbm>> -> memref<1x80x128xi32, #tpu.memory_space<hbm>>
      %dma_wait3A_20 = tpu.memref_squeeze %dma_wait3A_19 : memref<1x80x128xi32, #tpu.memory_space<hbm>> -> memref<80x128xi32, #tpu.memory_space<hbm>>
      %dma_wait3A_21 = arith.constant 0 : i32
      %dma_wait3A_22 = arith.constant 0 : i32
      %dma_wait3A_23 = tpu.memref_slice %arg2[%add3A, %dma_wait3A_21, %dma_wait3A_22] : memref<32x80x128xi32, #tpu.memory_space<hbm>> -> memref<1x80x128xi32, #tpu.memory_space<hbm>>
      %dma_wait3A_24 = tpu.memref_squeeze %dma_wait3A_23 : memref<1x80x128xi32, #tpu.memory_space<hbm>> -> memref<80x128xi32, #tpu.memory_space<hbm>>
      tpu.wait_dma2 semaphore(%run_scoped3A : memref<!tpu.dma_semaphore, #tpu.memory_space<semaphore_mem>>) src(%dma_wait3A_24 : memref<80x128xi32, #tpu.memory_space<hbm>>) dst(%arg6 : memref<80x128xi32, #tpu.memory_space<vmem>>)
      tpu.yield
    }) : () -> ()
    "tpu.region"() ({
      %run_scoped3A = tpu.sem_alloc : memref<!tpu.dma_semaphore, #tpu.memory_space<semaphore_mem>>
      tpu.enqueue_dma source(%arg3 : memref<128x16xf32, #tpu.memory_space<hbm>>) target(%arg7 : memref<128x16xf32, #tpu.memory_space<vmem>>) target_semaphore(%run_scoped3A : memref<!tpu.dma_semaphore, #tpu.memory_space<semaphore_mem>>)
      tpu.wait_dma2 semaphore(%run_scoped3A : memref<!tpu.dma_semaphore, #tpu.memory_space<semaphore_mem>>) src(%arg3 : memref<128x16xf32, #tpu.memory_space<hbm>>) dst(%arg7 : memref<128x16xf32, #tpu.memory_space<vmem>>)
      tpu.yield
    }) : () -> ()
    %scan3A = arith.constant 0 : i32
    %scan3A_3 = arith.constant 0 : i32
    %scan3A_4 = arith.constant 80 : i32
    %scan3A_5 = arith.addi %scan3A_3, %scan3A_4 : i32
    %scan3A_6 = arith.constant 1 : i32
    scf.for %scan3A_11 = %scan3A_3 to %scan3A_5 step %scan3A_6  : i32 {
      "tpu.region"() ({
        %run_scoped3A = tpu.sem_alloc : memref<!tpu.dma_semaphore, #tpu.memory_space<semaphore_mem>>
        %dma_start3A = arith.constant 0 : i32
        %dma_start3A_12 = tpu.memref_slice %arg6[%scan3A_11, %dma_start3A] : memref<80x128xi32, #tpu.memory_space<vmem>> -> memref<1x128xi32, #tpu.memory_space<vmem>>
        %dma_start3A_13 = tpu.memref_squeeze %dma_start3A_12 : memref<1x128xi32, #tpu.memory_space<vmem>> -> memref<128xi32, #tpu.memory_space<vmem>>
        %dma_start3A_14 = arith.constant 0 : i32
        %dma_start3A_15 = arith.constant 0 : i32
        %dma_start3A_16 = tpu.memref_slice %arg10[%dma_start3A_14, %dma_start3A_15] : memref<10240x16xf32, #tpu.memory_space<vmem_shared>> -> memref<10240x16xf32, #tpu.memory_space<vmem_shared>>
        tpu.enqueue_indirect_dma source(%arg7 : memref<128x16xf32, #tpu.memory_space<vmem>>) target(%dma_start3A_16 : memref<10240x16xf32, #tpu.memory_space<vmem_shared>>) offsets(%dma_start3A_13 : memref<128xi32, #tpu.memory_space<vmem>>) semaphore(%run_scoped3A : memref<!tpu.dma_semaphore, #tpu.memory_space<semaphore_mem>>) {add = true}
        %dma_wait3A = arith.constant 0 : i32
        %dma_wait3A_17 = tpu.memref_slice %arg6[%scan3A_11, %dma_wait3A] : memref<80x128xi32, #tpu.memory_space<vmem>> -> memref<1x128xi32, #tpu.memory_space<vmem>>
        %dma_wait3A_18 = tpu.memref_squeeze %dma_wait3A_17 : memref<1x128xi32, #tpu.memory_space<vmem>> -> memref<128xi32, #tpu.memory_space<vmem>>
        %dma_wait3A_19 = arith.constant 0 : i32
        %dma_wait3A_20 = arith.constant 0 : i32
        %dma_wait3A_21 = tpu.memref_slice %arg10[%dma_wait3A_19, %dma_wait3A_20] : memref<10240x16xf32, #tpu.memory_space<vmem_shared>> -> memref<10240x16xf32, #tpu.memory_space<vmem_shared>>
        tpu.wait_indirect_dma semaphore(%run_scoped3A : memref<!tpu.dma_semaphore, #tpu.memory_space<semaphore_mem>>) src(%arg7 : memref<128x16xf32, #tpu.memory_space<vmem>>) dst(%dma_wait3A_21 : memref<10240x16xf32, #tpu.memory_space<vmem_shared>>)
        tpu.yield
      }) : () -> ()
    }
    %scan3A_7 = arith.constant 80 : i32
    %barrier3A_8 = arith.constant 0 : index
    tpu.barrier barrier_id(%barrier3A_8)
    %mul3A_9 = arith.constant 640 : i32
    %mul3A_10 = arith.muli %arg1, %mul3A_9 : i32
    "tpu.region"() ({
      %run_scoped3A = tpu.sem_alloc : memref<!tpu.dma_semaphore, #tpu.memory_space<semaphore_mem>>
      %dma_start3A = arith.constant 0 : i32
      %dma_start3A_11 = tpu.memref_slice %arg10[%mul3A_10, %dma_start3A] : memref<10240x16xf32, #tpu.memory_space<vmem_shared>> -> memref<640x1xf32, #tpu.memory_space<vmem_shared>>
      %dma_start3A_12 = arith.constant 0 : i32
      %dma_start3A_13 = tpu.memref_slice %arg10[%mul3A_10, %dma_start3A_12] : memref<10240x16xf32, #tpu.memory_space<vmem_shared>> -> memref<640x1xf32, #tpu.memory_space<vmem_shared>>
      tpu.enqueue_dma source(%dma_start3A_13 : memref<640x1xf32, #tpu.memory_space<vmem_shared>>) target(%arg9 : memref<640x1xf32, #tpu.memory_space<vmem>>) target_semaphore(%run_scoped3A : memref<!tpu.dma_semaphore, #tpu.memory_space<semaphore_mem>>)
      %dma_wait3A = arith.constant 0 : i32
      %dma_wait3A_14 = tpu.memref_slice %arg10[%mul3A_10, %dma_wait3A] : memref<10240x16xf32, #tpu.memory_space<vmem_shared>> -> memref<640x1xf32, #tpu.memory_space<vmem_shared>>
      %dma_wait3A_15 = arith.constant 0 : i32
      %dma_wait3A_16 = tpu.memref_slice %arg10[%mul3A_10, %dma_wait3A_15] : memref<10240x16xf32, #tpu.memory_space<vmem_shared>> -> memref<640x1xf32, #tpu.memory_space<vmem_shared>>
      tpu.wait_dma2 semaphore(%run_scoped3A : memref<!tpu.dma_semaphore, #tpu.memory_space<semaphore_mem>>) src(%dma_wait3A_16 : memref<640x1xf32, #tpu.memory_space<vmem_shared>>) dst(%arg9 : memref<640x1xf32, #tpu.memory_space<vmem>>)
      tpu.yield
    }) : () -> ()
    "tpu.region"() ({
      %run_scoped3A = tpu.sem_alloc : memref<!tpu.dma_semaphore, #tpu.memory_space<semaphore_mem>>
      %dma_start3A = arith.constant 0 : i32
      %dma_start3A_11 = tpu.memref_slice %arg5[%arg0, %mul3A_10, %dma_start3A] : memref<2x10240x1xf32, #tpu.memory_space<hbm>> -> memref<1x640x1xf32, #tpu.memory_space<hbm>>
      %dma_start3A_12 = tpu.memref_squeeze %dma_start3A_11 : memref<1x640x1xf32, #tpu.memory_space<hbm>> -> memref<640x1xf32, #tpu.memory_space<hbm>>
      %dma_start3A_13 = arith.constant 0 : i32
      %dma_start3A_14 = tpu.memref_slice %arg5[%arg0, %mul3A_10, %dma_start3A_13] : memref<2x10240x1xf32, #tpu.memory_space<hbm>> -> memref<1x640x1xf32, #tpu.memory_space<hbm>>
      %dma_start3A_15 = tpu.memref_squeeze %dma_start3A_14 : memref<1x640x1xf32, #tpu.memory_space<hbm>> -> memref<640x1xf32, #tpu.memory_space<hbm>>
      tpu.enqueue_dma source(%arg9 : memref<640x1xf32, #tpu.memory_space<vmem>>) target(%dma_start3A_15 : memref<640x1xf32, #tpu.memory_space<hbm>>) target_semaphore(%run_scoped3A : memref<!tpu.dma_semaphore, #tpu.memory_space<semaphore_mem>>)
      %dma_wait3A = arith.constant 0 : i32
      %dma_wait3A_16 = tpu.memref_slice %arg5[%arg0, %mul3A_10, %dma_wait3A] : memref<2x10240x1xf32, #tpu.memory_space<hbm>> -> memref<1x640x1xf32, #tpu.memory_space<hbm>>
      %dma_wait3A_17 = tpu.memref_squeeze %dma_wait3A_16 : memref<1x640x1xf32, #tpu.memory_space<hbm>> -> memref<640x1xf32, #tpu.memory_space<hbm>>
      %dma_wait3A_18 = arith.constant 0 : i32
      %dma_wait3A_19 = tpu.memref_slice %arg5[%arg0, %mul3A_10, %dma_wait3A_18] : memref<2x10240x1xf32, #tpu.memory_space<hbm>> -> memref<1x640x1xf32, #tpu.memory_space<hbm>>
      %dma_wait3A_20 = tpu.memref_squeeze %dma_wait3A_19 : memref<1x640x1xf32, #tpu.memory_space<hbm>> -> memref<640x1xf32, #tpu.memory_space<hbm>>
      tpu.wait_dma2 semaphore(%run_scoped3A : memref<!tpu.dma_semaphore, #tpu.memory_space<semaphore_mem>>) src(%arg9 : memref<640x1xf32, #tpu.memory_space<vmem>>) dst(%dma_wait3A_20 : memref<640x1xf32, #tpu.memory_space<hbm>>)
      tpu.yield
    }) : () -> ()
    return
  }
}

module attributes {stable_mosaic.version = 14 : i64} {
  func.func @_tc1_body(%arg0: i32, %arg1: memref<2x1000x1xf32, #tpu.memory_space<vmem>>, %arg2: memref<1000x128xf32, #tpu.memory_space<vmem>>, %arg3: memref<128x128xf32, #tpu.memory_space<vmem>>, %arg4: memref<2x1000x64xf32, #tpu.memory_space<vmem>>) attributes {dimension_semantics = [#tpu.dimension_semantics<arbitrary>], iteration_bounds = array<i64: 10>, scalar_prefetch = 0 : i64, scratch_operands = 0 : i64, tpu.core_type = #tpu.core_type<tc>, window_params = [{transform_indices = @transform_0, window_bounds = array<i64: 2, 1000, 1>}, {transform_indices = @transform_1, window_bounds = array<i64: 1000, 128>}, {pipeline_mode = #tpu.pipeline_mode<synchronous>, transform_indices = @transform_2, window_bounds = array<i64: 128, 128>}, {transform_indices = @transform_3, window_bounds = array<i64: 2, 1000, 64>}]} {
    %get3A = arith.constant 0 : index
    %get3A_0 = arith.constant 0 : index
    %get3A_1 = arith.constant 0 : index
    %get3A_2 = vector.load %arg1[%get3A, %get3A_0, %get3A_1] : memref<2x1000x1xf32, #tpu.memory_space<vmem>>, vector<1x1000x1xf32>
    %get3A_3 = vector.shape_cast %get3A_2 : vector<1x1000x1xf32> to vector<1000x1xf32>
    %get3A_4 = arith.constant 1 : index
    %get3A_5 = arith.constant 0 : index
    %get3A_6 = arith.constant 0 : index
    %get3A_7 = vector.load %arg1[%get3A_4, %get3A_5, %get3A_6] : memref<2x1000x1xf32, #tpu.memory_space<vmem>>, vector<1x1000x1xf32>
    %get3A_8 = vector.shape_cast %get3A_7 : vector<1x1000x1xf32> to vector<1000x1xf32>
    %add3A = arith.addf %get3A_3, %get3A_8 : vector<1000x1xf32>
    %add3A_9 = arith.constant 1.000000e+00 : f32
    %add3A_10 = vector.broadcast %add3A_9 : f32 to vector<1000x1xf32>
    %add3A_11 = arith.addf %add3A, %add3A_10 : vector<1000x1xf32>
    %rsqrt3A = math.rsqrt %add3A_11 : vector<1000x1xf32>
    %get3A_12 = arith.constant 0 : index
    %get3A_13 = arith.constant 0 : index
    %get3A_14 = vector.load %arg2[%get3A_12, %get3A_13] : memref<1000x128xf32, #tpu.memory_space<vmem>>, vector<1000x128xf32>
    %get3A_15 = arith.constant 0 : index
    %get3A_16 = arith.constant 0 : index
    %get3A_17 = vector.load %arg3[%get3A_15, %get3A_16] : memref<128x128xf32, #tpu.memory_space<vmem>>, vector<128x128xf32>
    %dot_general3A = arith.constant dense<0.000000e+00> : vector<1000x128xf32>
    %dot_general3A_18 = tpu.matmul %get3A_14, %get3A_17, %dot_general3A {dimension_numbers = #tpu.dot_dimension_numbers<[1], [0], [0], [1], [0, 0, 1, 1], [], []>, transpose_lhs_hint = false} : vector<1000x128xf32>, vector<128x128xf32>, vector<1000x128xf32> -> vector<1000x128xf32>
    %mul3A = vector.broadcast %rsqrt3A : vector<1000x1xf32> to vector<1000x128xf32>
    %mul3A_19 = arith.mulf %dot_general3A_18, %mul3A : vector<1000x128xf32>
    %slice3A = vector.extract_strided_slice %mul3A_19 {offsets = [0, 0], sizes = [1000, 64], strides = [1, 1]} : vector<1000x128xf32> to vector<1000x64xf32>
    %swap3A = arith.constant 0 : index
    %swap3A_20 = arith.constant 0 : index
    %swap3A_21 = arith.constant 0 : index
    %swap3A_22 = vector.load %arg4[%swap3A, %swap3A_20, %swap3A_21] : memref<2x1000x64xf32, #tpu.memory_space<vmem>>, vector<1x1000x64xf32>
    %swap3A_23 = vector.shape_cast %swap3A_22 : vector<1x1000x64xf32> to vector<1000x64xf32>
    %swap3A_24 = vector.shape_cast %slice3A : vector<1000x64xf32> to vector<1x1000x64xf32>
    tpu.vector_store %arg4[%swap3A, %swap3A_20, %swap3A_21], %swap3A_24 {strides = array<i32>} : memref<2x1000x64xf32, #tpu.memory_space<vmem>>, vector<1x1000x64xf32>,
    %slice3A_25 = vector.extract_strided_slice %mul3A_19 {offsets = [0, 64], sizes = [1000, 64], strides = [1, 1]} : vector<1000x128xf32> to vector<1000x64xf32>
    %swap3A_26 = arith.constant 1 : index
    %swap3A_27 = arith.constant 0 : index
    %swap3A_28 = arith.constant 0 : index
    %swap3A_29 = vector.load %arg4[%swap3A_26, %swap3A_27, %swap3A_28] : memref<2x1000x64xf32, #tpu.memory_space<vmem>>, vector<1x1000x64xf32>
    %swap3A_30 = vector.shape_cast %swap3A_29 : vector<1x1000x64xf32> to vector<1000x64xf32>
    %swap3A_31 = vector.shape_cast %slice3A_25 : vector<1000x64xf32> to vector<1x1000x64xf32>
    tpu.vector_store %arg4[%swap3A_26, %swap3A_27, %swap3A_28], %swap3A_31 {strides = array<i32>} : memref<2x1000x64xf32, #tpu.memory_space<vmem>>, vector<1x1000x64xf32>,
    return
  }
  func.func @transform_0(%arg0: i32) -> (i32, i32, i32) {
    %c0_i32 = arith.constant 0 : i32
    %c0_i32_0 = arith.constant 0 : i32
    %c0_i32_1 = arith.constant 0 : i32
    return %c0_i32, %arg0, %c0_i32_0 : i32, i32, i32
  }
  func.func @transform_1(%arg0: i32) -> (i32, i32) {
    %c0_i32 = arith.constant 0 : i32
    %c0_i32_0 = arith.constant 0 : i32
    return %arg0, %c0_i32 : i32, i32
  }
  func.func @transform_2(%arg0: i32) -> (i32, i32) {
    %c0_i32 = arith.constant 0 : i32
    %c0_i32_0 = arith.constant 0 : i32
    %c0_i32_1 = arith.constant 0 : i32
    return %c0_i32, %c0_i32_0 : i32, i32
  }
  func.func @transform_3(%arg0: i32) -> (i32, i32, i32) {
    %c0_i32 = arith.constant 0 : i32
    %c0_i32_0 = arith.constant 0 : i32
    %c0_i32_1 = arith.constant 0 : i32
    return %c0_i32, %arg0, %c0_i32_0 : i32, i32, i32
  }
}

module attributes {stable_mosaic.version = 14 : i64} {
  func.func @_tc2_body(%arg0: i32, %arg1: memref<2x1000x1xf32, #tpu.memory_space<vmem>>, %arg2: memref<2x1000x64xf32, #tpu.memory_space<vmem>>, %arg3: memref<2x1000x64xf32, #tpu.memory_space<vmem>>, %arg4: memref<128xf32, #tpu.memory_space<vmem>>, %arg5: memref<128x64xf32, #tpu.memory_space<vmem>>, %arg6: memref<2x1000x32xf32, #tpu.memory_space<vmem>>) attributes {dimension_semantics = [#tpu.dimension_semantics<arbitrary>], iteration_bounds = array<i64: 10>, scalar_prefetch = 0 : i64, scratch_operands = 0 : i64, tpu.core_type = #tpu.core_type<tc>, window_params = [{transform_indices = @transform_0, window_bounds = array<i64: 2, 1000, 1>}, {transform_indices = @transform_1, window_bounds = array<i64: 2, 1000, 64>}, {transform_indices = @transform_2, window_bounds = array<i64: 2, 1000, 64>}, {pipeline_mode = #tpu.pipeline_mode<synchronous>, transform_indices = @transform_3, window_bounds = array<i64: 128>}, {pipeline_mode = #tpu.pipeline_mode<synchronous>, transform_indices = @transform_4, window_bounds = array<i64: 128, 64>}, {transform_indices = @transform_5, window_bounds = array<i64: 2, 1000, 32>}]} {
    %get3A = arith.constant 0 : index
    %get3A_0 = arith.constant 0 : index
    %get3A_1 = arith.constant 0 : index
    %get3A_2 = vector.load %arg1[%get3A, %get3A_0, %get3A_1] : memref<2x1000x1xf32, #tpu.memory_space<vmem>>, vector<1x1000x1xf32>
    %get3A_3 = vector.shape_cast %get3A_2 : vector<1x1000x1xf32> to vector<1000x1xf32>
    %get3A_4 = arith.constant 1 : index
    %get3A_5 = arith.constant 0 : index
    %get3A_6 = arith.constant 0 : index
    %get3A_7 = vector.load %arg1[%get3A_4, %get3A_5, %get3A_6] : memref<2x1000x1xf32, #tpu.memory_space<vmem>>, vector<1x1000x1xf32>
    %get3A_8 = vector.shape_cast %get3A_7 : vector<1x1000x1xf32> to vector<1000x1xf32>
    %add3A = arith.addf %get3A_3, %get3A_8 : vector<1000x1xf32>
    %add3A_9 = arith.constant 1.000000e+00 : f32
    %add3A_10 = vector.broadcast %add3A_9 : f32 to vector<1000x1xf32>
    %add3A_11 = arith.addf %add3A, %add3A_10 : vector<1000x1xf32>
    %rsqrt3A = math.rsqrt %add3A_11 : vector<1000x1xf32>
    %get3A_12 = arith.constant 0 : index
    %get3A_13 = arith.constant 0 : index
    %get3A_14 = arith.constant 0 : index
    %get3A_15 = vector.load %arg2[%get3A_12, %get3A_13, %get3A_14] : memref<2x1000x64xf32, #tpu.memory_space<vmem>>, vector<1x1000x64xf32>
    %get3A_16 = vector.shape_cast %get3A_15 : vector<1x1000x64xf32> to vector<1000x64xf32>
    %get3A_17 = arith.constant 1 : index
    %get3A_18 = arith.constant 0 : index
    %get3A_19 = arith.constant 0 : index
    %get3A_20 = vector.load %arg2[%get3A_17, %get3A_18, %get3A_19] : memref<2x1000x64xf32, #tpu.memory_space<vmem>>, vector<1x1000x64xf32>
    %get3A_21 = vector.shape_cast %get3A_20 : vector<1x1000x64xf32> to vector<1000x64xf32>
    %concatenate3A = tpu.concatenate %get3A_16, %get3A_21 in 1 : vector<1000x64xf32>, vector<1000x64xf32> -> vector<1000x128xf32>
    %get3A_22 = arith.constant 0 : index
    %get3A_23 = arith.constant 0 : index
    %get3A_24 = arith.constant 0 : index
    %get3A_25 = vector.load %arg3[%get3A_22, %get3A_23, %get3A_24] : memref<2x1000x64xf32, #tpu.memory_space<vmem>>, vector<1x1000x64xf32>
    %get3A_26 = vector.shape_cast %get3A_25 : vector<1x1000x64xf32> to vector<1000x64xf32>
    %get3A_27 = arith.constant 1 : index
    %get3A_28 = arith.constant 0 : index
    %get3A_29 = arith.constant 0 : index
    %get3A_30 = vector.load %arg3[%get3A_27, %get3A_28, %get3A_29] : memref<2x1000x64xf32, #tpu.memory_space<vmem>>, vector<1x1000x64xf32>
    %get3A_31 = vector.shape_cast %get3A_30 : vector<1x1000x64xf32> to vector<1000x64xf32>
    %concatenate3A_32 = tpu.concatenate %get3A_26, %get3A_31 in 1 : vector<1000x64xf32>, vector<1000x64xf32> -> vector<1000x128xf32>
    %add3A_33 = arith.addf %concatenate3A, %concatenate3A_32 : vector<1000x128xf32>
    %mul3A = vector.broadcast %rsqrt3A : vector<1000x1xf32> to vector<1000x128xf32>
    %mul3A_34 = arith.mulf %add3A_33, %mul3A : vector<1000x128xf32>
    %get3A_35 = arith.constant 0 : index
    %get3A_36 = vector.load %arg4[%get3A_35] : memref<128xf32, #tpu.memory_space<vmem>>, vector<128xf32>
    %broadcast_in_dim3A = vector.shape_cast %get3A_36 : vector<128xf32> to vector<1x128xf32>
    %add3A_37 = vector.broadcast %broadcast_in_dim3A : vector<1x128xf32> to vector<1000x128xf32>
    %add3A_38 = arith.addf %mul3A_34, %add3A_37 : vector<1000x128xf32>
    %gt3A = arith.constant 0.000000e+00 : f32
    %gt3A_39 = vector.broadcast %gt3A : f32 to vector<1000x128xf32>
    %gt3A_40 = arith.cmpf ogt, %add3A_38, %gt3A_39 : vector<1000x128xf32>
    %mul3A_41 = arith.constant 0.00999999977 : f32
    %mul3A_42 = vector.broadcast %mul3A_41 : f32 to vector<1000x128xf32>
    %mul3A_43 = arith.mulf %mul3A_42, %add3A_38 : vector<1000x128xf32>
    %select_n3A = arith.select %gt3A_40, %add3A_38, %mul3A_43 : vector<1000x128xi1>, vector<1000x128xf32>
    %get3A_44 = arith.constant 0 : index
    %get3A_45 = arith.constant 0 : index
    %get3A_46 = vector.load %arg5[%get3A_44, %get3A_45] : memref<128x64xf32, #tpu.memory_space<vmem>>, vector<128x64xf32>
    %dot_general3A = arith.constant dense<0.000000e+00> : vector<1000x64xf32>
    %dot_general3A_47 = tpu.matmul %select_n3A, %get3A_46, %dot_general3A {dimension_numbers = #tpu.dot_dimension_numbers<[1], [0], [0], [1], [0, 0, 1, 1], [], []>, transpose_lhs_hint = false} : vector<1000x128xf32>, vector<128x64xf32>, vector<1000x64xf32> -> vector<1000x64xf32>
    %mul3A_48 = vector.broadcast %rsqrt3A : vector<1000x1xf32> to vector<1000x64xf32>
    %mul3A_49 = arith.mulf %dot_general3A_47, %mul3A_48 : vector<1000x64xf32>
    %slice3A = vector.extract_strided_slice %mul3A_49 {offsets = [0, 0], sizes = [1000, 32], strides = [1, 1]} : vector<1000x64xf32> to vector<1000x32xf32>
    %swap3A = arith.constant 0 : index
    %swap3A_50 = arith.constant 0 : index
    %swap3A_51 = arith.constant 0 : index
    %swap3A_52 = vector.load %arg6[%swap3A, %swap3A_50, %swap3A_51] : memref<2x1000x32xf32, #tpu.memory_space<vmem>>, vector<1x1000x32xf32>
    %swap3A_53 = vector.shape_cast %swap3A_52 : vector<1x1000x32xf32> to vector<1000x32xf32>
    %swap3A_54 = vector.shape_cast %slice3A : vector<1000x32xf32> to vector<1x1000x32xf32>
    tpu.vector_store %arg6[%swap3A, %swap3A_50, %swap3A_51], %swap3A_54 {strides = array<i32>} : memref<2x1000x32xf32, #tpu.memory_space<vmem>>, vector<1x1000x32xf32>,
    %slice3A_55 = vector.extract_strided_slice %mul3A_49 {offsets = [0, 32], sizes = [1000, 32], strides = [1, 1]} : vector<1000x64xf32> to vector<1000x32xf32>
    %swap3A_56 = arith.constant 1 : index
    %swap3A_57 = arith.constant 0 : index
    %swap3A_58 = arith.constant 0 : index
    %swap3A_59 = vector.load %arg6[%swap3A_56, %swap3A_57, %swap3A_58] : memref<2x1000x32xf32, #tpu.memory_space<vmem>>, vector<1x1000x32xf32>
    %swap3A_60 = vector.shape_cast %swap3A_59 : vector<1x1000x32xf32> to vector<1000x32xf32>
    %swap3A_61 = vector.shape_cast %slice3A_55 : vector<1000x32xf32> to vector<1x1000x32xf32>
    tpu.vector_store %arg6[%swap3A_56, %swap3A_57, %swap3A_58], %swap3A_61 {strides = array<i32>} : memref<2x1000x32xf32, #tpu.memory_space<vmem>>, vector<1x1000x32xf32>,
    return
  }
  func.func @transform_0(%arg0: i32) -> (i32, i32, i32) {
    %c0_i32 = arith.constant 0 : i32
    %c0_i32_0 = arith.constant 0 : i32
    %c0_i32_1 = arith.constant 0 : i32
    return %c0_i32, %arg0, %c0_i32_0 : i32, i32, i32
  }
  func.func @transform_1(%arg0: i32) -> (i32, i32, i32) {
    %c0_i32 = arith.constant 0 : i32
    %c0_i32_0 = arith.constant 0 : i32
    %c0_i32_1 = arith.constant 0 : i32
    return %c0_i32, %arg0, %c0_i32_0 : i32, i32, i32
  }
  func.func @transform_2(%arg0: i32) -> (i32, i32, i32) {
    %c0_i32 = arith.constant 0 : i32
    %c0_i32_0 = arith.constant 0 : i32
    %c0_i32_1 = arith.constant 0 : i32
    return %c0_i32, %arg0, %c0_i32_0 : i32, i32, i32
  }
  func.func @transform_3(%arg0: i32) -> i32 {
    %c0_i32 = arith.constant 0 : i32
    %c0_i32_0 = arith.constant 0 : i32
    return %c0_i32 : i32
  }
  func.func @transform_4(%arg0: i32) -> (i32, i32) {
    %c0_i32 = arith.constant 0 : i32
    %c0_i32_0 = arith.constant 0 : i32
    %c0_i32_1 = arith.constant 0 : i32
    return %c0_i32, %c0_i32_0 : i32, i32
  }
  func.func @transform_5(%arg0: i32) -> (i32, i32, i32) {
    %c0_i32 = arith.constant 0 : i32
    %c0_i32_0 = arith.constant 0 : i32
    %c0_i32_1 = arith.constant 0 : i32
    return %c0_i32, %arg0, %c0_i32_0 : i32, i32, i32
  }
}

module attributes {stable_mosaic.version = 14 : i64} {
  func.func @_tc3_body(%arg0: i32, %arg1: memref<2x1000x1xf32, #tpu.memory_space<vmem>>, %arg2: memref<2x1000x32xf32, #tpu.memory_space<vmem>>, %arg3: memref<2x1000x32xf32, #tpu.memory_space<vmem>>, %arg4: memref<64xf32, #tpu.memory_space<vmem>>, %arg5: memref<64x1xf32, #tpu.memory_space<vmem>>, %arg6: memref<1x1xf32, #tpu.memory_space<smem>>, %arg7: memref<1000x1xf32, #tpu.memory_space<vmem>>) attributes {dimension_semantics = [#tpu.dimension_semantics<arbitrary>], iteration_bounds = array<i64: 10>, scalar_prefetch = 0 : i64, scratch_operands = 0 : i64, tpu.core_type = #tpu.core_type<tc>, window_params = [{transform_indices = @transform_0, window_bounds = array<i64: 2, 1000, 1>}, {transform_indices = @transform_1, window_bounds = array<i64: 2, 1000, 32>}, {transform_indices = @transform_2, window_bounds = array<i64: 2, 1000, 32>}, {pipeline_mode = #tpu.pipeline_mode<synchronous>, transform_indices = @transform_3, window_bounds = array<i64: 64>}, {pipeline_mode = #tpu.pipeline_mode<synchronous>, transform_indices = @transform_4, window_bounds = array<i64: 64, 1>}, {transform_indices = @transform_5, window_bounds = array<i64: 1, 1>}, {transform_indices = @transform_6, window_bounds = array<i64: 1000, 1>}]} {
    %get3A = arith.constant 0 : index
    %get3A_0 = arith.constant 0 : index
    %get3A_1 = arith.constant 0 : index
    %get3A_2 = vector.load %arg1[%get3A, %get3A_0, %get3A_1] : memref<2x1000x1xf32, #tpu.memory_space<vmem>>, vector<1x1000x1xf32>
    %get3A_3 = vector.shape_cast %get3A_2 : vector<1x1000x1xf32> to vector<1000x1xf32>
    %get3A_4 = arith.constant 1 : index
    %get3A_5 = arith.constant 0 : index
    %get3A_6 = arith.constant 0 : index
    %get3A_7 = vector.load %arg1[%get3A_4, %get3A_5, %get3A_6] : memref<2x1000x1xf32, #tpu.memory_space<vmem>>, vector<1x1000x1xf32>
    %get3A_8 = vector.shape_cast %get3A_7 : vector<1x1000x1xf32> to vector<1000x1xf32>
    %add3A = arith.addf %get3A_3, %get3A_8 : vector<1000x1xf32>
    %add3A_9 = arith.constant 1.000000e+00 : f32
    %add3A_10 = vector.broadcast %add3A_9 : f32 to vector<1000x1xf32>
    %add3A_11 = arith.addf %add3A, %add3A_10 : vector<1000x1xf32>
    %rsqrt3A = math.rsqrt %add3A_11 : vector<1000x1xf32>
    %get3A_12 = arith.constant 0 : index
    %get3A_13 = arith.constant 0 : index
    %get3A_14 = arith.constant 0 : index
    %get3A_15 = vector.load %arg2[%get3A_12, %get3A_13, %get3A_14] : memref<2x1000x32xf32, #tpu.memory_space<vmem>>, vector<1x1000x32xf32>
    %get3A_16 = vector.shape_cast %get3A_15 : vector<1x1000x32xf32> to vector<1000x32xf32>
    %get3A_17 = arith.constant 1 : index
    %get3A_18 = arith.constant 0 : index
    %get3A_19 = arith.constant 0 : index
    %get3A_20 = vector.load %arg2[%get3A_17, %get3A_18, %get3A_19] : memref<2x1000x32xf32, #tpu.memory_space<vmem>>, vector<1x1000x32xf32>
    %get3A_21 = vector.shape_cast %get3A_20 : vector<1x1000x32xf32> to vector<1000x32xf32>
    %concatenate3A = tpu.concatenate %get3A_16, %get3A_21 in 1 : vector<1000x32xf32>, vector<1000x32xf32> -> vector<1000x64xf32>
    %get3A_22 = arith.constant 0 : index
    %get3A_23 = arith.constant 0 : index
    %get3A_24 = arith.constant 0 : index
    %get3A_25 = vector.load %arg3[%get3A_22, %get3A_23, %get3A_24] : memref<2x1000x32xf32, #tpu.memory_space<vmem>>, vector<1x1000x32xf32>
    %get3A_26 = vector.shape_cast %get3A_25 : vector<1x1000x32xf32> to vector<1000x32xf32>
    %get3A_27 = arith.constant 1 : index
    %get3A_28 = arith.constant 0 : index
    %get3A_29 = arith.constant 0 : index
    %get3A_30 = vector.load %arg3[%get3A_27, %get3A_28, %get3A_29] : memref<2x1000x32xf32, #tpu.memory_space<vmem>>, vector<1x1000x32xf32>
    %get3A_31 = vector.shape_cast %get3A_30 : vector<1x1000x32xf32> to vector<1000x32xf32>
    %concatenate3A_32 = tpu.concatenate %get3A_26, %get3A_31 in 1 : vector<1000x32xf32>, vector<1000x32xf32> -> vector<1000x64xf32>
    %add3A_33 = arith.addf %concatenate3A, %concatenate3A_32 : vector<1000x64xf32>
    %mul3A = vector.broadcast %rsqrt3A : vector<1000x1xf32> to vector<1000x64xf32>
    %mul3A_34 = arith.mulf %add3A_33, %mul3A : vector<1000x64xf32>
    %get3A_35 = arith.constant 0 : index
    %get3A_36 = vector.load %arg4[%get3A_35] : memref<64xf32, #tpu.memory_space<vmem>>, vector<64xf32>
    %broadcast_in_dim3A = vector.shape_cast %get3A_36 : vector<64xf32> to vector<1x64xf32>
    %add3A_37 = vector.broadcast %broadcast_in_dim3A : vector<1x64xf32> to vector<1000x64xf32>
    %add3A_38 = arith.addf %mul3A_34, %add3A_37 : vector<1000x64xf32>
    %gt3A = arith.constant 0.000000e+00 : f32
    %gt3A_39 = vector.broadcast %gt3A : f32 to vector<1000x64xf32>
    %gt3A_40 = arith.cmpf ogt, %add3A_38, %gt3A_39 : vector<1000x64xf32>
    %mul3A_41 = arith.constant 0.00999999977 : f32
    %mul3A_42 = vector.broadcast %mul3A_41 : f32 to vector<1000x64xf32>
    %mul3A_43 = arith.mulf %mul3A_42, %add3A_38 : vector<1000x64xf32>
    %select_n3A = arith.select %gt3A_40, %add3A_38, %mul3A_43 : vector<1000x64xi1>, vector<1000x64xf32>
    %get3A_44 = arith.constant 0 : index
    %get3A_45 = arith.constant 0 : index
    %get3A_46 = vector.load %arg5[%get3A_44, %get3A_45] : memref<64x1xf32, #tpu.memory_space<vmem>>, vector<64x1xf32>
    %dot_general3A = arith.constant dense<0.000000e+00> : vector<1000x1xf32>
    %dot_general3A_47 = tpu.matmul %select_n3A, %get3A_46, %dot_general3A {dimension_numbers = #tpu.dot_dimension_numbers<[1], [0], [0], [1], [0, 0, 1, 1], [], []>, transpose_lhs_hint = false} : vector<1000x64xf32>, vector<64x1xf32>, vector<1000x1xf32> -> vector<1000x1xf32>
    %get3A_48 = arith.constant 0 : index
    %get3A_49 = arith.constant 0 : index
    %get3A_50 = memref.load %arg6[%get3A_48, %get3A_49] : memref<1x1xf32, #tpu.memory_space<smem>>
    %add3A_51 = vector.broadcast %get3A_50 : f32 to vector<1000x1xf32>
    %add3A_52 = arith.addf %dot_general3A_47, %add3A_51 : vector<1000x1xf32>
    %swap3A = arith.constant 0 : index
    %swap3A_53 = arith.constant 0 : index
    %swap3A_54 = vector.load %arg7[%swap3A, %swap3A_53] : memref<1000x1xf32, #tpu.memory_space<vmem>>, vector<1000x1xf32>
    tpu.vector_store %arg7[%swap3A, %swap3A_53], %add3A_52 {strides = array<i32>} : memref<1000x1xf32, #tpu.memory_space<vmem>>, vector<1000x1xf32>,
    return
  }
  func.func @transform_0(%arg0: i32) -> (i32, i32, i32) {
    %c0_i32 = arith.constant 0 : i32
    %c0_i32_0 = arith.constant 0 : i32
    %c0_i32_1 = arith.constant 0 : i32
    return %c0_i32, %arg0, %c0_i32_0 : i32, i32, i32
  }
  func.func @transform_1(%arg0: i32) -> (i32, i32, i32) {
    %c0_i32 = arith.constant 0 : i32
    %c0_i32_0 = arith.constant 0 : i32
    %c0_i32_1 = arith.constant 0 : i32
    return %c0_i32, %arg0, %c0_i32_0 : i32, i32, i32
  }
  func.func @transform_2(%arg0: i32) -> (i32, i32, i32) {
    %c0_i32 = arith.constant 0 : i32
    %c0_i32_0 = arith.constant 0 : i32
    %c0_i32_1 = arith.constant 0 : i32
    return %c0_i32, %arg0, %c0_i32_0 : i32, i32, i32
  }
  func.func @transform_3(%arg0: i32) -> i32 {
    %c0_i32 = arith.constant 0 : i32
    %c0_i32_0 = arith.constant 0 : i32
    return %c0_i32 : i32
  }
  func.func @transform_4(%arg0: i32) -> (i32, i32) {
    %c0_i32 = arith.constant 0 : i32
    %c0_i32_0 = arith.constant 0 : i32
    %c0_i32_1 = arith.constant 0 : i32
    return %c0_i32, %c0_i32_0 : i32, i32
  }
  func.func @transform_5(%arg0: i32) -> (i32, i32) {
    %c0_i32 = arith.constant 0 : i32
    %c0_i32_0 = arith.constant 0 : i32
    %c0_i32_1 = arith.constant 0 : i32
    return %c0_i32, %c0_i32_0 : i32, i32
  }
  func.func @transform_6(%arg0: i32) -> (i32, i32) {
    %c0_i32 = arith.constant 0 : i32
    %c0_i32_0 = arith.constant 0 : i32
    return %arg0, %c0_i32 : i32, i32
  }
}

</mosaic_0001>

<sc_bundles>
// kernel: kernel.11.cloned.1.call-start
scs
__scs_entry_jumppad:
0x0: {  	(pc) =	sbr.rel $0x88, $3  }
0x1: {  	(tag) =	ssettag $0x0;
	lr =	simm.s32 $0x1  }
0x2: {  	[smem:$0x3F99] =	sst lr;
	_ =	strace $0xD0000000  }
0x3: {  	_ = 	snop  }
0x4: {  	_ = 	snop  }
0x5: {  	_ = 	snop  }
0x6: {  	_ = 	snop  }
0x7: {  	_ = 	snop  }
__scs_overlays_trampoline_lowered:
0x8: {  	[smem:$0x3FA8] =	sst s0  }
0x9: {  	[smem:$0x3FA9] =	sst s1  }
0xa: {  	[smem:$0x3FAA] =	sst s2  }
0xb: {  	[smem:$0x3FAB] =	sst s3  }
0xc: {  	[smem:$0x3FAC] =	sst s4  }
0xd: {  	[smem:$0x3FAD] =	sst s5  }
0xe: {  	[smem:$0x3FAE] =	sst s6  }
0xf: {  	[smem:$0x3FAF] =	sst s7  }
0x10: {  	[smem:$0x3FB0] =	sst s8  }
0x11: {  	[smem:$0x3FB1] =	sst s9;
	s0 =	simm.s32 @!p0 $0x0  }
0x12: {  	s1 =	sld [smem:$0x3F97];
	s0 =	simm.s32 @p0 $0x1  }
0x13: {  	[smem:$0x3FB2] =	sst s0;
	s0 =	simm.s32 @!p1 $0x0  }
0x14: {  	s2 =	sld [smem:$0x3F96];
	s0 =	simm.s32 @p1 $0x1  }
0x15: {  	[smem:$0x3FB3] =	sst s0;
	s0 =	simm.s32 @!p2 $0x0  }
0x16: {  	s3 =	sld [smem:$0x3FDB];
	s0 =	simm.s32 @p2 $0x1  }
0x17: {  	s4 =	simm.s32 $0x1BF5;
	[smem:$0x3FB5] =	sst s0  }
0x18: {  	s0 =	sld [smem:$0x3F98];
	_ =	swait.ge [sflag:s4], $0x0  }
0x19: {  	s7 =	sld [smem:$0x3F99]  }
0x1a: {  	s8 =	sadd.s32 $0xFFFFE003, lr  }
0x1b: {  	s9 =	sadd.s32 $0xFFFFFEF7, lr;
	s5 =	simm.s32 $0xFFFFFFFF;
	p2 =	slt.u32 s8, $0xFFFFF086  }
0x1c: {  	p1 =	slt.u32 s9, $0xF7A;
	s5 =	simm.s32 @!p2 $0x0  }
0x1d: {  	s5 =	simm.s32 @p1 $0x1;
	p0 =	seq.s32 s7, s2  }
0x1e: {  	s7 =	smul.u32 @!p0 $0xF7A, s2;
	p2 =	seq.s32 @!p0 s5, $0x0  }
0x1f: {  	s9 =	smul.u32 $0xF7A, s1;
	s8 =	simm.s32 @!p0 $0x1BF5;
	p2 =	por !p2, p0  }
0x20: {  	[sflag:s8] =	ssyncset.s32 @!p0 $0xFFFFF086;
	s6 =	sadd.s32 @!p0 s3, s7;
	s7 =	simm.s32 @!p0 $0x108  }
0x21: {  	s3 =	sadd.s32 s3, s9;
	s6 =	sadd.s32 @!p0 $0x88, s6;
	s7 =	simm.s32 @p2 $0x1082  }
0x22: {  	[simem:s7], [sflag:s8] =	dma.local @!p0 [hbm:s6], $0xF7A  }
0x23: {  	s9 =	sor.u32 $0xD0000000, s2;
	s6 =	simm.s32 $0x108;
	_ =	swait.ge @!p0 [sflag:s8], $0x0  }
0x24: {  	s3 =	sadd.s32 $0x88, s3;
	s6 =	simm.s32 @!p1 $0x1082;
	[sflag:s4] =	ssyncset.s32 $0xFFFFF086  }
0x25: {  	[simem:s6], [sflag:s4] =	dma.local [hbm:s3], $0xF7A  }
0x26: {  	[smem:$0x3F99] =	sst s1;
	(tag) =	ssettag s2;
	_ =	strace s9  }
0x27: {  	s1 =	sld [smem:$0x3FA9]  }
0x28: {  	s2 =	sld [smem:$0x3FAA]  }
0x29: {  	s4 =	sld [smem:$0x3FAC]  }
0x2a: {  	p0 =	seq.s32 s5, $0x0;
	s5 =	sld [smem:$0x3FAD]  }
0x2b: {  	s6 =	sld [smem:$0x3FAE]  }
0x2c: {  	s7 =	sld [smem:$0x3FAF]  }
0x2d: {  	s3 =	simm.s32 $0x108;
	s8 =	sld [smem:$0x3FB0]  }
0x2e: {  	s3 =	simm.s32 @!p0 $0x1082;
	s9 =	sld [smem:$0x3FB1]  }
0x2f: {  	lr =	sadd.s32 s0, s3;
	s0 =	sld [smem:$0x3FA8]  }
0x30: {  	s3 =	sld [smem:$0x3FAB]  }
0x31: {  	[smem:$0x3FB4] =	sst s10  }
0x32: {  	s10 =	sld [smem:$0x3FB2];
	_ =	sdelay $0x3  }
0x33: {  	p0 =	seq.s32 s10, $0x1;
	s10 =	sld [smem:$0x3FB4];
	_ =	sdelay $0x3  }
0x34: {  	[smem:$0x3FB4] =	sst s10  }
0x35: {  	s10 =	sld [smem:$0x3FB3];
	_ =	sdelay $0x3  }
0x36: {  	p1 =	seq.s32 s10, $0x1;
	s10 =	sld [smem:$0x3FB4];
	_ =	sdelay $0x3  }
0x37: {  	[smem:$0x3FB4] =	sst s10  }
0x38: {  	s10 =	sld [smem:$0x3FB5]  }
0x39: {  	_ = 	snop;
	(pc) =	sbr.ind lr, $3  }
0x3a: {  	_ = 	snop  }
0x3b: {  	_ = 	snop  }
0x3c: {  	p2 =	seq.s32 s10, $0x1;
	s10 =	sld [smem:$0x3FB4]  }
0x3d: {  	_ =	shalt  }
0x3e: {  	_ =	shalt  }
0x3f: {  	_ =	shalt  }
0x40: {  	_ =	shalt  }
0x41: {  	_ =	shalt  }
0x42: {  	_ =	shalt  }
0x43: {  	_ =	shalt  }
0x44: {  	_ =	shalt  }
0x45: {  	_ =	shalt  }
0x46: {  	_ =	shalt  }
0x47: {  	_ =	shalt  }
0x48: {  	_ =	shalt  }
0x49: {  	_ =	shalt  }
0x4a: {  	_ =	shalt  }
0x4b: {  	_ =	shalt  }
0x4c: {  	_ =	shalt  }
0x4d: {  	_ =	shalt  }
0x4e: {  	_ =	shalt  }
0x4f: {  	_ =	shalt  }
0x50: {  	_ =	shalt  }
0x51: {  	_ =	shalt  }
0x52: {  	_ =	shalt  }
0x53: {  	_ =	shalt  }
0x54: {  	_ =	shalt  }
0x55: {  	_ =	shalt  }
0x56: {  	_ =	shalt  }
0x57: {  	_ =	shalt  }
0x58: {  	_ =	shalt  }
0x59: {  	_ =	shalt  }
0x5a: {  	_ =	shalt  }
0x5b: {  	_ =	shalt  }
0x5c: {  	_ =	shalt  }
0x5d: {  	_ =	shalt  }
0x5e: {  	_ =	shalt  }
0x5f: {  	_ =	shalt  }
0x60: {  	_ =	shalt  }
0x61: {  	_ =	shalt  }
0x62: {  	_ =	shalt  }
0x63: {  	_ =	shalt  }
0x64: {  	_ =	shalt  }
0x65: {  	_ =	shalt  }
0x66: {  	_ =	shalt  }
0x67: {  	_ =	shalt  }
0x68: {  	_ =	shalt  }
0x69: {  	_ =	shalt  }
0x6a: {  	_ =	shalt  }
0x6b: {  	_ =	shalt  }
0x6c: {  	_ =	shalt  }
0x6d: {  	_ =	shalt  }
0x6e: {  	_ =	shalt  }
0x6f: {  	_ =	shalt  }
0x70: {  	_ =	shalt  }
0x71: {  	_ =	shalt  }
0x72: {  	_ =	shalt  }
0x73: {  	_ =	shalt  }
0x74: {  	_ =	shalt  }
0x75: {  	_ =	shalt  }
0x76: {  	_ =	shalt  }
0x77: {  	_ =	shalt  }
0x78: {  	_ =	shalt  }
0x79: {  	_ =	shalt  }
0x7a: {  	_ =	shalt  }
0x7b: {  	_ =	shalt  }
0x7c: {  	_ =	shalt  }
0x7d: {  	_ =	shalt  }
0x7e: {  	_ =	shalt  }
0x7f: {  	_ =	shalt  }
0x80: {  	_ =	shalt  }
0x81: {  	_ =	shalt  }
0x82: {  	_ =	shalt  }
0x83: {  	_ =	shalt  }
0x84: {  	_ =	shalt  }
0x85: {  	_ =	shalt  }
0x86: {  	_ =	shalt  }
0x87: {  	_ =	shalt  }
.Lfunc_end0:
.L_simem_size_0:
called_computation.1_lowered:
.L_overlay_start_0:
0x88: {  	s2 =	sld [smem:$0x3FD9]  }
0x89: {  	s3 =	sld [smem:$0x3FFE];
	_ =	sdelay $0x1  }
0x8a: {  	s1 =	srdreg.scid  }
0x8b: {  	s0 =	sand.u32 $0x1, s1  }
0x8c: {  	s17 =	sshll.u32 s0, $0xA;
	s2 =	sadd.s32 s3, s2  }
0x8d: {  	s2 =	sadd.s32 s2, s17  }
0x8e: {  	[smem:$0x3FC0] =	sst s2  }
0x8f: {  	_ = 	snop  }
0x90: {  	s2 =	sld [smem:$0x3FD0];
	(tm) =	ssettm $0x1  }
0x91: {  	s18 =	sld [smem:$0x3FFB];
	_ =	sdelay $0x3  }
0x92: {  	_ =	strace s18  }
0x93: {  	s3 =	sld [smem:$0x3FFC];
	_ =	sdelay $0x3  }
0x94: {  	_ =	strace s3  }
0x95: {  	s3 =	sld [smem:$0x3FFD];
	_ =	sdelay $0x3  }
0x96: {  	_ =	strace s3  }
0x97: {  	_ =	strace $0x8FFFFFFF  }
0x98: {  	s19 =	sld [smem:$0x3FDB];
	_ =	sdelay $0x1  }
0x99: {  	s4 =	simm.s32 $_scs_section_size  }
0x9a: {  	s5 =	simm.s32 $_size__tile_overlayer_lowered;
	s6 =	simm.s32 $_tile_overlayer_lowered  }
0x9b: {  	s22 =	simm.s32 $0x1BFF;
	s21 =	sshll.u32 s6, $0x1;
	s3 =	sadd.s32 s4, s19  }
0x9c: {  	s7 =	simm.s32 $0x0;
	s20 =	sshll.u32 s5, $0x1;
	s5 =	sadd.s32 s21, s3  }
0x9d: {  	[timem:s7], [sflag:s22] =	dma.local [hbm:s5], s20  }
0x9e: {  	_ =	swait.ge [sflag:s22], s20  }
0x9f: {  	s4 =	ssub.s32 $0x0, s20;
	[sflag:s22] =	ssyncset.done $0x0  }
0xa0: {  	[sflag:s22] =	ssyncadd.s32 s4;
	_ =	sdelay $0x1  }
0xa1: {  	s23 =	simm.s32 $0x1B8B  }
0xa2: {  	_ =	swait.ge [sflag:s23], $0x1  }
0xa3: {  	[sflag:s23] =	ssyncset.done $0x0  }
0xa4: {  	s25 =	simm.s32 $0x1B8E;
	s24 =	sld [smem:$0x3FFE];
	[sflag:s23] =	ssyncadd.s32 $0xFFFFFFFF  }
0xa5: {  	s26 =	simm.s32 $execute0_lowered;
	[smem:$0x3FD2] =	sst s25  }
0xa6: {  	s5 =	sshll.u32 s26, $0x1;
	_ =	strace $0x80000049;
	[dreg:$0x1] =	wrdreg $0xFFFFFFFF  }
0xa7: {  	s28 =	simm.s32 $_size_execute0_lowered;
	s3 =	sadd.s32 s3, s5;
	[dreg:$0x0] =	wrdreg $0x0  }
0xa8: {  	s5 =	sshll.u32 s28, $0x1;
	[dreg:$0x2] =	wrdreg s3  }
0xa9: {  	[dreg:$0x3] =	wrdreg s5  }
0xaa: {  	[dreg:$0x4] =	wrdreg $0xC0  }
0xab: {  	_ =	task [dreg:s7], $0x5FFFF  }
0xac: {  	[dreg:$0x1] =	wrdreg $0xFFFFFFFF  }
0xad: {  	[dreg:$0x0] =	wrdreg $0x60  }
0xae: {  	[dreg:$0x2] =	wrdreg s24  }
0xaf: {  	[dreg:$0x3] =	wrdreg s2  }
0xb0: {  	[dreg:$0x4] =	wrdreg $0x140000  }
0xb1: {  	[dreg:$0x5] =	wrdreg $0x9  }
0xb2: {  	_ =	task.clear_ibuf [dreg:s7], $0x6FFFF;
	_ =	strace $0x90000049  }
0xb3: {  	s29 =	simm.s32 $0x9;
	_ =	strace $0x8000004B  }
0xb4: {  	_ =	swait.ge [sflag:s29], $0x1  }
0xb5: {  	[sflag:s29] =	ssyncadd.s32 $0xFFFFFFFF  }
0xb6: {  	_ =	strace $0x9000004B  }
0xb7: {  	_ =	sfence  }
0xb8: {  	s30 =	sld [smem:$0x0];
	_ =	sdelay $0x2  }
0xb9: {  	s31 =	sshll.u32 s1, $0xD;
	s1 =	sshrl.u32 s1, $0x2  }
0xba: {  	s3 =	sand.u32 $0x4000, s31;
	s1 =	sadd.s32 s1, s30  }
0xbb: {  	s0 =	sor.u32 s3, s0;
	s1 =	sshll.u32 s1, $0x11  }
0xbc: {  	s0 =	sor.u32 s1, s0  }
0xbd: {  	s0 =	sadd.s32 $0x8F2B, s0  }
0xbe: {  	[sflag:s0] =	ssyncadd.remote.s32 $0x1  }
0xbf: {  	_ =	sfence.sel $0xFFFF  }
0xc0: {  	[dreg:$0x0] =	wrdreg $0xFFFFFFFF;
	(pc) =	sbr.abs _section_cstart, $3  }
0xc1: {  	[dreg:$0x1] =	wrdreg $0xFFFFFFFF  }
0xc2: {  	_ =	task.clear_ibuf [dreg:s7], $0x2FFFF;
	_ =	strace $0x9FFFFFFF  }
0xc3: {  	(tm) =	ssettm $0x7FFFFFFF  }
tec
execute0_lowered:
.L_overlay_start_1:
0x0: {  	(tag) =	ssettag $0x1  }
0x1: {  	s0 =	rddreg [dreg:$0x0]  }
0x2: {  	s1 =	srdreg.scid;
	s9 =	stileid.u32  }
0x3: {  	s3 =	rddreg [dreg:$0x2];
	s4 =	simm.s32 $0x0;
	s19 =	simm.s32 $0x6  }
0x4: {  	s21 =	simm.s32 $0x80;
	s22 =	simm.s32 $0xC000;
	s23 =	simm.s32 $0xE000  }
0x5: {  	s28 =	simm.s32 $0x12000;
	s29 =	simm.s32 $0xA000;
	s31 =	simm.s32 $0x2  }
0x6: {  	s20 =	simm.s32 $0x1;
	s30 =	simm.s32 $0x0;
	s2 =	smul.u32 $0x5000, s9  }
0x7: {  	s1 =	sand.u32 $0x1, s1;
	[smem:$0x7FF] =	sst s4;
	s12 =	smul.u32 $0xA000, s9  }
0x8: {  	s5 =	smul.u32 $0x50000, s1;
	_ =	strace $0x8000004A;
	s7 =	ssub.s32 $0x2, s1  }
0x9: {  	s1 =	smul.u32 $0xA0000, s1;
	s8 =	sshrl.u32 s7, $0x1;
	s24 =	sadd.s32 $0x2000, s12  }
0xa: {  	s15 =	sadd.s32 $0x4000, s12;
	s16 =	sadd.s32 $0x6000, s12;
	s17 =	sadd.s32 $0x8000, s12  }
0xb: {  	s6 =	sadd.s32 s2, s5;
	s5 =	sadd.s32 $0xC2A00, s0;
	s2 =	sshrl.u32 s2, $0x3  }
0xc: {  	s18 =	ssub.s32 s7, s8;
	s8 =	sadd.s32 s12, s3;
	s9 =	sadd.s32 s24, s3  }
0xd: {  	s10 =	sadd.s32 s15, s3;
	s11 =	sadd.s32 s16, s3;
	s13 =	sadd.s32 s12, s1  }
0xe: {  	s12 =	sadd.s32 s17, s3;
	s25 =	sadd.s32 s1, s15;
	s26 =	sadd.s32 s1, s16  }
0xf: {  	s6 =	sshrl.u32 s6, $0x3;
	s2 =	sadd.s32 s2, s0;
	s13 =	sshrl.u32 s13, $0x3  }
0x10: {  	s16 =	sshrl.u32 s26, $0x3;
	s18 =	smax.u32 s18, $0x1;
	s6 =	sadd.s32 s6, s0  }
0x11: {  	s0 =	sadd.s32 $0xE9C00, s0;
	s7 =	sadd.s32 $0x1600, s2;
	s2 =	sadd.s32 s1, s24  }
0x12: {  	s1 =	sadd.s32 s1, s17;
	s6 =	sadd.s32 $0x10800, s6;
	s13 =	sadd.s32 s0, s13  }
0x13: {  	s2 =	sshrl.u32 s2, $0x3;
	s16 =	sadd.s32 s0, s16;
	s1 =	sshrl.u32 s1, $0x3  }
0x14: {  	[dreg:$0x4] =	wrdreg s6;
	s14 =	sadd.s32 s0, s2;
	s2 =	sshrl.u32 s25, $0x3  }
0x15: {  	s17 =	sadd.s32 s0, s1;
	s25 =	simm.s32 $0x10000;
	s1 =	simm.s32 $0x3  }
0x16: {  	s15 =	sadd.s32 s0, s2;
	s0 =	simm.s32 $0x4;
	s2 =	simm.s32 $0x5  }
.LBB2_1:
0x17: {  	s6 =	rddreg [dreg:$0x4]  }
0x18: {  	[tilespmem:s4], [sflag:$0x6] =	stream.linear.gather [hbm4b:s6+s4], $0x5000, $0x38;
	[tilespmem:$0x1E000] =	vst v63  }
0x19: {  	_ =	swait.ge [sflag:s19], $0x5000  }
0x1a: {  	[sflag:s19] =	ssyncset.done $0x0  }
0x1b: {  	s26 =	simm.s32 $0x5000;
	[sflag:s19] =	ssyncadd.s32 $0xFFFFB000  }
0x1c: {  	[tilespmem:s26], [sflag:$0x6] =	stream.linear.gather [hbm4b:s7+s4], $0x5000, $0x38;
	[tilespmem:$0x1E000] =	vst v63  }
0x1d: {  	_ =	swait.ge [sflag:s19], $0x5000  }
0x1e: {  	[sflag:s19] =	ssyncset.done $0x0  }
0x1f: {  	[sflag:s19] =	ssyncadd.s32 $0xFFFFB000  }
0x20: {  	[tilespmem:s22], [sflag:$0x2] =	stream.indirect.gather [hbm4b:s5+s21], $0x40, s4, s21, $0xb8;
	[tilespmem:$0x1E000] =	vst v63  }
0x21: {  	_ = 	snop  }
0x22: {  	[tilespmem:s23], [sflag:$0x3] =	stream.indirect.gather [hbm4b:s5+s21], $0x40, s21, s21, $0xb8;
	[tilespmem:$0x1E000] =	vst v63  }
0x23: {  	s24 =	simm.s32 $0x100  }
0x24: {  	[tilespmem:s25], [sflag:$0x4] =	stream.indirect.gather [hbm4b:s5+s21], $0x40, s24, s21, $0xb8;
	[tilespmem:$0x1E000] =	vst v63  }
0x25: {  	s26 =	simm.s32 $0x180  }
0x26: {  	[tilespmem:s28], [sflag:$0x5] =	stream.indirect.gather [hbm4b:s5+s21], $0x40, s26, s21, $0xb8;
	[tilespmem:$0x1E000] =	vst v63  }
0x27: {  	s24 =	rddreg [dreg:$0x1]  }
0x28: {  	[tilespmem:s29], [sflag:$0x6] =	stream.linear.gather [hbm4b:s24+s4], $0x2000, $0x38;
	[tilespmem:$0x1E000] =	vst v63  }
0x29: {  	_ =	swait.ge [sflag:s19], $0x2000  }
0x2a: {  	[sflag:s19] =	ssyncset.done $0x0  }
0x2b: {  	[sflag:s19] =	ssyncadd.s32 $0xFFFFE000  }
0x2c: {  	[spmem:s8] =	stream.linear.scatter [tilespmem:s29], [sflag:$0x6], $0x2000, $0x38;
	[tilespmem:$0x1E000] =	vst v63  }
0x2d: {  	_ =	swait.ge [sflag:s19], $0x2000  }
0x2e: {  	[sflag:s19] =	ssyncset.done $0x0  }
0x2f: {  	[sflag:s19] =	ssyncadd.s32 $0xFFFFE000  }
0x30: {  	[spmem:s9] =	stream.linear.scatter [tilespmem:s29], [sflag:$0x6], $0x2000, $0x38;
	[tilespmem:$0x1E000] =	vst v63  }
0x31: {  	_ =	swait.ge [sflag:s19], $0x2000  }
0x32: {  	[sflag:s19] =	ssyncset.done $0x0  }
0x33: {  	[sflag:s19] =	ssyncadd.s32 $0xFFFFE000  }
0x34: {  	[spmem:s10] =	stream.linear.scatter [tilespmem:s29], [sflag:$0x6], $0x2000, $0x38;
	[tilespmem:$0x1E000] =	vst v63  }
0x35: {  	_ =	swait.ge [sflag:s19], $0x2000  }
0x36: {  	[sflag:s19] =	ssyncset.done $0x0  }
0x37: {  	[sflag:s19] =	ssyncadd.s32 $0xFFFFE000  }
0x38: {  	[spmem:s11] =	stream.linear.scatter [tilespmem:s29], [sflag:$0x6], $0x2000, $0x38;
	[tilespmem:$0x1E000] =	vst v63  }
0x39: {  	_ =	swait.ge [sflag:s19], $0x2000  }
0x3a: {  	[sflag:s19] =	ssyncset.done $0x0  }
0x3b: {  	[sflag:s19] =	ssyncadd.s32 $0xFFFFE000  }
0x3c: {  	[spmem:s12] =	stream.linear.scatter [tilespmem:s29], [sflag:$0x6], $0x2000, $0x38;
	[tilespmem:$0x1E000] =	vst v63  }
0x3d: {  	_ =	swait.ge [sflag:s19], $0x2000  }
0x3e: {  	[sflag:s19] =	ssyncset.done $0x0  }
0x3f: {  	[sflag:s19] =	ssyncadd.s32 $0xFFFFE000  }
0x40: {  	s26 =	simm.s32 $0x200;
	[bflag:$0x0] =	sbarrier.arrive $0xFFFF  }
0x41: {  	[tilespmem:s29], [sflag:$0x1] =	stream.indirect.gather [hbm4b:s5+s21], $0x40, s26, s21, $0xb8;
	[tilespmem:$0x1E000] =	vst v63  }
0x42: {  	_ =	swait.ge [sflag:s31], $0x2000  }
0x43: {  	[sflag:s31] =	ssyncset.done $0x0  }
0x44: {  	s24 =	simm.s32 $0x5000;
	[sflag:s31] =	ssyncadd.s32 $0xFFFFE000  }
0x45: {  	[spmem:s3] =	stream.indirect.scatter.add.f32 [tilespmem:s22], [sflag:$0x6], $0x40, s24, s21, $0xb8;
	[tilespmem:$0x1E000] =	vst v63  }
0x46: {  	_ =	swait.ge [sflag:s19], $0x2000  }
0x47: {  	[sflag:s19] =	ssyncset.done $0x0  }
0x48: {  	s6 =	simm.s32 $0x280;
	[sflag:s19] =	ssyncadd.s32 $0xFFFFE000  }
0x49: {  	[tilespmem:s22], [sflag:$0x2] =	stream.indirect.gather [hbm4b:s5+s21], $0x40, s6, s21, $0xb8;
	[tilespmem:$0x1E000] =	vst v63  }
0x4a: {  	_ =	swait.ge [sflag:s1], $0x2000  }
0x4b: {  	[sflag:s1] =	ssyncset.done $0x0  }
0x4c: {  	s26 =	simm.s32 $0x5080;
	[sflag:s1] =	ssyncadd.s32 $0xFFFFE000  }
0x4d: {  	[spmem:s3] =	stream.indirect.scatter.add.f32 [tilespmem:s23], [sflag:$0x6], $0x40, s26, s21, $0xb8;
	[tilespmem:$0x1E000] =	vst v63  }
0x4e: {  	_ =	swait.ge [sflag:s19], $0x2000  }
0x4f: {  	[sflag:s19] =	ssyncset.done $0x0  }
0x50: {  	s6 =	simm.s32 $0x300;
	[sflag:s19] =	ssyncadd.s32 $0xFFFFE000  }
0x51: {  	[tilespmem:s23], [sflag:$0x3] =	stream.indirect.gather [hbm4b:s5+s21], $0x40, s6, s21, $0xb8;
	[tilespmem:$0x1E000] =	vst v63  }
0x52: {  	_ =	swait.ge [sflag:s0], $0x2000  }
0x53: {  	[sflag:s0] =	ssyncset.done $0x0  }
0x54: {  	s26 =	simm.s32 $0x5100;
	[sflag:s0] =	ssyncadd.s32 $0xFFFFE000  }
0x55: {  	[spmem:s3] =	stream.indirect.scatter.add.f32 [tilespmem:s25], [sflag:$0x6], $0x40, s26, s21, $0xb8;
	[tilespmem:$0x1E000] =	vst v63  }
0x56: {  	_ =	swait.ge [sflag:s19], $0x2000  }
0x57: {  	[sflag:s19] =	ssyncset.done $0x0  }
0x58: {  	s6 =	simm.s32 $0x380;
	[sflag:s19] =	ssyncadd.s32 $0xFFFFE000  }
0x59: {  	[tilespmem:s25], [sflag:$0x4] =	stream.indirect.gather [hbm4b:s5+s21], $0x40, s6, s21, $0xb8;
	[tilespmem:$0x1E000] =	vst v63  }
0x5a: {  	_ =	swait.ge [sflag:s2], $0x2000  }
0x5b: {  	[sflag:s2] =	ssyncset.done $0x0  }
0x5c: {  	s26 =	simm.s32 $0x5180;
	[sflag:s2] =	ssyncadd.s32 $0xFFFFE000  }
0x5d: {  	[spmem:s3] =	stream.indirect.scatter.add.f32 [tilespmem:s28], [sflag:$0x6], $0x40, s26, s21, $0xb8;
	[tilespmem:$0x1E000] =	vst v63  }
0x5e: {  	_ =	swait.ge [sflag:s19], $0x2000  }
0x5f: {  	[sflag:s19] =	ssyncset.done $0x0  }
0x60: {  	s6 =	simm.s32 $0x400;
	[sflag:s19] =	ssyncadd.s32 $0xFFFFE000  }
0x61: {  	[tilespmem:s28], [sflag:$0x5] =	stream.indirect.gather [hbm4b:s5+s21], $0x40, s6, s21, $0xb8;
	[tilespmem:$0x1E000] =	vst v63  }
0x62: {  	_ =	swait.ge [sflag:s20], $0x2000  }
0x63: {  	[sflag:s20] =	ssyncset.done $0x0  }
0x64: {  	s26 =	simm.s32 $0x5200;
	[sflag:s20] =	ssyncadd.s32 $0xFFFFE000  }
0x65: {  	[spmem:s3] =	stream.indirect.scatter.add.f32 [tilespmem:s29], [sflag:$0x6], $0x40, s26, s21, $0xb8;
	[tilespmem:$0x1E000] =	vst v63  }
0x66: {  	_ =	swait.ge [sflag:s19], $0x2000  }
0x67: {  	[sflag:s19] =	ssyncset.done $0x0  }
0x68: {  	s24 =	simm.s32 $0xA00;
	s26 =	simm.s32 $0x480;
	[sflag:s19] =	ssyncadd.s32 $0xFFFFE000  }
.LBB2_2:
0x69: {  	[tilespmem:s29], [sflag:$0x1] =	stream.indirect.gather [hbm4b:s5+s21], $0x40, s26, s21, $0xb8;
	[tilespmem:$0x1E000] =	vst v63  }
0x6a: {  	s26 =	smov.u32 s24  }
0x6b: {  	p0 =	sne.s32 s24, $0x12C00;
	s24 =	sadd.s32 $0xA00, s24;
	_ =	swait.ge [sflag:s31], $0x2000  }
0x6c: {  	s26 =	sshra.s32 s26, $0x2;
	[sflag:s31] =	ssyncset.done $0x0  }
0x6d: {  	s6 =	sadd.s32 $0x5000, s26;
	[sflag:s31] =	ssyncadd.s32 $0xFFFFE000  }
0x6e: {  	[spmem:s3] =	stream.indirect.scatter.add.f32 [tilespmem:s22], [sflag:$0x6], $0x40, s6, s21, $0xb8;
	[tilespmem:$0x1E000] =	vst v63  }
0x6f: {  	_ =	swait.ge [sflag:s19], $0x2000  }
0x70: {  	[sflag:s19] =	ssyncset.done $0x0  }
0x71: {  	s6 =	sadd.s32 $0x280, s26;
	[sflag:s19] =	ssyncadd.s32 $0xFFFFE000  }
0x72: {  	[tilespmem:s22], [sflag:$0x2] =	stream.indirect.gather [hbm4b:s5+s21], $0x40, s6, s21, $0xb8;
	[tilespmem:$0x1E000] =	vst v63  }
0x73: {  	_ =	swait.ge [sflag:s1], $0x2000  }
0x74: {  	[sflag:s1] =	ssyncset.done $0x0  }
0x75: {  	s6 =	sadd.s32 $0x5080, s26;
	[sflag:s1] =	ssyncadd.s32 $0xFFFFE000  }
0x76: {  	[spmem:s3] =	stream.indirect.scatter.add.f32 [tilespmem:s23], [sflag:$0x6], $0x40, s6, s21, $0xb8;
	[tilespmem:$0x1E000] =	vst v63  }
0x77: {  	_ =	swait.ge [sflag:s19], $0x2000  }
0x78: {  	[sflag:s19] =	ssyncset.done $0x0  }
0x79: {  	s6 =	sadd.s32 $0x300, s26;
	[sflag:s19] =	ssyncadd.s32 $0xFFFFE000  }
0x7a: {  	[tilespmem:s23], [sflag:$0x3] =	stream.indirect.gather [hbm4b:s5+s21], $0x40, s6, s21, $0xb8;
	[tilespmem:$0x1E000] =	vst v63  }
0x7b: {  	_ =	swait.ge [sflag:s0], $0x2000  }
0x7c: {  	[sflag:s0] =	ssyncset.done $0x0  }
0x7d: {  	s6 =	sadd.s32 $0x5100, s26;
	[sflag:s0] =	ssyncadd.s32 $0xFFFFE000  }
0x7e: {  	[spmem:s3] =	stream.indirect.scatter.add.f32 [tilespmem:s25], [sflag:$0x6], $0x40, s6, s21, $0xb8;
	[tilespmem:$0x1E000] =	vst v63  }
0x7f: {  	_ =	swait.ge [sflag:s19], $0x2000  }
0x80: {  	[sflag:s19] =	ssyncset.done $0x0  }
0x81: {  	s6 =	sadd.s32 $0x380, s26;
	[sflag:s19] =	ssyncadd.s32 $0xFFFFE000  }
0x82: {  	[tilespmem:s25], [sflag:$0x4] =	stream.indirect.gather [hbm4b:s5+s21], $0x40, s6, s21, $0xb8;
	[tilespmem:$0x1E000] =	vst v63  }
0x83: {  	_ =	swait.ge [sflag:s2], $0x2000  }
0x84: {  	[sflag:s2] =	ssyncset.done $0x0  }
0x85: {  	s6 =	sadd.s32 $0x5180, s26;
	[sflag:s2] =	ssyncadd.s32 $0xFFFFE000  }
0x86: {  	[spmem:s3] =	stream.indirect.scatter.add.f32 [tilespmem:s28], [sflag:$0x6], $0x40, s6, s21, $0xb8;
	[tilespmem:$0x1E000] =	vst v63  }
0x87: {  	_ =	swait.ge [sflag:s19], $0x2000  }
0x88: {  	[sflag:s19] =	ssyncset.done $0x0  }
0x89: {  	s6 =	sadd.s32 $0x400, s26;
	[sflag:s19] =	ssyncadd.s32 $0xFFFFE000  }
0x8a: {  	[tilespmem:s28], [sflag:$0x5] =	stream.indirect.gather [hbm4b:s5+s21], $0x40, s6, s21, $0xb8;
	[tilespmem:$0x1E000] =	vst v63  }
0x8b: {  	_ =	swait.ge [sflag:s20], $0x2000  }
0x8c: {  	[sflag:s20] =	ssyncset.done $0x0  }
.Ltmp0:
0x8d: {  	s6 =	sadd.s32 $0x5200, s26;
	[sflag:s20] =	ssyncadd.s32 $0xFFFFE000;
	(pc) =	sbr.rel @p0 .LBB2_2-.Ltmp0, $4  }
0x8e: {  	[spmem:s3] =	stream.indirect.scatter.add.f32 [tilespmem:s29], [sflag:$0x6], $0x40, s6, s21, $0xb8;
	[tilespmem:$0x1E000] =	vst v63  }
0x8f: {  	_ =	swait.ge [sflag:s19], $0x2000  }
0x90: {  	[sflag:s19] =	ssyncset.done $0x0  }
0x91: {  	s26 =	sadd.s32 $0x480, s26;
	[sflag:s19] =	ssyncadd.s32 $0xFFFFE000  }
0x92: {  	[tilespmem:s29], [sflag:$0x1] =	stream.indirect.gather [hbm4b:s5+s21], $0x40, s26, s21, $0xb8;
	[tilespmem:$0x1E000] =	vst v63  }
0x93: {  	_ =	swait.ge [sflag:s31], $0x2000  }
0x94: {  	[sflag:s31] =	ssyncset.done $0x0  }
0x95: {  	s6 =	simm.s32 $0x9D80;
	[sflag:s31] =	ssyncadd.s32 $0xFFFFE000  }
0x96: {  	[spmem:s3] =	stream.indirect.scatter.add.f32 [tilespmem:s22], [sflag:$0x6], $0x40, s6, s21, $0xb8;
	[tilespmem:$0x1E000] =	vst v63  }
0x97: {  	_ =	swait.ge [sflag:s19], $0x2000  }
0x98: {  	[sflag:s19] =	ssyncset.done $0x0  }
0x99: {  	[sflag:s19] =	ssyncadd.s32 $0xFFFFE000  }
0x9a: {  	_ =	swait.ge [sflag:s1], $0x2000  }
0x9b: {  	[sflag:s1] =	ssyncset.done $0x0  }
0x9c: {  	s24 =	simm.s32 $0x9E00;
	[sflag:s1] =	ssyncadd.s32 $0xFFFFE000  }
0x9d: {  	[spmem:s3] =	stream.indirect.scatter.add.f32 [tilespmem:s23], [sflag:$0x6], $0x40, s24, s21, $0xb8;
	[tilespmem:$0x1E000] =	vst v63  }
0x9e: {  	_ =	swait.ge [sflag:s19], $0x2000  }
0x9f: {  	[sflag:s19] =	ssyncset.done $0x0  }
0xa0: {  	[sflag:s19] =	ssyncadd.s32 $0xFFFFE000  }
0xa1: {  	_ =	swait.ge [sflag:s0], $0x2000  }
0xa2: {  	[sflag:s0] =	ssyncset.done $0x0  }
0xa3: {  	s26 =	simm.s32 $0x9E80;
	[sflag:s0] =	ssyncadd.s32 $0xFFFFE000  }
0xa4: {  	[spmem:s3] =	stream.indirect.scatter.add.f32 [tilespmem:s25], [sflag:$0x6], $0x40, s26, s21, $0xb8;
	[tilespmem:$0x1E000] =	vst v63  }
0xa5: {  	_ =	swait.ge [sflag:s19], $0x2000  }
0xa6: {  	[sflag:s19] =	ssyncset.done $0x0  }
0xa7: {  	[sflag:s19] =	ssyncadd.s32 $0xFFFFE000  }
0xa8: {  	_ =	swait.ge [sflag:s2], $0x2000  }
0xa9: {  	[sflag:s2] =	ssyncset.done $0x0  }
0xaa: {  	s24 =	simm.s32 $0x9F00;
	[sflag:s2] =	ssyncadd.s32 $0xFFFFE000  }
0xab: {  	[spmem:s3] =	stream.indirect.scatter.add.f32 [tilespmem:s28], [sflag:$0x6], $0x40, s24, s21, $0xb8;
	[tilespmem:$0x1E000] =	vst v63  }
0xac: {  	_ =	swait.ge [sflag:s19], $0x2000  }
0xad: {  	[sflag:s19] =	ssyncset.done $0x0  }
0xae: {  	[sflag:s19] =	ssyncadd.s32 $0xFFFFE000  }
0xaf: {  	_ =	swait.ge [sflag:s20], $0x2000  }
0xb0: {  	[sflag:s20] =	ssyncset.done $0x0  }
0xb1: {  	s26 =	simm.s32 $0x9F80;
	[sflag:s20] =	ssyncadd.s32 $0xFFFFE000  }
0xb2: {  	[spmem:s3] =	stream.indirect.scatter.add.f32 [tilespmem:s29], [sflag:$0x6], $0x40, s26, s21, $0xb8;
	[tilespmem:$0x1E000] =	vst v63  }
0xb3: {  	_ =	swait.ge [sflag:s19], $0x2000  }
0xb4: {  	[sflag:s19] =	ssyncset.done $0x0  }
0xb5: {  	[sflag:s19] =	ssyncadd.s32 $0xFFFFE000  }
0xb6: {  	[bflag:$0x0] =	sbarrier.arrive $0xFFFF  }
0xb7: {  	[tilespmem:s29], [sflag:$0x1] =	stream.linear.gather [spmem:s8], $0x2000, $0x38;
	[tilespmem:$0x1E000] =	vst v63  }
0xb8: {  	_ = 	snop  }
0xb9: {  	[tilespmem:s22], [sflag:$0x2] =	stream.linear.gather [spmem:s9], $0x2000, $0x38;
	[tilespmem:$0x1E000] =	vst v63  }
0xba: {  	_ = 	snop  }
0xbb: {  	[tilespmem:s23], [sflag:$0x3] =	stream.linear.gather [spmem:s10], $0x2000, $0x38;
	[tilespmem:$0x1E000] =	vst v63  }
0xbc: {  	_ = 	snop  }
0xbd: {  	[tilespmem:s25], [sflag:$0x4] =	stream.linear.gather [spmem:s11], $0x2000, $0x38;
	[tilespmem:$0x1E000] =	vst v63  }
0xbe: {  	_ = 	snop  }
0xbf: {  	[tilespmem:s28], [sflag:$0x5] =	stream.linear.gather [spmem:s12], $0x2000, $0x38;
	[tilespmem:$0x1E000] =	vst v63  }
0xc0: {  	_ =	swait.ge [sflag:s20], $0x2000  }
0xc1: {  	[sflag:s20] =	ssyncset.done $0x0  }
0xc2: {  	[sflag:s20] =	ssyncadd.s32 $0xFFFFE000  }
0xc3: {  	[hbm4b:s13+s4] =	stream.linear.scatter [tilespmem:s29], [sflag:$0x1], $0x2000, $0x38;
	[tilespmem:$0x1E000] =	vst v63  }
0xc4: {  	_ =	swait.ge [sflag:s31], $0x2000  }
0xc5: {  	[sflag:s31] =	ssyncset.done $0x0  }
0xc6: {  	[sflag:s31] =	ssyncadd.s32 $0xFFFFE000  }
0xc7: {  	[hbm4b:s14+s4] =	stream.linear.scatter [tilespmem:s22], [sflag:$0x2], $0x2000, $0x38;
	[tilespmem:$0x1E000] =	vst v63  }
0xc8: {  	_ =	swait.ge [sflag:s1], $0x2000  }
0xc9: {  	[sflag:s1] =	ssyncset.done $0x0  }
0xca: {  	[sflag:s1] =	ssyncadd.s32 $0xFFFFE000  }
0xcb: {  	[hbm4b:s15+s4] =	stream.linear.scatter [tilespmem:s23], [sflag:$0x3], $0x2000, $0x38;
	[tilespmem:$0x1E000] =	vst v63  }
0xcc: {  	_ =	swait.ge [sflag:s0], $0x2000  }
0xcd: {  	[sflag:s0] =	ssyncset.done $0x0  }
0xce: {  	[sflag:s0] =	ssyncadd.s32 $0xFFFFE000  }
0xcf: {  	[hbm4b:s16+s4] =	stream.linear.scatter [tilespmem:s25], [sflag:$0x4], $0x2000, $0x38;
	[tilespmem:$0x1E000] =	vst v63  }
0xd0: {  	_ =	swait.ge [sflag:s2], $0x2000  }
0xd1: {  	[sflag:s2] =	ssyncset.done $0x0  }
0xd2: {  	[sflag:s2] =	ssyncadd.s32 $0xFFFFE000  }
0xd3: {  	[hbm4b:s17+s4] =	stream.linear.scatter [tilespmem:s28], [sflag:$0x5], $0x2000, $0x38;
	[tilespmem:$0x1E000] =	vst v63  }
0xd4: {  	_ =	swait.ge [sflag:s20], $0x2000  }
0xd5: {  	[sflag:s20] =	ssyncset.done $0x0  }
0xd6: {  	[sflag:s20] =	ssyncadd.s32 $0xFFFFE000  }
0xd7: {  	_ =	swait.ge [sflag:s31], $0x2000  }
0xd8: {  	[sflag:s31] =	ssyncset.done $0x0  }
0xd9: {  	[sflag:s31] =	ssyncadd.s32 $0xFFFFE000  }
0xda: {  	_ =	swait.ge [sflag:s1], $0x2000  }
0xdb: {  	[sflag:s1] =	ssyncset.done $0x0  }
0xdc: {  	s30 =	sadd.s32 $0x1, s30;
	[sflag:s1] =	ssyncadd.s32 $0xFFFFE000  }
0xdd: {  	p0 =	sne.s32 s30, s18;
	_ =	swait.ge [sflag:s0], $0x2000  }
.Ltmp1:
0xde: {  	[sflag:s0] =	ssyncset.done $0x0;
	(pc) =	sbr.rel @p0 .LBB2_1-.Ltmp1, $4  }
0xdf: {  	[sflag:s0] =	ssyncadd.s32 $0xFFFFE000  }
0xe0: {  	_ =	swait.ge [sflag:s2], $0x2000  }
0xe1: {  	[sflag:s2] =	ssyncset.done $0x0  }
0xe2: {  	[sflag:s2] =	ssyncadd.s32 $0xFFFFE000  }
0xe3: {  	_ =	sfence.sel $0x180000  }
0xe4: {  	[bflag:$0x0] =	sbarrier.arrive $0xFFFF  }
0xe5: {  	_ =	strace $0x9000004A  }
0xe6: {  	s0 =	stileid.u32;
	[bflag:$0x2] =	sbarrier.arrive $0xFFFF  }
0xe7: {  	p0 =	sne.s32 s0, $0x0;
	s0 =	rddreg [dreg:$0x3]  }
0xe8: {  	s0 =	sadd.s32 @!p0 $0x100000, s0  }
0xe9: {  	[sflag:s0] =	ssyncadd.tile.s32 @!p0 $0x1;
	_ =	shalt  }
.Lfunc_end2:
_tile_overlayer_lowered:
.L_overlay_start_2:
0xea: {  	(tag) =	ssettag $0x2  }
0xeb: {  	s0 =	rddreg [dreg:$0x0];
	s2 =	stileid.u32  }
0xec: {  	s1 =	rddreg [dreg:$0x1];
	p0 =	sne.s32 s2, $0x0  }
0xed: {  	s3 =	rddreg [dreg:$0x2];
	[bflag:$0x3] =	sbarrier.arrive $0xFFFF;
	s2 =	simm.s32 @!p0 $0x1C06  }
0xee: {  	[timem:s3], [sflag:s2] =	dma.local @!p0 [hbm:s0], s1  }
0xef: {  	s0 =	simm.s32 @!p0 $0x6  }
0xf0: {  	_ =	swait.ge @!p0 [sflag:s0], s1  }
0xf1: {  	s1 =	ssub.s32 @!p0 $0x0, s1;
	[sflag:s0] =	ssyncset.done @!p0 $0x0  }
0xf2: {  	[sflag:s0] =	ssyncadd.s32 @!p0 s1  }
0xf3: {  	[bflag:$0x3] =	sbarrier.arrive $0xFFFF  }
0xf4: {  	_ =	shalt  }

// kernel: kernel.14.cloned.1.call-start
scs
__scs_entry_jumppad:
0x0: {  	(pc) =	sbr.rel $0x88, $3  }
0x1: {  	(tag) =	ssettag $0x0;
	lr =	simm.s32 $0x1  }
0x2: {  	[smem:$0x3F99] =	sst lr;
	_ =	strace $0xD0000000  }
0x3: {  	_ = 	snop  }
0x4: {  	_ = 	snop  }
0x5: {  	_ = 	snop  }
0x6: {  	_ = 	snop  }
0x7: {  	_ = 	snop  }
__scs_overlays_trampoline_lowered:
0x8: {  	[smem:$0x3FA8] =	sst s0  }
0x9: {  	[smem:$0x3FA9] =	sst s1  }
0xa: {  	[smem:$0x3FAA] =	sst s2  }
0xb: {  	[smem:$0x3FAB] =	sst s3  }
0xc: {  	[smem:$0x3FAC] =	sst s4  }
0xd: {  	[smem:$0x3FAD] =	sst s5  }
0xe: {  	[smem:$0x3FAE] =	sst s6  }
0xf: {  	[smem:$0x3FAF] =	sst s7  }
0x10: {  	[smem:$0x3FB0] =	sst s8  }
0x11: {  	[smem:$0x3FB1] =	sst s9;
	s0 =	simm.s32 @!p0 $0x0  }
0x12: {  	s1 =	sld [smem:$0x3F97];
	s0 =	simm.s32 @p0 $0x1  }
0x13: {  	[smem:$0x3FB2] =	sst s0;
	s0 =	simm.s32 @!p1 $0x0  }
0x14: {  	s2 =	sld [smem:$0x3F96];
	s0 =	simm.s32 @p1 $0x1  }
0x15: {  	[smem:$0x3FB3] =	sst s0;
	s0 =	simm.s32 @!p2 $0x0  }
0x16: {  	s3 =	sld [smem:$0x3FDB];
	s0 =	simm.s32 @p2 $0x1  }
0x17: {  	s4 =	simm.s32 $0x1BF5;
	[smem:$0x3FB5] =	sst s0  }
0x18: {  	s0 =	sld [smem:$0x3F98];
	_ =	swait.ge [sflag:s4], $0x0  }
0x19: {  	s7 =	sld [smem:$0x3F99]  }
0x1a: {  	s8 =	sadd.s32 $0xFFFFE003, lr  }
0x1b: {  	s9 =	sadd.s32 $0xFFFFFEF7, lr;
	s5 =	simm.s32 $0xFFFFFFFF;
	p2 =	slt.u32 s8, $0xFFFFF086  }
0x1c: {  	p1 =	slt.u32 s9, $0xF7A;
	s5 =	simm.s32 @!p2 $0x0  }
0x1d: {  	s5 =	simm.s32 @p1 $0x1;
	p0 =	seq.s32 s7, s2  }
0x1e: {  	s7 =	smul.u32 @!p0 $0xF7A, s2;
	p2 =	seq.s32 @!p0 s5, $0x0  }
0x1f: {  	s9 =	smul.u32 $0xF7A, s1;
	s8 =	simm.s32 @!p0 $0x1BF5;
	p2 =	por !p2, p0  }
0x20: {  	[sflag:s8] =	ssyncset.s32 @!p0 $0xFFFFF086;
	s6 =	sadd.s32 @!p0 s3, s7;
	s7 =	simm.s32 @!p0 $0x108  }
0x21: {  	s3 =	sadd.s32 s3, s9;
	s6 =	sadd.s32 @!p0 $0x88, s6;
	s7 =	simm.s32 @p2 $0x1082  }
0x22: {  	[simem:s7], [sflag:s8] =	dma.local @!p0 [hbm:s6], $0xF7A  }
0x23: {  	s9 =	sor.u32 $0xD0000000, s2;
	s6 =	simm.s32 $0x108;
	_ =	swait.ge @!p0 [sflag:s8], $0x0  }
0x24: {  	s3 =	sadd.s32 $0x88, s3;
	s6 =	simm.s32 @!p1 $0x1082;
	[sflag:s4] =	ssyncset.s32 $0xFFFFF086  }
0x25: {  	[simem:s6], [sflag:s4] =	dma.local [hbm:s3], $0xF7A  }
0x26: {  	[smem:$0x3F99] =	sst s1;
	(tag) =	ssettag s2;
	_ =	strace s9  }
0x27: {  	s1 =	sld [smem:$0x3FA9]  }
0x28: {  	s2 =	sld [smem:$0x3FAA]  }
0x29: {  	s4 =	sld [smem:$0x3FAC]  }
0x2a: {  	p0 =	seq.s32 s5, $0x0;
	s5 =	sld [smem:$0x3FAD]  }
0x2b: {  	s6 =	sld [smem:$0x3FAE]  }
0x2c: {  	s7 =	sld [smem:$0x3FAF]  }
0x2d: {  	s3 =	simm.s32 $0x108;
	s8 =	sld [smem:$0x3FB0]  }
0x2e: {  	s3 =	simm.s32 @!p0 $0x1082;
	s9 =	sld [smem:$0x3FB1]  }
0x2f: {  	lr =	sadd.s32 s0, s3;
	s0 =	sld [smem:$0x3FA8]  }
0x30: {  	s3 =	sld [smem:$0x3FAB]  }
0x31: {  	[smem:$0x3FB4] =	sst s10  }
0x32: {  	s10 =	sld [smem:$0x3FB2];
	_ =	sdelay $0x3  }
0x33: {  	p0 =	seq.s32 s10, $0x1;
	s10 =	sld [smem:$0x3FB4];
	_ =	sdelay $0x3  }
0x34: {  	[smem:$0x3FB4] =	sst s10  }
0x35: {  	s10 =	sld [smem:$0x3FB3];
	_ =	sdelay $0x3  }
0x36: {  	p1 =	seq.s32 s10, $0x1;
	s10 =	sld [smem:$0x3FB4];
	_ =	sdelay $0x3  }
0x37: {  	[smem:$0x3FB4] =	sst s10  }
0x38: {  	s10 =	sld [smem:$0x3FB5]  }
0x39: {  	_ = 	snop;
	(pc) =	sbr.ind lr, $3  }
0x3a: {  	_ = 	snop  }
0x3b: {  	_ = 	snop  }
0x3c: {  	p2 =	seq.s32 s10, $0x1;
	s10 =	sld [smem:$0x3FB4]  }
0x3d: {  	_ =	shalt  }
0x3e: {  	_ =	shalt  }
0x3f: {  	_ =	shalt  }
0x40: {  	_ =	shalt  }
0x41: {  	_ =	shalt  }
0x42: {  	_ =	shalt  }
0x43: {  	_ =	shalt  }
0x44: {  	_ =	shalt  }
0x45: {  	_ =	shalt  }
0x46: {  	_ =	shalt  }
0x47: {  	_ =	shalt  }
0x48: {  	_ =	shalt  }
0x49: {  	_ =	shalt  }
0x4a: {  	_ =	shalt  }
0x4b: {  	_ =	shalt  }
0x4c: {  	_ =	shalt  }
0x4d: {  	_ =	shalt  }
0x4e: {  	_ =	shalt  }
0x4f: {  	_ =	shalt  }
0x50: {  	_ =	shalt  }
0x51: {  	_ =	shalt  }
0x52: {  	_ =	shalt  }
0x53: {  	_ =	shalt  }
0x54: {  	_ =	shalt  }
0x55: {  	_ =	shalt  }
0x56: {  	_ =	shalt  }
0x57: {  	_ =	shalt  }
0x58: {  	_ =	shalt  }
0x59: {  	_ =	shalt  }
0x5a: {  	_ =	shalt  }
0x5b: {  	_ =	shalt  }
0x5c: {  	_ =	shalt  }
0x5d: {  	_ =	shalt  }
0x5e: {  	_ =	shalt  }
0x5f: {  	_ =	shalt  }
0x60: {  	_ =	shalt  }
0x61: {  	_ =	shalt  }
0x62: {  	_ =	shalt  }
0x63: {  	_ =	shalt  }
0x64: {  	_ =	shalt  }
0x65: {  	_ =	shalt  }
0x66: {  	_ =	shalt  }
0x67: {  	_ =	shalt  }
0x68: {  	_ =	shalt  }
0x69: {  	_ =	shalt  }
0x6a: {  	_ =	shalt  }
0x6b: {  	_ =	shalt  }
0x6c: {  	_ =	shalt  }
0x6d: {  	_ =	shalt  }
0x6e: {  	_ =	shalt  }
0x6f: {  	_ =	shalt  }
0x70: {  	_ =	shalt  }
0x71: {  	_ =	shalt  }
0x72: {  	_ =	shalt  }
0x73: {  	_ =	shalt  }
0x74: {  	_ =	shalt  }
0x75: {  	_ =	shalt  }
0x76: {  	_ =	shalt  }
0x77: {  	_ =	shalt  }
0x78: {  	_ =	shalt  }
0x79: {  	_ =	shalt  }
0x7a: {  	_ =	shalt  }
0x7b: {  	_ =	shalt  }
0x7c: {  	_ =	shalt  }
0x7d: {  	_ =	shalt  }
0x7e: {  	_ =	shalt  }
0x7f: {  	_ =	shalt  }
0x80: {  	_ =	shalt  }
0x81: {  	_ =	shalt  }
0x82: {  	_ =	shalt  }
0x83: {  	_ =	shalt  }
0x84: {  	_ =	shalt  }
0x85: {  	_ =	shalt  }
0x86: {  	_ =	shalt  }
0x87: {  	_ =	shalt  }
.Lfunc_end0:
.L_simem_size_0:
called_computation.2_lowered:
.L_overlay_start_0:
0x88: {  	s2 =	sld [smem:$0x3FD9]  }
0x89: {  	s3 =	sld [smem:$0x3FFE];
	_ =	sdelay $0x1  }
0x8a: {  	s1 =	srdreg.scid  }
0x8b: {  	s0 =	sand.u32 $0x1, s1  }
0x8c: {  	s17 =	sshll.u32 s0, $0xA;
	s2 =	sadd.s32 s3, s2  }
0x8d: {  	s2 =	sadd.s32 s2, s17  }
0x8e: {  	[smem:$0x3FC0] =	sst s2  }
0x8f: {  	_ = 	snop  }
0x90: {  	s2 =	sld [smem:$0x3FD0];
	(tm) =	ssettm $0x1  }
0x91: {  	s18 =	sld [smem:$0x3FFB];
	_ =	sdelay $0x3  }
0x92: {  	_ =	strace s18  }
0x93: {  	s3 =	sld [smem:$0x3FFC];
	_ =	sdelay $0x3  }
0x94: {  	_ =	strace s3  }
0x95: {  	s3 =	sld [smem:$0x3FFD];
	_ =	sdelay $0x3  }
0x96: {  	_ =	strace s3  }
0x97: {  	_ =	strace $0x8FFFFFFF  }
0x98: {  	s19 =	sld [smem:$0x3FDB];
	_ =	sdelay $0x1  }
0x99: {  	s4 =	simm.s32 $_scs_section_size  }
0x9a: {  	s5 =	simm.s32 $_size__tile_overlayer_lowered;
	s6 =	simm.s32 $_tile_overlayer_lowered  }
0x9b: {  	s22 =	simm.s32 $0x1BFF;
	s21 =	sshll.u32 s6, $0x1;
	s3 =	sadd.s32 s4, s19  }
0x9c: {  	s7 =	simm.s32 $0x0;
	s20 =	sshll.u32 s5, $0x1;
	s5 =	sadd.s32 s21, s3  }
0x9d: {  	[timem:s7], [sflag:s22] =	dma.local [hbm:s5], s20  }
0x9e: {  	_ =	swait.ge [sflag:s22], s20  }
0x9f: {  	s4 =	ssub.s32 $0x0, s20;
	[sflag:s22] =	ssyncset.done $0x0  }
0xa0: {  	[sflag:s22] =	ssyncadd.s32 s4;
	_ =	sdelay $0x1  }
0xa1: {  	s23 =	simm.s32 $0x1B8B  }
0xa2: {  	_ =	swait.ge [sflag:s23], $0x1  }
0xa3: {  	[sflag:s23] =	ssyncset.done $0x0  }
0xa4: {  	s25 =	simm.s32 $0x1B8E;
	s24 =	sld [smem:$0x3FFE];
	[sflag:s23] =	ssyncadd.s32 $0xFFFFFFFF  }
0xa5: {  	s26 =	simm.s32 $execute0_lowered;
	[smem:$0x3FD2] =	sst s25  }
0xa6: {  	s5 =	sshll.u32 s26, $0x1;
	_ =	strace $0x8000004C;
	[dreg:$0x1] =	wrdreg $0xFFFFFFFF  }
0xa7: {  	s28 =	simm.s32 $_size_execute0_lowered;
	s3 =	sadd.s32 s3, s5;
	[dreg:$0x0] =	wrdreg $0x0  }
0xa8: {  	s5 =	sshll.u32 s28, $0x1;
	[dreg:$0x2] =	wrdreg s3  }
0xa9: {  	[dreg:$0x3] =	wrdreg s5  }
0xaa: {  	[dreg:$0x4] =	wrdreg $0xC0  }
0xab: {  	_ =	task [dreg:s7], $0x5FFFF  }
0xac: {  	[dreg:$0x1] =	wrdreg $0xFFFFFFFF  }
0xad: {  	[dreg:$0x0] =	wrdreg $0x60  }
0xae: {  	[dreg:$0x2] =	wrdreg s24  }
0xaf: {  	[dreg:$0x3] =	wrdreg s2  }
0xb0: {  	[dreg:$0x4] =	wrdreg $0xF0000  }
0xb1: {  	[dreg:$0x5] =	wrdreg $0x9  }
0xb2: {  	_ =	task.clear_ibuf [dreg:s7], $0x6FFFF;
	_ =	strace $0x9000004C  }
0xb3: {  	s29 =	simm.s32 $0x9;
	_ =	strace $0x8000004E  }
0xb4: {  	_ =	swait.ge [sflag:s29], $0x1  }
0xb5: {  	[sflag:s29] =	ssyncadd.s32 $0xFFFFFFFF  }
0xb6: {  	_ =	strace $0x9000004E  }
0xb7: {  	_ =	sfence  }
0xb8: {  	s30 =	sld [smem:$0x0];
	_ =	sdelay $0x2  }
0xb9: {  	s31 =	sshll.u32 s1, $0xD;
	s1 =	sshrl.u32 s1, $0x2  }
0xba: {  	s3 =	sand.u32 $0x4000, s31;
	s1 =	sadd.s32 s1, s30  }
0xbb: {  	s0 =	sor.u32 s3, s0;
	s1 =	sshll.u32 s1, $0x11  }
0xbc: {  	s0 =	sor.u32 s1, s0  }
0xbd: {  	s0 =	sadd.s32 $0x8F2B, s0  }
0xbe: {  	[sflag:s0] =	ssyncadd.remote.s32 $0x1  }
0xbf: {  	_ =	sfence.sel $0xFFFF  }
0xc0: {  	[dreg:$0x0] =	wrdreg $0xFFFFFFFF;
	(pc) =	sbr.abs _section_cstart, $3  }
0xc1: {  	[dreg:$0x1] =	wrdreg $0xFFFFFFFF  }
0xc2: {  	_ =	task.clear_ibuf [dreg:s7], $0x2FFFF;
	_ =	strace $0x9FFFFFFF  }
0xc3: {  	(tm) =	ssettm $0x7FFFFFFF  }
tec
execute0_lowered:
.L_overlay_start_1:
0x0: {  	(tag) =	ssettag $0x1  }
0x1: {  	s0 =	rddreg [dreg:$0x0];
	s1 =	srdreg.scid  }
0x2: {  	s4 =	stileid.u32;
	s3 =	rddreg [dreg:$0x2];
	s19 =	simm.s32 $0x6  }
0x3: {  	s21 =	simm.s32 $0x80;
	s22 =	simm.s32 $0xB000;
	s23 =	simm.s32 $0xC000  }
0x4: {  	s25 =	simm.s32 $0xD000;
	s28 =	simm.s32 $0xE000;
	s29 =	simm.s32 $0xA000  }
0x5: {  	s31 =	simm.s32 $0x2;
	s20 =	simm.s32 $0x1;
	s30 =	simm.s32 $0x0  }
0x6: {  	s1 =	sand.u32 $0x1, s1;
	s12 =	smul.u32 $0x5000, s4;
	s4 =	simm.s32 $0x0  }
0x7: {  	s5 =	sadd.s32 $0x74800, s0;
	s2 =	smul.u32 $0x50000, s1;
	[smem:$0x7FF] =	sst s4  }
0x8: {  	s1 =	ssub.s32 $0x2, s1;
	_ =	strace $0x8000004D;
	s7 =	sshrl.u32 s12, $0x3  }
0x9: {  	s8 =	sshrl.u32 s1, $0x1;
	s14 =	sadd.s32 $0x1000, s12;
	s15 =	sadd.s32 $0x2000, s12  }
0xa: {  	s16 =	sadd.s32 $0x3000, s12;
	s17 =	sadd.s32 $0x4000, s12;
	s6 =	sadd.s32 s12, s2  }
0xb: {  	s7 =	sadd.s32 s7, s0;
	s1 =	ssub.s32 s1, s8;
	s8 =	sadd.s32 s12, s3  }
0xc: {  	s9 =	sadd.s32 s14, s3;
	s10 =	sadd.s32 s15, s3;
	s11 =	sadd.s32 s16, s3  }
0xd: {  	s14 =	sadd.s32 s2, s14;
	s12 =	sadd.s32 s17, s3;
	s15 =	sadd.s32 s2, s15  }
0xe: {  	s16 =	sadd.s32 s2, s16;
	s2 =	sadd.s32 s2, s17;
	s13 =	sshrl.u32 s6, $0x3  }
0xf: {  	s7 =	sadd.s32 $0x1600, s7;
	s14 =	sshrl.u32 s14, $0x3;
	s15 =	sshrl.u32 s15, $0x3  }
0x10: {  	s16 =	sshrl.u32 s16, $0x3;
	s2 =	sshrl.u32 s2, $0x3;
	s18 =	smax.u32 s1, $0x1  }
0x11: {  	s1 =	simm.s32 $0x3;
	s6 =	sadd.s32 s13, s0;
	s0 =	sadd.s32 $0x88200, s0  }
0x12: {  	s6 =	sadd.s32 $0x10800, s6;
	s13 =	sadd.s32 s0, s13;
	s14 =	sadd.s32 s0, s14  }
0x13: {  	s15 =	sadd.s32 s0, s15;
	s16 =	sadd.s32 s0, s16;
	s17 =	sadd.s32 s0, s2  }
0x14: {  	s0 =	simm.s32 $0x4;
	s2 =	simm.s32 $0x5;
	[dreg:$0x4] =	wrdreg s6  }
.LBB2_1:
0x15: {  	s6 =	rddreg [dreg:$0x4]  }
0x16: {  	[tilespmem:s4], [sflag:$0x6] =	stream.linear.gather [hbm4b:s6+s4], $0x5000, $0x38;
	[tilespmem:$0x14000] =	vst v63  }
0x17: {  	_ =	swait.ge [sflag:s19], $0x5000  }
0x18: {  	[sflag:s19] =	ssyncset.done $0x0  }
0x19: {  	s26 =	simm.s32 $0x5000;
	[sflag:s19] =	ssyncadd.s32 $0xFFFFB000  }
0x1a: {  	[tilespmem:s26], [sflag:$0x6] =	stream.linear.gather [hbm4b:s7+s4], $0x5000, $0x38;
	[tilespmem:$0x14000] =	vst v63  }
0x1b: {  	_ =	swait.ge [sflag:s19], $0x5000  }
0x1c: {  	[sflag:s19] =	ssyncset.done $0x0  }
0x1d: {  	[sflag:s19] =	ssyncadd.s32 $0xFFFFB000  }
0x1e: {  	[tilespmem:s22], [sflag:$0x2] =	stream.indirect.gather [hbm4b:s5+s21], $0x20, s4, s21, $0xb8;
	[tilespmem:$0x14000] =	vst v63  }
0x1f: {  	_ = 	snop  }
0x20: {  	[tilespmem:s23], [sflag:$0x3] =	stream.indirect.gather [hbm4b:s5+s21], $0x20, s21, s21, $0xb8;
	[tilespmem:$0x14000] =	vst v63  }
0x21: {  	s24 =	simm.s32 $0x100  }
0x22: {  	[tilespmem:s25], [sflag:$0x4] =	stream.indirect.gather [hbm4b:s5+s21], $0x20, s24, s21, $0xb8;
	[tilespmem:$0x14000] =	vst v63  }
0x23: {  	s26 =	simm.s32 $0x180  }
0x24: {  	[tilespmem:s28], [sflag:$0x5] =	stream.indirect.gather [hbm4b:s5+s21], $0x20, s26, s21, $0xb8;
	[tilespmem:$0x14000] =	vst v63  }
0x25: {  	s24 =	rddreg [dreg:$0x1]  }
0x26: {  	[tilespmem:s29], [sflag:$0x6] =	stream.linear.gather [hbm4b:s24+s4], $0x1000, $0x38;
	[tilespmem:$0x14000] =	vst v63  }
0x27: {  	_ =	swait.ge [sflag:s19], $0x1000  }
0x28: {  	[sflag:s19] =	ssyncset.done $0x0  }
0x29: {  	[sflag:s19] =	ssyncadd.s32 $0xFFFFF000  }
0x2a: {  	[spmem:s8] =	stream.linear.scatter [tilespmem:s29], [sflag:$0x6], $0x1000, $0x38;
	[tilespmem:$0x14000] =	vst v63  }
0x2b: {  	_ =	swait.ge [sflag:s19], $0x1000  }
0x2c: {  	[sflag:s19] =	ssyncset.done $0x0  }
0x2d: {  	[sflag:s19] =	ssyncadd.s32 $0xFFFFF000  }
0x2e: {  	[spmem:s9] =	stream.linear.scatter [tilespmem:s29], [sflag:$0x6], $0x1000, $0x38;
	[tilespmem:$0x14000] =	vst v63  }
0x2f: {  	_ =	swait.ge [sflag:s19], $0x1000  }
0x30: {  	[sflag:s19] =	ssyncset.done $0x0  }
0x31: {  	[sflag:s19] =	ssyncadd.s32 $0xFFFFF000  }
0x32: {  	[spmem:s10] =	stream.linear.scatter [tilespmem:s29], [sflag:$0x6], $0x1000, $0x38;
	[tilespmem:$0x14000] =	vst v63  }
0x33: {  	_ =	swait.ge [sflag:s19], $0x1000  }
0x34: {  	[sflag:s19] =	ssyncset.done $0x0  }
0x35: {  	[sflag:s19] =	ssyncadd.s32 $0xFFFFF000  }
0x36: {  	[spmem:s11] =	stream.linear.scatter [tilespmem:s29], [sflag:$0x6], $0x1000, $0x38;
	[tilespmem:$0x14000] =	vst v63  }
0x37: {  	_ =	swait.ge [sflag:s19], $0x1000  }
0x38: {  	[sflag:s19] =	ssyncset.done $0x0  }
0x39: {  	[sflag:s19] =	ssyncadd.s32 $0xFFFFF000  }
0x3a: {  	[spmem:s12] =	stream.linear.scatter [tilespmem:s29], [sflag:$0x6], $0x1000, $0x38;
	[tilespmem:$0x14000] =	vst v63  }
0x3b: {  	_ =	swait.ge [sflag:s19], $0x1000  }
0x3c: {  	[sflag:s19] =	ssyncset.done $0x0  }
0x3d: {  	[sflag:s19] =	ssyncadd.s32 $0xFFFFF000  }
0x3e: {  	s26 =	simm.s32 $0x200;
	[bflag:$0x0] =	sbarrier.arrive $0xFFFF  }
0x3f: {  	[tilespmem:s29], [sflag:$0x1] =	stream.indirect.gather [hbm4b:s5+s21], $0x20, s26, s21, $0xb8;
	[tilespmem:$0x14000] =	vst v63  }
0x40: {  	_ =	swait.ge [sflag:s31], $0x1000  }
0x41: {  	[sflag:s31] =	ssyncset.done $0x0  }
0x42: {  	s24 =	simm.s32 $0x5000;
	[sflag:s31] =	ssyncadd.s32 $0xFFFFF000  }
0x43: {  	[spmem:s3] =	stream.indirect.scatter.add.f32 [tilespmem:s22], [sflag:$0x6], $0x20, s24, s21, $0xb8;
	[tilespmem:$0x14000] =	vst v63  }
0x44: {  	_ =	swait.ge [sflag:s19], $0x1000  }
0x45: {  	[sflag:s19] =	ssyncset.done $0x0  }
0x46: {  	s6 =	simm.s32 $0x280;
	[sflag:s19] =	ssyncadd.s32 $0xFFFFF000  }
0x47: {  	[tilespmem:s22], [sflag:$0x2] =	stream.indirect.gather [hbm4b:s5+s21], $0x20, s6, s21, $0xb8;
	[tilespmem:$0x14000] =	vst v63  }
0x48: {  	_ =	swait.ge [sflag:s1], $0x1000  }
0x49: {  	[sflag:s1] =	ssyncset.done $0x0  }
0x4a: {  	s26 =	simm.s32 $0x5080;
	[sflag:s1] =	ssyncadd.s32 $0xFFFFF000  }
0x4b: {  	[spmem:s3] =	stream.indirect.scatter.add.f32 [tilespmem:s23], [sflag:$0x6], $0x20, s26, s21, $0xb8;
	[tilespmem:$0x14000] =	vst v63  }
0x4c: {  	_ =	swait.ge [sflag:s19], $0x1000  }
0x4d: {  	[sflag:s19] =	ssyncset.done $0x0  }
0x4e: {  	s6 =	simm.s32 $0x300;
	[sflag:s19] =	ssyncadd.s32 $0xFFFFF000  }
0x4f: {  	[tilespmem:s23], [sflag:$0x3] =	stream.indirect.gather [hbm4b:s5+s21], $0x20, s6, s21, $0xb8;
	[tilespmem:$0x14000] =	vst v63  }
0x50: {  	_ =	swait.ge [sflag:s0], $0x1000  }
0x51: {  	[sflag:s0] =	ssyncset.done $0x0  }
0x52: {  	s26 =	simm.s32 $0x5100;
	[sflag:s0] =	ssyncadd.s32 $0xFFFFF000  }
0x53: {  	[spmem:s3] =	stream.indirect.scatter.add.f32 [tilespmem:s25], [sflag:$0x6], $0x20, s26, s21, $0xb8;
	[tilespmem:$0x14000] =	vst v63  }
0x54: {  	_ =	swait.ge [sflag:s19], $0x1000  }
0x55: {  	[sflag:s19] =	ssyncset.done $0x0  }
0x56: {  	s6 =	simm.s32 $0x380;
	[sflag:s19] =	ssyncadd.s32 $0xFFFFF000  }
0x57: {  	[tilespmem:s25], [sflag:$0x4] =	stream.indirect.gather [hbm4b:s5+s21], $0x20, s6, s21, $0xb8;
	[tilespmem:$0x14000] =	vst v63  }
0x58: {  	_ =	swait.ge [sflag:s2], $0x1000  }
0x59: {  	[sflag:s2] =	ssyncset.done $0x0  }
0x5a: {  	s26 =	simm.s32 $0x5180;
	[sflag:s2] =	ssyncadd.s32 $0xFFFFF000  }
0x5b: {  	[spmem:s3] =	stream.indirect.scatter.add.f32 [tilespmem:s28], [sflag:$0x6], $0x20, s26, s21, $0xb8;
	[tilespmem:$0x14000] =	vst v63  }
0x5c: {  	_ =	swait.ge [sflag:s19], $0x1000  }
0x5d: {  	[sflag:s19] =	ssyncset.done $0x0  }
0x5e: {  	s6 =	simm.s32 $0x400;
	[sflag:s19] =	ssyncadd.s32 $0xFFFFF000  }
0x5f: {  	[tilespmem:s28], [sflag:$0x5] =	stream.indirect.gather [hbm4b:s5+s21], $0x20, s6, s21, $0xb8;
	[tilespmem:$0x14000] =	vst v63  }
0x60: {  	_ =	swait.ge [sflag:s20], $0x1000  }
0x61: {  	[sflag:s20] =	ssyncset.done $0x0  }
0x62: {  	s26 =	simm.s32 $0x5200;
	[sflag:s20] =	ssyncadd.s32 $0xFFFFF000  }
0x63: {  	[spmem:s3] =	stream.indirect.scatter.add.f32 [tilespmem:s29], [sflag:$0x6], $0x20, s26, s21, $0xb8;
	[tilespmem:$0x14000] =	vst v63  }
0x64: {  	_ =	swait.ge [sflag:s19], $0x1000  }
0x65: {  	[sflag:s19] =	ssyncset.done $0x0  }
0x66: {  	s24 =	simm.s32 $0xA00;
	s26 =	simm.s32 $0x480;
	[sflag:s19] =	ssyncadd.s32 $0xFFFFF000  }
.LBB2_2:
0x67: {  	[tilespmem:s29], [sflag:$0x1] =	stream.indirect.gather [hbm4b:s5+s21], $0x20, s26, s21, $0xb8;
	[tilespmem:$0x14000] =	vst v63  }
0x68: {  	s26 =	smov.u32 s24  }
0x69: {  	p0 =	sne.s32 s24, $0x12C00;
	s24 =	sadd.s32 $0xA00, s24;
	_ =	swait.ge [sflag:s31], $0x1000  }
0x6a: {  	s26 =	sshra.s32 s26, $0x2;
	[sflag:s31] =	ssyncset.done $0x0  }
0x6b: {  	s6 =	sadd.s32 $0x5000, s26;
	[sflag:s31] =	ssyncadd.s32 $0xFFFFF000  }
0x6c: {  	[spmem:s3] =	stream.indirect.scatter.add.f32 [tilespmem:s22], [sflag:$0x6], $0x20, s6, s21, $0xb8;
	[tilespmem:$0x14000] =	vst v63  }
0x6d: {  	_ =	swait.ge [sflag:s19], $0x1000  }
0x6e: {  	[sflag:s19] =	ssyncset.done $0x0  }
0x6f: {  	s6 =	sadd.s32 $0x280, s26;
	[sflag:s19] =	ssyncadd.s32 $0xFFFFF000  }
0x70: {  	[tilespmem:s22], [sflag:$0x2] =	stream.indirect.gather [hbm4b:s5+s21], $0x20, s6, s21, $0xb8;
	[tilespmem:$0x14000] =	vst v63  }
0x71: {  	_ =	swait.ge [sflag:s1], $0x1000  }
0x72: {  	[sflag:s1] =	ssyncset.done $0x0  }
0x73: {  	s6 =	sadd.s32 $0x5080, s26;
	[sflag:s1] =	ssyncadd.s32 $0xFFFFF000  }
0x74: {  	[spmem:s3] =	stream.indirect.scatter.add.f32 [tilespmem:s23], [sflag:$0x6], $0x20, s6, s21, $0xb8;
	[tilespmem:$0x14000] =	vst v63  }
0x75: {  	_ =	swait.ge [sflag:s19], $0x1000  }
0x76: {  	[sflag:s19] =	ssyncset.done $0x0  }
0x77: {  	s6 =	sadd.s32 $0x300, s26;
	[sflag:s19] =	ssyncadd.s32 $0xFFFFF000  }
0x78: {  	[tilespmem:s23], [sflag:$0x3] =	stream.indirect.gather [hbm4b:s5+s21], $0x20, s6, s21, $0xb8;
	[tilespmem:$0x14000] =	vst v63  }
0x79: {  	_ =	swait.ge [sflag:s0], $0x1000  }
0x7a: {  	[sflag:s0] =	ssyncset.done $0x0  }
0x7b: {  	s6 =	sadd.s32 $0x5100, s26;
	[sflag:s0] =	ssyncadd.s32 $0xFFFFF000  }
0x7c: {  	[spmem:s3] =	stream.indirect.scatter.add.f32 [tilespmem:s25], [sflag:$0x6], $0x20, s6, s21, $0xb8;
	[tilespmem:$0x14000] =	vst v63  }
0x7d: {  	_ =	swait.ge [sflag:s19], $0x1000  }
0x7e: {  	[sflag:s19] =	ssyncset.done $0x0  }
0x7f: {  	s6 =	sadd.s32 $0x380, s26;
	[sflag:s19] =	ssyncadd.s32 $0xFFFFF000  }
0x80: {  	[tilespmem:s25], [sflag:$0x4] =	stream.indirect.gather [hbm4b:s5+s21], $0x20, s6, s21, $0xb8;
	[tilespmem:$0x14000] =	vst v63  }
0x81: {  	_ =	swait.ge [sflag:s2], $0x1000  }
0x82: {  	[sflag:s2] =	ssyncset.done $0x0  }
0x83: {  	s6 =	sadd.s32 $0x5180, s26;
	[sflag:s2] =	ssyncadd.s32 $0xFFFFF000  }
0x84: {  	[spmem:s3] =	stream.indirect.scatter.add.f32 [tilespmem:s28], [sflag:$0x6], $0x20, s6, s21, $0xb8;
	[tilespmem:$0x14000] =	vst v63  }
0x85: {  	_ =	swait.ge [sflag:s19], $0x1000  }
0x86: {  	[sflag:s19] =	ssyncset.done $0x0  }
0x87: {  	s6 =	sadd.s32 $0x400, s26;
	[sflag:s19] =	ssyncadd.s32 $0xFFFFF000  }
0x88: {  	[tilespmem:s28], [sflag:$0x5] =	stream.indirect.gather [hbm4b:s5+s21], $0x20, s6, s21, $0xb8;
	[tilespmem:$0x14000] =	vst v63  }
0x89: {  	_ =	swait.ge [sflag:s20], $0x1000  }
0x8a: {  	[sflag:s20] =	ssyncset.done $0x0  }
.Ltmp0:
0x8b: {  	s6 =	sadd.s32 $0x5200, s26;
	[sflag:s20] =	ssyncadd.s32 $0xFFFFF000;
	(pc) =	sbr.rel @p0 .LBB2_2-.Ltmp0, $4  }
0x8c: {  	[spmem:s3] =	stream.indirect.scatter.add.f32 [tilespmem:s29], [sflag:$0x6], $0x20, s6, s21, $0xb8;
	[tilespmem:$0x14000] =	vst v63  }
0x8d: {  	_ =	swait.ge [sflag:s19], $0x1000  }
0x8e: {  	[sflag:s19] =	ssyncset.done $0x0  }
0x8f: {  	s26 =	sadd.s32 $0x480, s26;
	[sflag:s19] =	ssyncadd.s32 $0xFFFFF000  }
0x90: {  	[tilespmem:s29], [sflag:$0x1] =	stream.indirect.gather [hbm4b:s5+s21], $0x20, s26, s21, $0xb8;
	[tilespmem:$0x14000] =	vst v63  }
0x91: {  	_ =	swait.ge [sflag:s31], $0x1000  }
0x92: {  	[sflag:s31] =	ssyncset.done $0x0  }
0x93: {  	s6 =	simm.s32 $0x9D80;
	[sflag:s31] =	ssyncadd.s32 $0xFFFFF000  }
0x94: {  	[spmem:s3] =	stream.indirect.scatter.add.f32 [tilespmem:s22], [sflag:$0x6], $0x20, s6, s21, $0xb8;
	[tilespmem:$0x14000] =	vst v63  }
0x95: {  	_ =	swait.ge [sflag:s19], $0x1000  }
0x96: {  	[sflag:s19] =	ssyncset.done $0x0  }
0x97: {  	[sflag:s19] =	ssyncadd.s32 $0xFFFFF000  }
0x98: {  	_ =	swait.ge [sflag:s1], $0x1000  }
0x99: {  	[sflag:s1] =	ssyncset.done $0x0  }
0x9a: {  	s24 =	simm.s32 $0x9E00;
	[sflag:s1] =	ssyncadd.s32 $0xFFFFF000  }
0x9b: {  	[spmem:s3] =	stream.indirect.scatter.add.f32 [tilespmem:s23], [sflag:$0x6], $0x20, s24, s21, $0xb8;
	[tilespmem:$0x14000] =	vst v63  }
0x9c: {  	_ =	swait.ge [sflag:s19], $0x1000  }
0x9d: {  	[sflag:s19] =	ssyncset.done $0x0  }
0x9e: {  	[sflag:s19] =	ssyncadd.s32 $0xFFFFF000  }
0x9f: {  	_ =	swait.ge [sflag:s0], $0x1000  }
0xa0: {  	[sflag:s0] =	ssyncset.done $0x0  }
0xa1: {  	s26 =	simm.s32 $0x9E80;
	[sflag:s0] =	ssyncadd.s32 $0xFFFFF000  }
0xa2: {  	[spmem:s3] =	stream.indirect.scatter.add.f32 [tilespmem:s25], [sflag:$0x6], $0x20, s26, s21, $0xb8;
	[tilespmem:$0x14000] =	vst v63  }
0xa3: {  	_ =	swait.ge [sflag:s19], $0x1000  }
0xa4: {  	[sflag:s19] =	ssyncset.done $0x0  }
0xa5: {  	[sflag:s19] =	ssyncadd.s32 $0xFFFFF000  }
0xa6: {  	_ =	swait.ge [sflag:s2], $0x1000  }
0xa7: {  	[sflag:s2] =	ssyncset.done $0x0  }
0xa8: {  	s24 =	simm.s32 $0x9F00;
	[sflag:s2] =	ssyncadd.s32 $0xFFFFF000  }
0xa9: {  	[spmem:s3] =	stream.indirect.scatter.add.f32 [tilespmem:s28], [sflag:$0x6], $0x20, s24, s21, $0xb8;
	[tilespmem:$0x14000] =	vst v63  }
0xaa: {  	_ =	swait.ge [sflag:s19], $0x1000  }
0xab: {  	[sflag:s19] =	ssyncset.done $0x0  }
0xac: {  	[sflag:s19] =	ssyncadd.s32 $0xFFFFF000  }
0xad: {  	_ =	swait.ge [sflag:s20], $0x1000  }
0xae: {  	[sflag:s20] =	ssyncset.done $0x0  }
0xaf: {  	s26 =	simm.s32 $0x9F80;
	[sflag:s20] =	ssyncadd.s32 $0xFFFFF000  }
0xb0: {  	[spmem:s3] =	stream.indirect.scatter.add.f32 [tilespmem:s29], [sflag:$0x6], $0x20, s26, s21, $0xb8;
	[tilespmem:$0x14000] =	vst v63  }
0xb1: {  	_ =	swait.ge [sflag:s19], $0x1000  }
0xb2: {  	[sflag:s19] =	ssyncset.done $0x0  }
0xb3: {  	[sflag:s19] =	ssyncadd.s32 $0xFFFFF000  }
0xb4: {  	[bflag:$0x0] =	sbarrier.arrive $0xFFFF  }
0xb5: {  	[tilespmem:s29], [sflag:$0x1] =	stream.linear.gather [spmem:s8], $0x1000, $0x38;
	[tilespmem:$0x14000] =	vst v63  }
0xb6: {  	_ = 	snop  }
0xb7: {  	[tilespmem:s22], [sflag:$0x2] =	stream.linear.gather [spmem:s9], $0x1000, $0x38;
	[tilespmem:$0x14000] =	vst v63  }
0xb8: {  	_ = 	snop  }
0xb9: {  	[tilespmem:s23], [sflag:$0x3] =	stream.linear.gather [spmem:s10], $0x1000, $0x38;
	[tilespmem:$0x14000] =	vst v63  }
0xba: {  	_ = 	snop  }
0xbb: {  	[tilespmem:s25], [sflag:$0x4] =	stream.linear.gather [spmem:s11], $0x1000, $0x38;
	[tilespmem:$0x14000] =	vst v63  }
0xbc: {  	_ = 	snop  }
0xbd: {  	[tilespmem:s28], [sflag:$0x5] =	stream.linear.gather [spmem:s12], $0x1000, $0x38;
	[tilespmem:$0x14000] =	vst v63  }
0xbe: {  	_ =	swait.ge [sflag:s20], $0x1000  }
0xbf: {  	[sflag:s20] =	ssyncset.done $0x0  }
0xc0: {  	[sflag:s20] =	ssyncadd.s32 $0xFFFFF000  }
0xc1: {  	[hbm4b:s13+s4] =	stream.linear.scatter [tilespmem:s29], [sflag:$0x1], $0x1000, $0x38;
	[tilespmem:$0x14000] =	vst v63  }
0xc2: {  	_ =	swait.ge [sflag:s31], $0x1000  }
0xc3: {  	[sflag:s31] =	ssyncset.done $0x0  }
0xc4: {  	[sflag:s31] =	ssyncadd.s32 $0xFFFFF000  }
0xc5: {  	[hbm4b:s14+s4] =	stream.linear.scatter [tilespmem:s22], [sflag:$0x2], $0x1000, $0x38;
	[tilespmem:$0x14000] =	vst v63  }
0xc6: {  	_ =	swait.ge [sflag:s1], $0x1000  }
0xc7: {  	[sflag:s1] =	ssyncset.done $0x0  }
0xc8: {  	[sflag:s1] =	ssyncadd.s32 $0xFFFFF000  }
0xc9: {  	[hbm4b:s15+s4] =	stream.linear.scatter [tilespmem:s23], [sflag:$0x3], $0x1000, $0x38;
	[tilespmem:$0x14000] =	vst v63  }
0xca: {  	_ =	swait.ge [sflag:s0], $0x1000  }
0xcb: {  	[sflag:s0] =	ssyncset.done $0x0  }
0xcc: {  	[sflag:s0] =	ssyncadd.s32 $0xFFFFF000  }
0xcd: {  	[hbm4b:s16+s4] =	stream.linear.scatter [tilespmem:s25], [sflag:$0x4], $0x1000, $0x38;
	[tilespmem:$0x14000] =	vst v63  }
0xce: {  	_ =	swait.ge [sflag:s2], $0x1000  }
0xcf: {  	[sflag:s2] =	ssyncset.done $0x0  }
0xd0: {  	[sflag:s2] =	ssyncadd.s32 $0xFFFFF000  }
0xd1: {  	[hbm4b:s17+s4] =	stream.linear.scatter [tilespmem:s28], [sflag:$0x5], $0x1000, $0x38;
	[tilespmem:$0x14000] =	vst v63  }
0xd2: {  	_ =	swait.ge [sflag:s20], $0x1000  }
0xd3: {  	[sflag:s20] =	ssyncset.done $0x0  }
0xd4: {  	[sflag:s20] =	ssyncadd.s32 $0xFFFFF000  }
0xd5: {  	_ =	swait.ge [sflag:s31], $0x1000  }
0xd6: {  	[sflag:s31] =	ssyncset.done $0x0  }
0xd7: {  	[sflag:s31] =	ssyncadd.s32 $0xFFFFF000  }
0xd8: {  	_ =	swait.ge [sflag:s1], $0x1000  }
0xd9: {  	[sflag:s1] =	ssyncset.done $0x0  }
0xda: {  	s30 =	sadd.s32 $0x1, s30;
	[sflag:s1] =	ssyncadd.s32 $0xFFFFF000  }
0xdb: {  	p0 =	sne.s32 s30, s18;
	_ =	swait.ge [sflag:s0], $0x1000  }
.Ltmp1:
0xdc: {  	[sflag:s0] =	ssyncset.done $0x0;
	(pc) =	sbr.rel @p0 .LBB2_1-.Ltmp1, $4  }
0xdd: {  	[sflag:s0] =	ssyncadd.s32 $0xFFFFF000  }
0xde: {  	_ =	swait.ge [sflag:s2], $0x1000  }
0xdf: {  	[sflag:s2] =	ssyncset.done $0x0  }
0xe0: {  	[sflag:s2] =	ssyncadd.s32 $0xFFFFF000  }
0xe1: {  	_ =	sfence.sel $0x180000  }
0xe2: {  	[bflag:$0x0] =	sbarrier.arrive $0xFFFF  }
0xe3: {  	_ =	strace $0x9000004D  }
0xe4: {  	s0 =	stileid.u32;
	[bflag:$0x2] =	sbarrier.arrive $0xFFFF  }
0xe5: {  	p0 =	sne.s32 s0, $0x0;
	s0 =	rddreg [dreg:$0x3]  }
0xe6: {  	s0 =	sadd.s32 @!p0 $0x100000, s0  }
0xe7: {  	[sflag:s0] =	ssyncadd.tile.s32 @!p0 $0x1;
	_ =	shalt  }
.Lfunc_end2:
_tile_overlayer_lowered:
.L_overlay_start_2:
0xe8: {  	(tag) =	ssettag $0x2  }
0xe9: {  	s0 =	rddreg [dreg:$0x0];
	s2 =	stileid.u32  }
0xea: {  	s1 =	rddreg [dreg:$0x1];
	p0 =	sne.s32 s2, $0x0  }
0xeb: {  	s3 =	rddreg [dreg:$0x2];
	[bflag:$0x3] =	sbarrier.arrive $0xFFFF;
	s2 =	simm.s32 @!p0 $0x1C06  }
0xec: {  	[timem:s3], [sflag:s2] =	dma.local @!p0 [hbm:s0], s1  }
0xed: {  	s0 =	simm.s32 @!p0 $0x6  }
0xee: {  	_ =	swait.ge @!p0 [sflag:s0], s1  }
0xef: {  	s1 =	ssub.s32 @!p0 $0x0, s1;
	[sflag:s0] =	ssyncset.done @!p0 $0x0  }
0xf0: {  	[sflag:s0] =	ssyncadd.s32 @!p0 s1  }
0xf1: {  	[bflag:$0x3] =	sbarrier.arrive $0xFFFF  }
0xf2: {  	_ =	shalt  }

// kernel: kernel.8.cloned.1.call-start
scs
__scs_entry_jumppad:
0x0: {  	(pc) =	sbr.rel $0x88, $3  }
0x1: {  	(tag) =	ssettag $0x0;
	lr =	simm.s32 $0x1  }
0x2: {  	[smem:$0x3F99] =	sst lr;
	_ =	strace $0xD0000000  }
0x3: {  	_ = 	snop  }
0x4: {  	_ = 	snop  }
0x5: {  	_ = 	snop  }
0x6: {  	_ = 	snop  }
0x7: {  	_ = 	snop  }
__scs_overlays_trampoline_lowered:
0x8: {  	[smem:$0x3FA8] =	sst s0  }
0x9: {  	[smem:$0x3FA9] =	sst s1  }
0xa: {  	[smem:$0x3FAA] =	sst s2  }
0xb: {  	[smem:$0x3FAB] =	sst s3  }
0xc: {  	[smem:$0x3FAC] =	sst s4  }
0xd: {  	[smem:$0x3FAD] =	sst s5  }
0xe: {  	[smem:$0x3FAE] =	sst s6  }
0xf: {  	[smem:$0x3FAF] =	sst s7  }
0x10: {  	[smem:$0x3FB0] =	sst s8  }
0x11: {  	[smem:$0x3FB1] =	sst s9;
	s0 =	simm.s32 @!p0 $0x0  }
0x12: {  	s1 =	sld [smem:$0x3F97];
	s0 =	simm.s32 @p0 $0x1  }
0x13: {  	[smem:$0x3FB2] =	sst s0;
	s0 =	simm.s32 @!p1 $0x0  }
0x14: {  	s2 =	sld [smem:$0x3F96];
	s0 =	simm.s32 @p1 $0x1  }
0x15: {  	[smem:$0x3FB3] =	sst s0;
	s0 =	simm.s32 @!p2 $0x0  }
0x16: {  	s3 =	sld [smem:$0x3FDB];
	s0 =	simm.s32 @p2 $0x1  }
0x17: {  	s4 =	simm.s32 $0x1BF5;
	[smem:$0x3FB5] =	sst s0  }
0x18: {  	s0 =	sld [smem:$0x3F98];
	_ =	swait.ge [sflag:s4], $0x0  }
0x19: {  	s7 =	sld [smem:$0x3F99]  }
0x1a: {  	s8 =	sadd.s32 $0xFFFFE003, lr  }
0x1b: {  	s9 =	sadd.s32 $0xFFFFFEF7, lr;
	s5 =	simm.s32 $0xFFFFFFFF;
	p2 =	slt.u32 s8, $0xFFFFF086  }
0x1c: {  	p1 =	slt.u32 s9, $0xF7A;
	s5 =	simm.s32 @!p2 $0x0  }
0x1d: {  	s5 =	simm.s32 @p1 $0x1;
	p0 =	seq.s32 s7, s2  }
0x1e: {  	s7 =	smul.u32 @!p0 $0xF7A, s2;
	p2 =	seq.s32 @!p0 s5, $0x0  }
0x1f: {  	s9 =	smul.u32 $0xF7A, s1;
	s8 =	simm.s32 @!p0 $0x1BF5;
	p2 =	por !p2, p0  }
0x20: {  	[sflag:s8] =	ssyncset.s32 @!p0 $0xFFFFF086;
	s6 =	sadd.s32 @!p0 s3, s7;
	s7 =	simm.s32 @!p0 $0x108  }
0x21: {  	s3 =	sadd.s32 s3, s9;
	s6 =	sadd.s32 @!p0 $0x88, s6;
	s7 =	simm.s32 @p2 $0x1082  }
0x22: {  	[simem:s7], [sflag:s8] =	dma.local @!p0 [hbm:s6], $0xF7A  }
0x23: {  	s9 =	sor.u32 $0xD0000000, s2;
	s6 =	simm.s32 $0x108;
	_ =	swait.ge @!p0 [sflag:s8], $0x0  }
0x24: {  	s3 =	sadd.s32 $0x88, s3;
	s6 =	simm.s32 @!p1 $0x1082;
	[sflag:s4] =	ssyncset.s32 $0xFFFFF086  }
0x25: {  	[simem:s6], [sflag:s4] =	dma.local [hbm:s3], $0xF7A  }
0x26: {  	[smem:$0x3F99] =	sst s1;
	(tag) =	ssettag s2;
	_ =	strace s9  }
0x27: {  	s1 =	sld [smem:$0x3FA9]  }
0x28: {  	s2 =	sld [smem:$0x3FAA]  }
0x29: {  	s4 =	sld [smem:$0x3FAC]  }
0x2a: {  	p0 =	seq.s32 s5, $0x0;
	s5 =	sld [smem:$0x3FAD]  }
0x2b: {  	s6 =	sld [smem:$0x3FAE]  }
0x2c: {  	s7 =	sld [smem:$0x3FAF]  }
0x2d: {  	s3 =	simm.s32 $0x108;
	s8 =	sld [smem:$0x3FB0]  }
0x2e: {  	s3 =	simm.s32 @!p0 $0x1082;
	s9 =	sld [smem:$0x3FB1]  }
0x2f: {  	lr =	sadd.s32 s0, s3;
	s0 =	sld [smem:$0x3FA8]  }
0x30: {  	s3 =	sld [smem:$0x3FAB]  }
0x31: {  	[smem:$0x3FB4] =	sst s10  }
0x32: {  	s10 =	sld [smem:$0x3FB2];
	_ =	sdelay $0x3  }
0x33: {  	p0 =	seq.s32 s10, $0x1;
	s10 =	sld [smem:$0x3FB4];
	_ =	sdelay $0x3  }
0x34: {  	[smem:$0x3FB4] =	sst s10  }
0x35: {  	s10 =	sld [smem:$0x3FB3];
	_ =	sdelay $0x3  }
0x36: {  	p1 =	seq.s32 s10, $0x1;
	s10 =	sld [smem:$0x3FB4];
	_ =	sdelay $0x3  }
0x37: {  	[smem:$0x3FB4] =	sst s10  }
0x38: {  	s10 =	sld [smem:$0x3FB5]  }
0x39: {  	_ = 	snop;
	(pc) =	sbr.ind lr, $3  }
0x3a: {  	_ = 	snop  }
0x3b: {  	_ = 	snop  }
0x3c: {  	p2 =	seq.s32 s10, $0x1;
	s10 =	sld [smem:$0x3FB4]  }
0x3d: {  	_ =	shalt  }
0x3e: {  	_ =	shalt  }
0x3f: {  	_ =	shalt  }
0x40: {  	_ =	shalt  }
0x41: {  	_ =	shalt  }
0x42: {  	_ =	shalt  }
0x43: {  	_ =	shalt  }
0x44: {  	_ =	shalt  }
0x45: {  	_ =	shalt  }
0x46: {  	_ =	shalt  }
0x47: {  	_ =	shalt  }
0x48: {  	_ =	shalt  }
0x49: {  	_ =	shalt  }
0x4a: {  	_ =	shalt  }
0x4b: {  	_ =	shalt  }
0x4c: {  	_ =	shalt  }
0x4d: {  	_ =	shalt  }
0x4e: {  	_ =	shalt  }
0x4f: {  	_ =	shalt  }
0x50: {  	_ =	shalt  }
0x51: {  	_ =	shalt  }
0x52: {  	_ =	shalt  }
0x53: {  	_ =	shalt  }
0x54: {  	_ =	shalt  }
0x55: {  	_ =	shalt  }
0x56: {  	_ =	shalt  }
0x57: {  	_ =	shalt  }
0x58: {  	_ =	shalt  }
0x59: {  	_ =	shalt  }
0x5a: {  	_ =	shalt  }
0x5b: {  	_ =	shalt  }
0x5c: {  	_ =	shalt  }
0x5d: {  	_ =	shalt  }
0x5e: {  	_ =	shalt  }
0x5f: {  	_ =	shalt  }
0x60: {  	_ =	shalt  }
0x61: {  	_ =	shalt  }
0x62: {  	_ =	shalt  }
0x63: {  	_ =	shalt  }
0x64: {  	_ =	shalt  }
0x65: {  	_ =	shalt  }
0x66: {  	_ =	shalt  }
0x67: {  	_ =	shalt  }
0x68: {  	_ =	shalt  }
0x69: {  	_ =	shalt  }
0x6a: {  	_ =	shalt  }
0x6b: {  	_ =	shalt  }
0x6c: {  	_ =	shalt  }
0x6d: {  	_ =	shalt  }
0x6e: {  	_ =	shalt  }
0x6f: {  	_ =	shalt  }
0x70: {  	_ =	shalt  }
0x71: {  	_ =	shalt  }
0x72: {  	_ =	shalt  }
0x73: {  	_ =	shalt  }
0x74: {  	_ =	shalt  }
0x75: {  	_ =	shalt  }
0x76: {  	_ =	shalt  }
0x77: {  	_ =	shalt  }
0x78: {  	_ =	shalt  }
0x79: {  	_ =	shalt  }
0x7a: {  	_ =	shalt  }
0x7b: {  	_ =	shalt  }
0x7c: {  	_ =	shalt  }
0x7d: {  	_ =	shalt  }
0x7e: {  	_ =	shalt  }
0x7f: {  	_ =	shalt  }
0x80: {  	_ =	shalt  }
0x81: {  	_ =	shalt  }
0x82: {  	_ =	shalt  }
0x83: {  	_ =	shalt  }
0x84: {  	_ =	shalt  }
0x85: {  	_ =	shalt  }
0x86: {  	_ =	shalt  }
0x87: {  	_ =	shalt  }
.Lfunc_end0:
.L_simem_size_0:
called_computation_lowered:
.L_overlay_start_0:
0x88: {  	s2 =	sld [smem:$0x3FD9]  }
0x89: {  	s3 =	sld [smem:$0x3FFE];
	_ =	sdelay $0x1  }
0x8a: {  	s1 =	srdreg.scid  }
0x8b: {  	s0 =	sand.u32 $0x1, s1  }
0x8c: {  	s17 =	sshll.u32 s0, $0xA;
	s2 =	sadd.s32 s3, s2  }
0x8d: {  	s2 =	sadd.s32 s2, s17  }
0x8e: {  	[smem:$0x3FC0] =	sst s2  }
0x8f: {  	_ = 	snop  }
0x90: {  	s2 =	sld [smem:$0x3FD0];
	(tm) =	ssettm $0x1  }
0x91: {  	s18 =	sld [smem:$0x3FFB];
	_ =	sdelay $0x3  }
0x92: {  	_ =	strace s18  }
0x93: {  	s3 =	sld [smem:$0x3FFC];
	_ =	sdelay $0x3  }
0x94: {  	_ =	strace s3  }
0x95: {  	s3 =	sld [smem:$0x3FFD];
	_ =	sdelay $0x3  }
0x96: {  	_ =	strace s3  }
0x97: {  	_ =	strace $0x8FFFFFFF  }
0x98: {  	s19 =	sld [smem:$0x3FDB];
	_ =	sdelay $0x1  }
0x99: {  	s4 =	simm.s32 $_scs_section_size  }
0x9a: {  	s5 =	simm.s32 $_size__tile_overlayer_lowered;
	s6 =	simm.s32 $_tile_overlayer_lowered  }
0x9b: {  	s22 =	simm.s32 $0x1BFF;
	s21 =	sshll.u32 s6, $0x1;
	s3 =	sadd.s32 s4, s19  }
0x9c: {  	s7 =	simm.s32 $0x0;
	s20 =	sshll.u32 s5, $0x1;
	s5 =	sadd.s32 s21, s3  }
0x9d: {  	[timem:s7], [sflag:s22] =	dma.local [hbm:s5], s20  }
0x9e: {  	_ =	swait.ge [sflag:s22], s20  }
0x9f: {  	s4 =	ssub.s32 $0x0, s20;
	[sflag:s22] =	ssyncset.done $0x0  }
0xa0: {  	[sflag:s22] =	ssyncadd.s32 s4;
	_ =	sdelay $0x1  }
0xa1: {  	s23 =	simm.s32 $0x1B8B  }
0xa2: {  	_ =	swait.ge [sflag:s23], $0x1  }
0xa3: {  	[sflag:s23] =	ssyncset.done $0x0  }
0xa4: {  	s25 =	simm.s32 $0x1B8E;
	s24 =	sld [smem:$0x3FFE];
	[sflag:s23] =	ssyncadd.s32 $0xFFFFFFFF  }
0xa5: {  	s26 =	simm.s32 $execute0_lowered;
	[smem:$0x3FD2] =	sst s25  }
0xa6: {  	s5 =	sshll.u32 s26, $0x1;
	_ =	strace $0x80000046;
	[dreg:$0x1] =	wrdreg $0xFFFFFFFF  }
0xa7: {  	s28 =	simm.s32 $_size_execute0_lowered;
	s3 =	sadd.s32 s3, s5;
	[dreg:$0x0] =	wrdreg $0x0  }
0xa8: {  	s5 =	sshll.u32 s28, $0x1;
	[dreg:$0x2] =	wrdreg s3  }
0xa9: {  	[dreg:$0x3] =	wrdreg s5  }
0xaa: {  	[dreg:$0x4] =	wrdreg $0xC0  }
0xab: {  	_ =	task [dreg:s7], $0x5FFFF  }
0xac: {  	[dreg:$0x1] =	wrdreg $0xFFFFFFFF  }
0xad: {  	[dreg:$0x0] =	wrdreg $0x60  }
0xae: {  	[dreg:$0x2] =	wrdreg s24  }
0xaf: {  	[dreg:$0x3] =	wrdreg s2  }
0xb0: {  	[dreg:$0x4] =	wrdreg $0x6C000  }
0xb1: {  	[dreg:$0x5] =	wrdreg $0x9  }
0xb2: {  	_ =	task.clear_ibuf [dreg:s7], $0x6FFFF;
	_ =	strace $0x90000046  }
0xb3: {  	s29 =	simm.s32 $0x9;
	_ =	strace $0x80000048  }
0xb4: {  	_ =	swait.ge [sflag:s29], $0x1  }
0xb5: {  	[sflag:s29] =	ssyncadd.s32 $0xFFFFFFFF  }
0xb6: {  	_ =	strace $0x90000048  }
0xb7: {  	_ =	sfence  }
0xb8: {  	s30 =	sld [smem:$0x0];
	_ =	sdelay $0x2  }
0xb9: {  	s31 =	sshll.u32 s1, $0xD;
	s1 =	sshrl.u32 s1, $0x2  }
0xba: {  	s3 =	sand.u32 $0x4000, s31;
	s1 =	sadd.s32 s1, s30  }
0xbb: {  	s0 =	sor.u32 s3, s0;
	s1 =	sshll.u32 s1, $0x11  }
0xbc: {  	s0 =	sor.u32 s1, s0  }
0xbd: {  	s0 =	sadd.s32 $0x8F2B, s0  }
0xbe: {  	[sflag:s0] =	ssyncadd.remote.s32 $0x1  }
0xbf: {  	_ =	sfence.sel $0xFFFF  }
0xc0: {  	[dreg:$0x0] =	wrdreg $0xFFFFFFFF;
	(pc) =	sbr.abs _section_cstart, $3  }
0xc1: {  	[dreg:$0x1] =	wrdreg $0xFFFFFFFF  }
0xc2: {  	_ =	task.clear_ibuf [dreg:s7], $0x2FFFF;
	_ =	strace $0x9FFFFFFF  }
0xc3: {  	(tm) =	ssettm $0x7FFFFFFF  }
tec
execute0_lowered:
.L_overlay_start_1:
0x0: {  	(tag) =	ssettag $0x1  }
0x1: {  	s6 =	rddreg [dreg:$0x0]  }
0x2: {  	s1 =	srdreg.scid;
	s2 =	rddreg [dreg:$0x1]  }
0x3: {  	s0 =	stileid.u32;
	s3 =	rddreg [dreg:$0x2]  }
0x4: {  	s4 =	simm.s32 $0x0;
	s12 =	simm.s32 $0x2800;
	s13 =	simm.s32 $0x80  }
0x5: {  	s14 =	simm.s32 $0x5800;
	s15 =	simm.s32 $0x0;
	s9 =	smul.u32 $0x1400, s0  }
0x6: {  	s7 =	sand.u32 $0x1, s1;
	s30 =	sshll.u32 s0, $0x1;
	s11 =	smul.u32 $0xA000, s0  }
0x7: {  	[smem:$0x7FF] =	sst s4;
	s1 =	sor.u32 s7, s30;
	s8 =	smul.u32 $0x14000, s7  }
0x8: {  	s7 =	ssub.s32 $0x2, s7;
	s5 =	smul.u32 $0x500, s1;
	s1 =	rddreg [dreg:$0x3]  }
0x9: {  	_ =	strace $0x80000047;
	s31 =	sshrl.u32 s7, $0x1;
	s11 =	sshrl.u32 s11, $0x2  }
0xa: {  	s8 =	sadd.s32 s9, s8;
	s9 =	ssub.s32 s7, s31;
	s10 =	sadd.s32 s5, s6  }
0xb: {  	s5 =	sadd.s32 $0xB600, s6;
	s8 =	sshrl.u32 s8, $0x3;
	s9 =	smax.u32 s9, $0x1  }
0xc: {  	s8 =	sadd.s32 s8, s6;
	s6 =	sadd.s32 s11, s3;
	s7 =	sadd.s32 $0x1600, s10  }
0xd: {  	s10 =	simm.s32 $0x3000;
	s11 =	simm.s32 $0x1;
	s8 =	sadd.s32 $0xB800, s8  }
.LBB2_1:
0xe: {  	[tilespmem:s10], [sflag:$0x1] =	stream.linear.gather [hbm4b:s2+s4], $0x2800, $0x38;
	[tilespmem:$0x9400] =	vst v63  }
0xf: {  	_ =	swait.ge [sflag:s11], $0x2800  }
0x10: {  	[sflag:s11] =	ssyncset.done $0x0  }
0x11: {  	[sflag:s11] =	ssyncadd.s32 $0xFFFFD800  }
0x12: {  	[spmem:s6] =	stream.linear.scatter [tilespmem:s10], [sflag:$0x1], $0x2800, $0x38;
	[tilespmem:$0x9400] =	vst v63  }
0x13: {  	_ =	swait.ge [sflag:s11], $0x2800  }
0x14: {  	[sflag:s11] =	ssyncset.done $0x0  }
0x15: {  	[sflag:s11] =	ssyncadd.s32 $0xFFFFD800  }
0x16: {  	[bflag:$0x0] =	sbarrier.arrive $0xFFFF  }
0x17: {  	[tilespmem:s4], [sflag:$0x1] =	stream.linear.gather [hbm4b:s7+s4], $0x2800, $0x38;
	[tilespmem:$0x9400] =	vst v63  }
0x18: {  	_ =	swait.ge [sflag:s11], $0x2800  }
0x19: {  	[sflag:s11] =	ssyncset.done $0x0  }
0x1a: {  	[sflag:s11] =	ssyncadd.s32 $0xFFFFD800  }
0x1b: {  	[tilespmem:s12], [sflag:$0x1] =	stream.linear.gather [hbm4b:s5+s4], $0x800, $0x38;
	[tilespmem:$0x9400] =	vst v63  }
0x1c: {  	_ =	swait.ge [sflag:s11], $0x800  }
0x1d: {  	[sflag:s11] =	ssyncset.done $0x0  }
0x1e: {  	s16 =	simm.s32 $0x0;
	[sflag:s11] =	ssyncadd.s32 $0xFFFFF800  }
0x1f: {  	[spmem:s3] =	stream.indirect.scatter.add.f32 [tilespmem:s12], [sflag:$0x1], $0x10, s16, s13, $0xb8;
	[tilespmem:$0x9400] =	vst v63  }
0x20: {  	_ =	swait.ge [sflag:s11], $0x800  }
0x21: {  	s16 =	simm.s32 $0x200;
	[sflag:s11] =	ssyncset.done $0x0  }
.LBB2_2:
0x22: {  	s17 =	sshra.s32 s16, $0x2;
	[sflag:s11] =	ssyncadd.s32 $0xFFFFF800;
	p0 =	sne.s32 s16, $0x9E00  }
0x23: {  	[spmem:s3] =	stream.indirect.scatter.add.f32 [tilespmem:s12], [sflag:$0x1], $0x10, s17, s13, $0xb8;
	[tilespmem:$0x9400] =	vst v63  }
.Ltmp0:
0x24: {  	_ = 	snop;
	(pc) =	sbr.rel @p0 .LBB2_2-.Ltmp0, $4  }
0x25: {  	_ = 	snop  }
0x26: {  	s16 =	sadd.s32 $0x200, s16  }
0x27: {  	_ =	swait.ge [sflag:s11], $0x800  }
0x28: {  	[sflag:s11] =	ssyncset.done $0x0  }
0x29: {  	[sflag:s11] =	ssyncadd.s32 $0xFFFFF800  }
0x2a: {  	s16 =	simm.s32 $0x5800;
	[bflag:$0x0] =	sbarrier.arrive $0xFFFF  }
0x2b: {  	[tilespmem:s16], [sflag:$0x1] =	stream.linear.gather [spmem:s6], $0x1, $0x38;
	[tilespmem:$0x9400] =	vst v63  }
0x2c: {  	s17 =	smov.u32 s6;
	s16 =	simm.s32 $0x20  }
.LBB2_4:
0x2d: {  	p0 =	sne.s32 s16, $0x4FE0  }
.Ltmp1:
0x2e: {  	_ = 	snop;
	(pc) =	sbr.rel @p0 .LBB2_4-.Ltmp1, $4  }
0x2f: {  	_ = 	snop  }
0x30: {  	s18 =	sshra.s32 s16, $0x2;
	s16 =	sadd.s32 $0x20, s16  }
0x31: {  	s17 =	sadd.s32 $0x10, s17;
	s18 =	sadd.s32 $0x5800, s18  }
0x32: {  	[tilespmem:s18], [sflag:$0x1] =	stream.linear.gather [spmem:s17], $0x1, $0x38;
	[tilespmem:$0x9400] =	vst v63  }
0x33: {  	_ =	swait.ge [sflag:s11], $0x280;
	s15 =	sadd.s32 $0x1, s15  }
0x34: {  	[sflag:s11] =	ssyncset.done $0x0;
	p0 =	sne.s32 s15, s9  }
.Ltmp2:
0x35: {  	[sflag:s11] =	ssyncadd.s32 $0xFFFFFD80;
	(pc) =	sbr.rel @p0 .LBB2_1-.Ltmp2, $4  }
0x36: {  	[hbm4b:s8+s4] =	stream.linear.scatter [tilespmem:s14], [sflag:$0x1], $0x1400, $0x38;
	[tilespmem:$0x9400] =	vst v63  }
0x37: {  	_ =	swait.ge [sflag:s11], $0x1400  }
0x38: {  	[sflag:s11] =	ssyncset.done $0x0  }
0x39: {  	[sflag:s11] =	ssyncadd.s32 $0xFFFFEC00  }
0x3a: {  	_ =	sfence.sel $0x180000  }
0x3b: {  	[bflag:$0x0] =	sbarrier.arrive $0xFFFF  }
0x3c: {  	p0 =	sne.s32 s0, $0x0;
	_ =	strace $0x90000047  }
0x3d: {  	s0 =	sadd.s32 @!p0 $0x100000, s1;
	[bflag:$0x2] =	sbarrier.arrive $0xFFFF  }
0x3e: {  	[sflag:s0] =	ssyncadd.tile.s32 @!p0 $0x1;
	_ =	shalt  }
.Lfunc_end2:
_tile_overlayer_lowered:
.L_overlay_start_2:
0x3f: {  	(tag) =	ssettag $0x2  }
0x40: {  	s0 =	rddreg [dreg:$0x0];
	s2 =	stileid.u32  }
0x41: {  	s1 =	rddreg [dreg:$0x1];
	p0 =	sne.s32 s2, $0x0  }
0x42: {  	s3 =	rddreg [dreg:$0x2];
	[bflag:$0x3] =	sbarrier.arrive $0xFFFF;
	s2 =	simm.s32 @!p0 $0x1C01  }
0x43: {  	[timem:s3], [sflag:s2] =	dma.local @!p0 [hbm:s0], s1  }
0x44: {  	s0 =	simm.s32 @!p0 $0x1  }
0x45: {  	_ =	swait.ge @!p0 [sflag:s0], s1  }
0x46: {  	s1 =	ssub.s32 @!p0 $0x0, s1;
	[sflag:s0] =	ssyncset.done @!p0 $0x0  }
0x47: {  	[sflag:s0] =	ssyncadd.s32 @!p0 s1  }
0x48: {  	[bflag:$0x3] =	sbarrier.arrive $0xFFFF  }
0x49: {  	_ =	shalt  }

</sc_bundles>
